<compile_context>
chip_gen: v7x
topology: tpu7x:2x2x1
jax: 0.10.2.dev20260603
libtpu: 0.0.44.dev20260713+nightly
codegen_flags: <defaults>
</compile_context>

<pallas_src>
import functools

import jax
import jax.numpy as jnp
from jax import lax
from jax.experimental import pallas as pl
from jax.experimental.pallas import tpu as pltpu
from jax.experimental.pallas import tpu_sc as plsc

N = 10000
E = 320000
D = 128
HID = 256

NC, NS = 2, 16
NW = NC * NS
CHUNK = 128
NBLK = 8
NP = 10240
RPS = NP // NS
NCHUNK = 80
NBLOCKS = NCHUNK // NBLK
EP = NW * NCHUNK * CHUNK

BM = 1024


def _sc_mesh():
    return plsc.VectorSubcoreMesh(core_axis_name="c", subcore_axis_name="s")


@functools.partial(
    pl.kernel,
    out_type=jax.ShapeDtypeStruct((NC * NP, D), jnp.float32),
    mesh=_sc_mesh(),
    scratch_types=[
        pltpu.VMEM((NCHUNK, CHUNK), jnp.int32),
        pltpu.VMEM((CHUNK, D), jnp.float32),
        pltpu.VMEM_SHARED((NP, D), jnp.float32),
    ],
)
def _sc_degree(dst_hbm, out_hbm, dstv, ones_v, cnt_sh):
    cid = lax.axis_index("c")
    sid = lax.axis_index("s")
    wid = sid * NC + cid

    @pl.loop(0, CHUNK)
    def _(i):
        for g in range(D // 16):
            ones_v[i, pl.ds(g * 16, 16)] = jnp.zeros((16,), jnp.float32)

    @pl.loop(0, RPS // CHUNK)
    def _(i):
        pltpu.sync_copy(ones_v, cnt_sh.at[pl.ds(sid * RPS + i * CHUNK, CHUNK)])

    @pl.loop(0, CHUNK)
    def _(i):
        for g in range(D // 16):
            ones_v[i, pl.ds(g * 16, 16)] = jnp.ones((16,), jnp.float32)

    pltpu.sync_copy(dst_hbm.at[wid], dstv)
    plsc.subcore_barrier()

    @pl.loop(0, NCHUNK)
    def _(j):
        pltpu.sync_copy(ones_v, cnt_sh.at[dstv.at[j]], add=True)

    plsc.subcore_barrier()
    pltpu.sync_copy(
        cnt_sh.at[pl.ds(sid * RPS, RPS)],
        out_hbm.at[pl.ds(cid * NP + sid * RPS, RPS)],
    )


CH = 64
NRING = 3
NMACRO = 53
NCH = NRING * NMACRO
EPA = NW * NCH * CH


@functools.partial(
    pl.kernel,
    out_type=jax.ShapeDtypeStruct((NC * NP, D), jnp.float32),
    mesh=_sc_mesh(),
    scratch_types=[
        pltpu.VMEM((NCH, CH), jnp.int32),
        pltpu.VMEM((NRING, CH), jnp.int32),
        pltpu.VMEM((NRING, CH), jnp.int32),
        [pltpu.VMEM((CH, D), jnp.float32) for _ in range(NRING)],
        pltpu.VMEM_SHARED((NP, D), jnp.float32),
        [pltpu.SemaphoreType.DMA for _ in range(NRING)],
        [pltpu.SemaphoreType.DMA for _ in range(NRING)],
    ],
)
def _sc_aggregate(y_hbm, pk_hbm, out_hbm,
                  pkv, sidx, didx, bufs, acc_sh, ssem, gsem):
    cid = lax.axis_index("c")
    sid = lax.axis_index("s")
    wid = sid * NC + (1 - cid)

    @pl.loop(0, CH)
    def _(i):
        for g in range(D // 16):
            bufs[0][i, pl.ds(g * 16, 16)] = jnp.zeros((16,), jnp.float32)

    @pl.loop(0, RPS // CH)
    def _(i):
        pltpu.sync_copy(bufs[0], acc_sh.at[pl.ds(sid * RPS + i * CH, CH)])

    pltpu.sync_copy(pk_hbm.at[wid], pkv)
    plsc.subcore_barrier()

    def _unpack(c, b):
        for g in range(CH // 16):
            v = pkv[c, pl.ds(g * 16, 16)]
            sidx[b, pl.ds(g * 16, 16)] = lax.shift_right_logical(v, 16)
            didx[b, pl.ds(g * 16, 16)] = lax.bitwise_and(v, 0xFFFF)

    def _gather(c_slot_b, b):
        del c_slot_b
        return pltpu.async_copy(y_hbm.at[sidx.at[b]], bufs[b], gsem[b])

    def _scatter(b):
        return pltpu.async_copy(bufs[b], acc_sh.at[didx.at[b]], ssem[b],
                                add=True)

    def _gwait(b):
        pltpu.make_async_copy(y_hbm.at[sidx.at[b]], bufs[b], gsem[b]).wait()

    def _swait(b):
        pltpu.make_async_copy(bufs[b], acc_sh.at[didx.at[b]], ssem[b]).wait()

    for b in range(NRING):
        _unpack(b, b)
        _gather(b, b)

    @pl.loop(0, NMACRO - 1)
    def _(k):
        c0 = k * NRING
        for b in range(NRING):
            _gwait(b)
            _scatter(b)
        for b in range(NRING):
            _swait(b)
            _unpack(c0 + NRING + b, b)
            _gather(c0 + NRING + b, b)

    for b in range(NRING):
        _gwait(b)
        _scatter(b)
    for b in range(NRING):
        _swait(b)

    plsc.subcore_barrier()
    pltpu.sync_copy(
        acc_sh.at[pl.ds(sid * RPS, RPS)],
        out_hbm.at[pl.ds(cid * NP + sid * RPS, RPS)],
    )


def _tc1_body(cnt_ref, x_ref, dis_ref, y1_ref):
    c = cnt_ref[0] + cnt_ref[1]
    deg = c[:, 0:1] + 1.0
    dis = lax.rsqrt(deg)
    dis_b = jnp.broadcast_to(dis, (BM, D))
    dis_ref[...] = dis_b
    y1_ref[...] = x_ref[...] * dis_b


def _tc2_body(z_ref, y_ref, dis_ref, w1_ref, b1_ref, w2_ref, y2_ref):
    agg = (z_ref[0] + z_ref[1] + y_ref[...]) * dis_ref[...]
    h = jnp.dot(agg, w1_ref[...], preferred_element_type=jnp.float32)
    h = jnp.maximum(h + b1_ref[...], 0.0)
    y2_ref[...] = jnp.dot(h * dis_ref[:, 0:1], w2_ref[...],
                          preferred_element_type=jnp.float32)


def _tc3_body(z_ref, y_ref, dis_ref, b2_ref, out_ref):
    o = (z_ref[0] + z_ref[1] + y_ref[...]) * dis_ref[...] + b2_ref[...]
    m = jnp.max(o, axis=1, keepdims=True)
    s = o - m
    lse = jnp.log(jnp.sum(jnp.exp(s), axis=1, keepdims=True))
    out_ref[...] = s - lse


def _row_spec(width):
    return pl.BlockSpec((BM, width), lambda i: (i, 0))


def _pair_spec(width):
    return pl.BlockSpec((2, BM, width), lambda i: (0, i, 0))


def _full_spec(shape):
    return pl.BlockSpec(shape, lambda i: (0,) * len(shape))


_GRID = NP // BM

_tc1 = pl.pallas_call(
    _tc1_body,
    grid=(_GRID,),
    in_specs=[_pair_spec(D), _row_spec(D)],
    out_specs=[_row_spec(D), _row_spec(D)],
    out_shape=[jax.ShapeDtypeStruct((NP, D), jnp.float32),
               jax.ShapeDtypeStruct((NP, D), jnp.float32)],
)

_tc2 = pl.pallas_call(
    _tc2_body,
    grid=(_GRID,),
    in_specs=[_pair_spec(D), _row_spec(D), _row_spec(D),
              _full_spec((D, HID)), _full_spec((1, HID)), _full_spec((HID, D))],
    out_specs=_row_spec(D),
    out_shape=jax.ShapeDtypeStruct((NP, D), jnp.float32),
)

_tc3 = pl.pallas_call(
    _tc3_body,
    grid=(_GRID,),
    in_specs=[_pair_spec(D), _row_spec(D), _row_spec(D), _full_spec((1, D))],
    out_specs=_row_spec(D),
    out_shape=jax.ShapeDtypeStruct((NP, D), jnp.float32),
)


def kernel(x, edge_index, W1, b1, W2, b2):
    src = edge_index[0].astype(jnp.int32)
    dst = edge_index[1].astype(jnp.int32)
    pad = jnp.full((EP - E,), NP - 1, dtype=jnp.int32)
    pad_a = jnp.full((EPA - E,), NP - 1, dtype=jnp.int32)
    dst3d = jnp.concatenate([dst, pad]).reshape(NW, NCHUNK, CHUNK)
    pk3d = ((jnp.concatenate([src, pad_a]) << 16)
            | jnp.concatenate([dst, pad_a])).reshape(NCH, NW, CH).swapaxes(0, 1)
    x_pad = jnp.concatenate(
        [x, jnp.zeros((NP - N, D), jnp.float32)], axis=0)

    cnt = _sc_degree(dst3d).reshape(NC, NP, D)
    dis, y1 = _tc1(cnt, x_pad)

    z1 = _sc_aggregate(y1, pk3d).reshape(NC, NP, D)
    y2 = _tc2(z1, y1, dis, W1, b1.reshape(1, HID), W2)

    z2 = _sc_aggregate(y2, pk3d).reshape(NC, NP, D)
    out = _tc3(z2, y2, dis, b2.reshape(1, D))
    return out[:N]

# --- scband reference (transcript-rebuilt; emitter-appended) ---
"""Pipeline reference for scband-gcn-9620726743399 (READ-ONLY COPY).

The authoritative reference and input builder live on the scoring server;
editing this copy changes nothing except your own understanding.
"""

import jax, jax.numpy as jnp
import numpy as np

N_NODES = 10000
N_EDGES = 320000
IN_CH = 128
OUT_CH = 128
HID = 2 * OUT_CH


def setup_inputs(seed: int = 0) -> dict:
    key = jax.random.key(seed)
    k1, k2, k3, k4, k5, k6 = jax.random.split(key, 6)
    x = jax.random.normal(k1, (N_NODES, IN_CH), dtype=jnp.float32)
    edge_index = jax.random.randint(k2, (2, N_EDGES), 0, N_NODES, dtype=jnp.int64)
    # Glorot-style init for GCNConv weights
    W1 = jax.random.normal(k3, (IN_CH, HID), dtype=jnp.float32) * (1.0 / np.sqrt(IN_CH))
    b1 = jnp.zeros((HID,), dtype=jnp.float32)
    W2 = jax.random.normal(k4, (HID, OUT_CH), dtype=jnp.float32) * (1.0 / np.sqrt(HID))
    b2 = jnp.zeros((OUT_CH,), dtype=jnp.float32)
    return {"x": x, "edge_index": edge_index, "W1": W1, "b1": b1, "W2": W2, "b2": b2}


def gcn_conv(x, edge_index, W, b):
    # Faithful GCNConv: add self-loops, symmetric D^{-1/2} (A+I) D^{-1/2} normalization
    N = x.shape[0]
    loop = jnp.arange(N, dtype=edge_index.dtype)
    src = jnp.concatenate([edge_index[0], loop])
    dst = jnp.concatenate([edge_index[1], loop])
    xw = x @ W
    ones = jnp.ones(src.shape[0], dtype=x.dtype)
    deg = jax.ops.segment_sum(ones, dst, num_segments=N)
    deg_inv_sqrt = jnp.where(deg > 0, deg ** -0.5, 0.0)
    norm = deg_inv_sqrt[src] * deg_inv_sqrt[dst]
    msgs = xw[src] * norm[:, None]
    out = jax.ops.segment_sum(msgs, dst, num_segments=N)
    return out + b


def reference(x, edge_index, W1, b1, W2, b2):
    h = jax.nn.relu(gcn_conv(x, edge_index, W1, b1))
    # dropout is identity in eval mode (training=False)
    h = gcn_conv(h, edge_index, W2, b2)
    return jax.nn.log_softmax(h, axis=1)

if __name__ == "__main__":
    import jax
    _d = setup_inputs()
    print(jax.jit(kernel)(*tuple(_d.values())))

</pallas_src>

<mosaic_0001>
#map = affine_map<(d0, d1) -> (0, 0)>
#map1 = affine_map<(d0, d1) -> (0, 0, 0)>
module attributes {stable_mosaic.version = 14 : i64} {
  func.func @_sc_aggregate(%arg0: i32, %arg1: i32, %arg2: memref<10240x128xf32, #tpu.memory_space<hbm>>, %arg3: memref<32x159x64xi32, #tpu.memory_space<hbm>>, %arg4: memref<20480x128xf32, #tpu.memory_space<hbm>>, %arg5: memref<159x64xi32, #tpu.memory_space<vmem>>, %arg6: memref<3x64xi32, #tpu.memory_space<vmem>>, %arg7: memref<3x64xi32, #tpu.memory_space<vmem>>, %arg8: memref<64x128xf32, #tpu.memory_space<vmem>>, %arg9: memref<64x128xf32, #tpu.memory_space<vmem>>, %arg10: memref<64x128xf32, #tpu.memory_space<vmem>>, %arg11: memref<10240x128xf32, #tpu.memory_space<vmem_shared>>, %arg12: memref<!tpu.dma_semaphore, #tpu.memory_space<semaphore_mem>>, %arg13: memref<!tpu.dma_semaphore, #tpu.memory_space<semaphore_mem>>, %arg14: memref<!tpu.dma_semaphore, #tpu.memory_space<semaphore_mem>>, %arg15: memref<!tpu.dma_semaphore, #tpu.memory_space<semaphore_mem>>, %arg16: memref<!tpu.dma_semaphore, #tpu.memory_space<semaphore_mem>>, %arg17: memref<!tpu.dma_semaphore, #tpu.memory_space<semaphore_mem>>) attributes {dimension_semantics = [#tpu.dimension_semantics<core_parallel>, #tpu.dimension_semantics<subcore_parallel>], iteration_bounds = array<i64: 2, 16>, scalar_prefetch = 0 : i64, scratch_operands = 13 : i64, tpu.core_type = #tpu.core_type<sc_vector_subcore>, window_params = [{transform_indices = #map}, {transform_indices = #map1}, {transform_indices = #map}]} {
    %mul3A = arith.constant 2 : i32
    %mul3A_0 = arith.muli %arg1, %mul3A : i32
    %sub3A = arith.constant 1 : i32
    %sub3A_1 = arith.subi %sub3A, %arg0 : i32
    %add3A = arith.addi %mul3A_0, %sub3A_1 : i32
    %scan3A = arith.constant 0 : i32
    %scan3A_2 = arith.constant 64 : i32
    %scan3A_3 = arith.addi %scan3A, %scan3A_2 : i32
    %scan3A_4 = arith.constant 1 : i32
    scf.for %scan3A_378 = %scan3A to %scan3A_3 step %scan3A_4  : i32 {
      %mul3A_379 = arith.constant 1 : i32
      %mul3A_380 = arith.muli %scan3A_378, %mul3A_379 : i32
      %add3A_381 = arith.constant 0 : i32
      %add3A_382 = arith.addi %add3A_381, %mul3A_380 : i32
      %broadcast_in_dim3A = arith.constant 0.000000e+00 : f32
      %broadcast_in_dim3A_383 = vector.broadcast %broadcast_in_dim3A : f32 to vector<16xf32>
      %swap3A_384 = arith.index_cast %add3A_382 : i32 to index
      %swap3A_385 = arith.constant 0 : index
      %swap3A_386 = tpu.vector_load %arg8[%swap3A_384, %swap3A_385] {strides = array<i32>} : memref<64x128xf32, #tpu.memory_space<vmem>>, vector<1x16xf32>,
      %swap3A_387 = vector.shape_cast %swap3A_386 : vector<1x16xf32> to vector<16xf32>
      %swap3A_388 = vector.shape_cast %broadcast_in_dim3A_383 : vector<16xf32> to vector<1x16xf32>
      tpu.vector_store %arg8[%swap3A_384, %swap3A_385], %swap3A_388 {strides = array<i32>} : memref<64x128xf32, #tpu.memory_space<vmem>>, vector<1x16xf32>,
      %broadcast_in_dim3A_389 = arith.constant 0.000000e+00 : f32
      %broadcast_in_dim3A_390 = vector.broadcast %broadcast_in_dim3A_389 : f32 to vector<16xf32>
      %swap3A_391 = arith.index_cast %add3A_382 : i32 to index
      %swap3A_392 = arith.constant 16 : index
      %swap3A_393 = tpu.vector_load %arg8[%swap3A_391, %swap3A_392] {strides = array<i32>} : memref<64x128xf32, #tpu.memory_space<vmem>>, vector<1x16xf32>,
      %swap3A_394 = vector.shape_cast %swap3A_393 : vector<1x16xf32> to vector<16xf32>
      %swap3A_395 = vector.shape_cast %broadcast_in_dim3A_390 : vector<16xf32> to vector<1x16xf32>
      tpu.vector_store %arg8[%swap3A_391, %swap3A_392], %swap3A_395 {strides = array<i32>} : memref<64x128xf32, #tpu.memory_space<vmem>>, vector<1x16xf32>,
      %broadcast_in_dim3A_396 = arith.constant 0.000000e+00 : f32
      %broadcast_in_dim3A_397 = vector.broadcast %broadcast_in_dim3A_396 : f32 to vector<16xf32>
      %swap3A_398 = arith.index_cast %add3A_382 : i32 to index
      %swap3A_399 = arith.constant 32 : index
      %swap3A_400 = tpu.vector_load %arg8[%swap3A_398, %swap3A_399] {strides = array<i32>} : memref<64x128xf32, #tpu.memory_space<vmem>>, vector<1x16xf32>,
      %swap3A_401 = vector.shape_cast %swap3A_400 : vector<1x16xf32> to vector<16xf32>
      %swap3A_402 = vector.shape_cast %broadcast_in_dim3A_397 : vector<16xf32> to vector<1x16xf32>
      tpu.vector_store %arg8[%swap3A_398, %swap3A_399], %swap3A_402 {strides = array<i32>} : memref<64x128xf32, #tpu.memory_space<vmem>>, vector<1x16xf32>,
      %broadcast_in_dim3A_403 = arith.constant 0.000000e+00 : f32
      %broadcast_in_dim3A_404 = vector.broadcast %broadcast_in_dim3A_403 : f32 to vector<16xf32>
      %swap3A_405 = arith.index_cast %add3A_382 : i32 to index
      %swap3A_406 = arith.constant 48 : index
      %swap3A_407 = tpu.vector_load %arg8[%swap3A_405, %swap3A_406] {strides = array<i32>} : memref<64x128xf32, #tpu.memory_space<vmem>>, vector<1x16xf32>,
      %swap3A_408 = vector.shape_cast %swap3A_407 : vector<1x16xf32> to vector<16xf32>
      %swap3A_409 = vector.shape_cast %broadcast_in_dim3A_404 : vector<16xf32> to vector<1x16xf32>
      tpu.vector_store %arg8[%swap3A_405, %swap3A_406], %swap3A_409 {strides = array<i32>} : memref<64x128xf32, #tpu.memory_space<vmem>>, vector<1x16xf32>,
      %broadcast_in_dim3A_410 = arith.constant 0.000000e+00 : f32
      %broadcast_in_dim3A_411 = vector.broadcast %broadcast_in_dim3A_410 : f32 to vector<16xf32>
      %swap3A_412 = arith.index_cast %add3A_382 : i32 to index
      %swap3A_413 = arith.constant 64 : index
      %swap3A_414 = tpu.vector_load %arg8[%swap3A_412, %swap3A_413] {strides = array<i32>} : memref<64x128xf32, #tpu.memory_space<vmem>>, vector<1x16xf32>,
      %swap3A_415 = vector.shape_cast %swap3A_414 : vector<1x16xf32> to vector<16xf32>
      %swap3A_416 = vector.shape_cast %broadcast_in_dim3A_411 : vector<16xf32> to vector<1x16xf32>
      tpu.vector_store %arg8[%swap3A_412, %swap3A_413], %swap3A_416 {strides = array<i32>} : memref<64x128xf32, #tpu.memory_space<vmem>>, vector<1x16xf32>,
      %broadcast_in_dim3A_417 = arith.constant 0.000000e+00 : f32
      %broadcast_in_dim3A_418 = vector.broadcast %broadcast_in_dim3A_417 : f32 to vector<16xf32>
      %swap3A_419 = arith.index_cast %add3A_382 : i32 to index
      %swap3A_420 = arith.constant 80 : index
      %swap3A_421 = tpu.vector_load %arg8[%swap3A_419, %swap3A_420] {strides = array<i32>} : memref<64x128xf32, #tpu.memory_space<vmem>>, vector<1x16xf32>,
      %swap3A_422 = vector.shape_cast %swap3A_421 : vector<1x16xf32> to vector<16xf32>
      %swap3A_423 = vector.shape_cast %broadcast_in_dim3A_418 : vector<16xf32> to vector<1x16xf32>
      tpu.vector_store %arg8[%swap3A_419, %swap3A_420], %swap3A_423 {strides = array<i32>} : memref<64x128xf32, #tpu.memory_space<vmem>>, vector<1x16xf32>,
      %broadcast_in_dim3A_424 = arith.constant 0.000000e+00 : f32
      %broadcast_in_dim3A_425 = vector.broadcast %broadcast_in_dim3A_424 : f32 to vector<16xf32>
      %swap3A_426 = arith.index_cast %add3A_382 : i32 to index
      %swap3A_427 = arith.constant 96 : index
      %swap3A_428 = tpu.vector_load %arg8[%swap3A_426, %swap3A_427] {strides = array<i32>} : memref<64x128xf32, #tpu.memory_space<vmem>>, vector<1x16xf32>,
      %swap3A_429 = vector.shape_cast %swap3A_428 : vector<1x16xf32> to vector<16xf32>
      %swap3A_430 = vector.shape_cast %broadcast_in_dim3A_425 : vector<16xf32> to vector<1x16xf32>
      tpu.vector_store %arg8[%swap3A_426, %swap3A_427], %swap3A_430 {strides = array<i32>} : memref<64x128xf32, #tpu.memory_space<vmem>>, vector<1x16xf32>,
      %broadcast_in_dim3A_431 = arith.constant 0.000000e+00 : f32
      %broadcast_in_dim3A_432 = vector.broadcast %broadcast_in_dim3A_431 : f32 to vector<16xf32>
      %swap3A_433 = arith.index_cast %add3A_382 : i32 to index
      %swap3A_434 = arith.constant 112 : index
      %swap3A_435 = tpu.vector_load %arg8[%swap3A_433, %swap3A_434] {strides = array<i32>} : memref<64x128xf32, #tpu.memory_space<vmem>>, vector<1x16xf32>,
      %swap3A_436 = vector.shape_cast %swap3A_435 : vector<1x16xf32> to vector<16xf32>
      %swap3A_437 = vector.shape_cast %broadcast_in_dim3A_432 : vector<16xf32> to vector<1x16xf32>
      tpu.vector_store %arg8[%swap3A_433, %swap3A_434], %swap3A_437 {strides = array<i32>} : memref<64x128xf32, #tpu.memory_space<vmem>>, vector<1x16xf32>,
    }
    %scan3A_5 = arith.constant 64 : i32
    %scan3A_6 = arith.constant 0 : i32
    %scan3A_7 = arith.constant 10 : i32
    %scan3A_8 = arith.addi %scan3A_6, %scan3A_7 : i32
    %scan3A_9 = arith.constant 1 : i32
    scf.for %scan3A_378 = %scan3A_6 to %scan3A_8 step %scan3A_9  : i32 {
      %mul3A_379 = arith.constant 1 : i32
      %mul3A_380 = arith.muli %scan3A_378, %mul3A_379 : i32
      %add3A_381 = arith.constant 0 : i32
      %add3A_382 = arith.addi %add3A_381, %mul3A_380 : i32
      %mul3A_383 = arith.constant 640 : i32
      %mul3A_384 = arith.muli %arg1, %mul3A_383 : i32
      %mul3A_385 = arith.constant 64 : i32
      %mul3A_386 = arith.muli %add3A_382, %mul3A_385 : i32
      %add3A_387 = arith.addi %mul3A_384, %mul3A_386 : i32
      "tpu.region"() ({
        %run_scoped3A = tpu.sem_alloc : memref<!tpu.dma_semaphore, #tpu.memory_space<semaphore_mem>>
        %dma_start3A_388 = arith.constant 0 : i32
        %dma_start3A_389 = tpu.memref_slice %arg11[%add3A_387, %dma_start3A_388] : memref<10240x128xf32, #tpu.memory_space<vmem_shared>> -> memref<64x128xf32, #tpu.memory_space<vmem_shared>>
        %dma_start3A_390 = arith.constant 0 : i32
        %dma_start3A_391 = tpu.memref_slice %arg11[%add3A_387, %dma_start3A_390] : memref<10240x128xf32, #tpu.memory_space<vmem_shared>> -> memref<64x128xf32, #tpu.memory_space<vmem_shared>>
        tpu.enqueue_dma source(%arg8 : memref<64x128xf32, #tpu.memory_space<vmem>>) target(%dma_start3A_391 : memref<64x128xf32, #tpu.memory_space<vmem_shared>>) target_semaphore(%run_scoped3A : memref<!tpu.dma_semaphore, #tpu.memory_space<semaphore_mem>>)
        %dma_wait3A_392 = arith.constant 0 : i32
        %dma_wait3A_393 = tpu.memref_slice %arg11[%add3A_387, %dma_wait3A_392] : memref<10240x128xf32, #tpu.memory_space<vmem_shared>> -> memref<64x128xf32, #tpu.memory_space<vmem_shared>>
        %dma_wait3A_394 = arith.constant 0 : i32
        %dma_wait3A_395 = tpu.memref_slice %arg11[%add3A_387, %dma_wait3A_394] : memref<10240x128xf32, #tpu.memory_space<vmem_shared>> -> memref<64x128xf32, #tpu.memory_space<vmem_shared>>
        tpu.wait_dma2 semaphore(%run_scoped3A : memref<!tpu.dma_semaphore, #tpu.memory_space<semaphore_mem>>) src(%arg8 : memref<64x128xf32, #tpu.memory_space<vmem>>) dst(%dma_wait3A_395 : memref<64x128xf32, #tpu.memory_space<vmem_shared>>)
        tpu.yield
      }) : () -> ()
    }
    %scan3A_10 = arith.constant 10 : i32
    "tpu.region"() ({
      %run_scoped3A = tpu.sem_alloc : memref<!tpu.dma_semaphore, #tpu.memory_space<semaphore_mem>>
      %dma_start3A_378 = arith.constant 0 : i32
      %dma_start3A_379 = arith.constant 0 : i32
      %dma_start3A_380 = tpu.memref_slice %arg3[%add3A, %dma_start3A_378, %dma_start3A_379] : memref<32x159x64xi32, #tpu.memory_space<hbm>> -> memref<1x159x64xi32, #tpu.memory_space<hbm>>
      %dma_start3A_381 = tpu.memref_squeeze %dma_start3A_380 : memref<1x159x64xi32, #tpu.memory_space<hbm>> -> memref<159x64xi32, #tpu.memory_space<hbm>>
      %dma_start3A_382 = arith.constant 0 : i32
      %dma_start3A_383 = arith.constant 0 : i32
      %dma_start3A_384 = tpu.memref_slice %arg3[%add3A, %dma_start3A_382, %dma_start3A_383] : memref<32x159x64xi32, #tpu.memory_space<hbm>> -> memref<1x159x64xi32, #tpu.memory_space<hbm>>
      %dma_start3A_385 = tpu.memref_squeeze %dma_start3A_384 : memref<1x159x64xi32, #tpu.memory_space<hbm>> -> memref<159x64xi32, #tpu.memory_space<hbm>>
      tpu.enqueue_dma source(%dma_start3A_385 : memref<159x64xi32, #tpu.memory_space<hbm>>) target(%arg5 : memref<159x64xi32, #tpu.memory_space<vmem>>) target_semaphore(%run_scoped3A : memref<!tpu.dma_semaphore, #tpu.memory_space<semaphore_mem>>)
      %dma_wait3A_386 = arith.constant 0 : i32
      %dma_wait3A_387 = arith.constant 0 : i32
      %dma_wait3A_388 = tpu.memref_slice %arg3[%add3A, %dma_wait3A_386, %dma_wait3A_387] : memref<32x159x64xi32, #tpu.memory_space<hbm>> -> memref<1x159x64xi32, #tpu.memory_space<hbm>>
      %dma_wait3A_389 = tpu.memref_squeeze %dma_wait3A_388 : memref<1x159x64xi32, #tpu.memory_space<hbm>> -> memref<159x64xi32, #tpu.memory_space<hbm>>
      %dma_wait3A_390 = arith.constant 0 : i32
      %dma_wait3A_391 = arith.constant 0 : i32
      %dma_wait3A_392 = tpu.memref_slice %arg3[%add3A, %dma_wait3A_390, %dma_wait3A_391] : memref<32x159x64xi32, #tpu.memory_space<hbm>> -> memref<1x159x64xi32, #tpu.memory_space<hbm>>
      %dma_wait3A_393 = tpu.memref_squeeze %dma_wait3A_392 : memref<1x159x64xi32, #tpu.memory_space<hbm>> -> memref<159x64xi32, #tpu.memory_space<hbm>>
      tpu.wait_dma2 semaphore(%run_scoped3A : memref<!tpu.dma_semaphore, #tpu.memory_space<semaphore_mem>>) src(%dma_wait3A_393 : memref<159x64xi32, #tpu.memory_space<hbm>>) dst(%arg5 : memref<159x64xi32, #tpu.memory_space<vmem>>)
      tpu.yield
    }) : () -> ()
    %barrier3A = arith.constant 0 : index
    tpu.barrier barrier_id(%barrier3A)
    %get3A = arith.constant 0 : i32
    %get3A_11 = arith.index_cast %get3A : i32 to index
    %get3A_12 = arith.constant 0 : index
    %get3A_13 = tpu.vector_load %arg5[%get3A_11, %get3A_12] {strides = array<i32>} : memref<159x64xi32, #tpu.memory_space<vmem>>, vector<1x16xi32>,
    %get3A_14 = vector.shape_cast %get3A_13 : vector<1x16xi32> to vector<16xi32>
    %shift_right_logical3A = arith.constant 16 : i32
    %shift_right_logical3A_15 = vector.broadcast %shift_right_logical3A : i32 to vector<16xi32>
    %shift_right_logical3A_16 = arith.shrui %get3A_14, %shift_right_logical3A_15 : vector<16xi32>
    %swap3A = arith.constant 0 : i32
    %swap3A_17 = arith.index_cast %swap3A : i32 to index
    %swap3A_18 = arith.constant 0 : index
    %swap3A_19 = tpu.vector_load %arg6[%swap3A_17, %swap3A_18] {strides = array<i32>} : memref<3x64xi32, #tpu.memory_space<vmem>>, vector<1x16xi32>,
    %swap3A_20 = vector.shape_cast %swap3A_19 : vector<1x16xi32> to vector<16xi32>
    %swap3A_21 = vector.shape_cast %shift_right_logical3A_16 : vector<16xi32> to vector<1x16xi32>
    tpu.vector_store %arg6[%swap3A_17, %swap3A_18], %swap3A_21 {strides = array<i32>} : memref<3x64xi32, #tpu.memory_space<vmem>>, vector<1x16xi32>,
    %and3A = arith.constant 65535 : i32
    %and3A_22 = vector.broadcast %and3A : i32 to vector<16xi32>
    %and3A_23 = arith.andi %get3A_14, %and3A_22 : vector<16xi32>
    %swap3A_24 = arith.constant 0 : i32
    %swap3A_25 = arith.index_cast %swap3A_24 : i32 to index
    %swap3A_26 = arith.constant 0 : index
    %swap3A_27 = tpu.vector_load %arg7[%swap3A_25, %swap3A_26] {strides = array<i32>} : memref<3x64xi32, #tpu.memory_space<vmem>>, vector<1x16xi32>,
    %swap3A_28 = vector.shape_cast %swap3A_27 : vector<1x16xi32> to vector<16xi32>
    %swap3A_29 = vector.shape_cast %and3A_23 : vector<16xi32> to vector<1x16xi32>
    tpu.vector_store %arg7[%swap3A_25, %swap3A_26], %swap3A_29 {strides = array<i32>} : memref<3x64xi32, #tpu.memory_space<vmem>>, vector<1x16xi32>,
    %get3A_30 = arith.constant 0 : i32
    %get3A_31 = arith.index_cast %get3A_30 : i32 to index
    %get3A_32 = arith.constant 16 : index
    %get3A_33 = tpu.vector_load %arg5[%get3A_31, %get3A_32] {strides = array<i32>} : memref<159x64xi32, #tpu.memory_space<vmem>>, vector<1x16xi32>,
    %get3A_34 = vector.shape_cast %get3A_33 : vector<1x16xi32> to vector<16xi32>
    %shift_right_logical3A_35 = arith.constant 16 : i32
    %shift_right_logical3A_36 = vector.broadcast %shift_right_logical3A_35 : i32 to vector<16xi32>
    %shift_right_logical3A_37 = arith.shrui %get3A_34, %shift_right_logical3A_36 : vector<16xi32>
    %swap3A_38 = arith.constant 0 : i32
    %swap3A_39 = arith.index_cast %swap3A_38 : i32 to index
    %swap3A_40 = arith.constant 16 : index
    %swap3A_41 = tpu.vector_load %arg6[%swap3A_39, %swap3A_40] {strides = array<i32>} : memref<3x64xi32, #tpu.memory_space<vmem>>, vector<1x16xi32>,
    %swap3A_42 = vector.shape_cast %swap3A_41 : vector<1x16xi32> to vector<16xi32>
    %swap3A_43 = vector.shape_cast %shift_right_logical3A_37 : vector<16xi32> to vector<1x16xi32>
    tpu.vector_store %arg6[%swap3A_39, %swap3A_40], %swap3A_43 {strides = array<i32>} : memref<3x64xi32, #tpu.memory_space<vmem>>, vector<1x16xi32>,
    %and3A_44 = arith.constant 65535 : i32
    %and3A_45 = vector.broadcast %and3A_44 : i32 to vector<16xi32>
    %and3A_46 = arith.andi %get3A_34, %and3A_45 : vector<16xi32>
    %swap3A_47 = arith.constant 0 : i32
    %swap3A_48 = arith.index_cast %swap3A_47 : i32 to index
    %swap3A_49 = arith.constant 16 : index
    %swap3A_50 = tpu.vector_load %arg7[%swap3A_48, %swap3A_49] {strides = array<i32>} : memref<3x64xi32, #tpu.memory_space<vmem>>, vector<1x16xi32>,
    %swap3A_51 = vector.shape_cast %swap3A_50 : vector<1x16xi32> to vector<16xi32>
    %swap3A_52 = vector.shape_cast %and3A_46 : vector<16xi32> to vector<1x16xi32>
    tpu.vector_store %arg7[%swap3A_48, %swap3A_49], %swap3A_52 {strides = array<i32>} : memref<3x64xi32, #tpu.memory_space<vmem>>, vector<1x16xi32>,
    %get3A_53 = arith.constant 0 : i32
    %get3A_54 = arith.index_cast %get3A_53 : i32 to index
    %get3A_55 = arith.constant 32 : index
    %get3A_56 = tpu.vector_load %arg5[%get3A_54, %get3A_55] {strides = array<i32>} : memref<159x64xi32, #tpu.memory_space<vmem>>, vector<1x16xi32>,
    %get3A_57 = vector.shape_cast %get3A_56 : vector<1x16xi32> to vector<16xi32>
    %shift_right_logical3A_58 = arith.constant 16 : i32
    %shift_right_logical3A_59 = vector.broadcast %shift_right_logical3A_58 : i32 to vector<16xi32>
    %shift_right_logical3A_60 = arith.shrui %get3A_57, %shift_right_logical3A_59 : vector<16xi32>
    %swap3A_61 = arith.constant 0 : i32
    %swap3A_62 = arith.index_cast %swap3A_61 : i32 to index
    %swap3A_63 = arith.constant 32 : index
    %swap3A_64 = tpu.vector_load %arg6[%swap3A_62, %swap3A_63] {strides = array<i32>} : memref<3x64xi32, #tpu.memory_space<vmem>>, vector<1x16xi32>,
    %swap3A_65 = vector.shape_cast %swap3A_64 : vector<1x16xi32> to vector<16xi32>
    %swap3A_66 = vector.shape_cast %shift_right_logical3A_60 : vector<16xi32> to vector<1x16xi32>
    tpu.vector_store %arg6[%swap3A_62, %swap3A_63], %swap3A_66 {strides = array<i32>} : memref<3x64xi32, #tpu.memory_space<vmem>>, vector<1x16xi32>,
    %and3A_67 = arith.constant 65535 : i32
    %and3A_68 = vector.broadcast %and3A_67 : i32 to vector<16xi32>
    %and3A_69 = arith.andi %get3A_57, %and3A_68 : vector<16xi32>
    %swap3A_70 = arith.constant 0 : i32
    %swap3A_71 = arith.index_cast %swap3A_70 : i32 to index
    %swap3A_72 = arith.constant 32 : index
    %swap3A_73 = tpu.vector_load %arg7[%swap3A_71, %swap3A_72] {strides = array<i32>} : memref<3x64xi32, #tpu.memory_space<vmem>>, vector<1x16xi32>,
    %swap3A_74 = vector.shape_cast %swap3A_73 : vector<1x16xi32> to vector<16xi32>
    %swap3A_75 = vector.shape_cast %and3A_69 : vector<16xi32> to vector<1x16xi32>
    tpu.vector_store %arg7[%swap3A_71, %swap3A_72], %swap3A_75 {strides = array<i32>} : memref<3x64xi32, #tpu.memory_space<vmem>>, vector<1x16xi32>,
    %get3A_76 = arith.constant 0 : i32
    %get3A_77 = arith.index_cast %get3A_76 : i32 to index
    %get3A_78 = arith.constant 48 : index
    %get3A_79 = tpu.vector_load %arg5[%get3A_77, %get3A_78] {strides = array<i32>} : memref<159x64xi32, #tpu.memory_space<vmem>>, vector<1x16xi32>,
    %get3A_80 = vector.shape_cast %get3A_79 : vector<1x16xi32> to vector<16xi32>
    %shift_right_logical3A_81 = arith.constant 16 : i32
    %shift_right_logical3A_82 = vector.broadcast %shift_right_logical3A_81 : i32 to vector<16xi32>
    %shift_right_logical3A_83 = arith.shrui %get3A_80, %shift_right_logical3A_82 : vector<16xi32>
    %swap3A_84 = arith.constant 0 : i32
    %swap3A_85 = arith.index_cast %swap3A_84 : i32 to index
    %swap3A_86 = arith.constant 48 : index
    %swap3A_87 = tpu.vector_load %arg6[%swap3A_85, %swap3A_86] {strides = array<i32>} : memref<3x64xi32, #tpu.memory_space<vmem>>, vector<1x16xi32>,
    %swap3A_88 = vector.shape_cast %swap3A_87 : vector<1x16xi32> to vector<16xi32>
    %swap3A_89 = vector.shape_cast %shift_right_logical3A_83 : vector<16xi32> to vector<1x16xi32>
    tpu.vector_store %arg6[%swap3A_85, %swap3A_86], %swap3A_89 {strides = array<i32>} : memref<3x64xi32, #tpu.memory_space<vmem>>, vector<1x16xi32>,
    %and3A_90 = arith.constant 65535 : i32
    %and3A_91 = vector.broadcast %and3A_90 : i32 to vector<16xi32>
    %and3A_92 = arith.andi %get3A_80, %and3A_91 : vector<16xi32>
    %swap3A_93 = arith.constant 0 : i32
    %swap3A_94 = arith.index_cast %swap3A_93 : i32 to index
    %swap3A_95 = arith.constant 48 : index
    %swap3A_96 = tpu.vector_load %arg7[%swap3A_94, %swap3A_95] {strides = array<i32>} : memref<3x64xi32, #tpu.memory_space<vmem>>, vector<1x16xi32>,
    %swap3A_97 = vector.shape_cast %swap3A_96 : vector<1x16xi32> to vector<16xi32>
    %swap3A_98 = vector.shape_cast %and3A_92 : vector<16xi32> to vector<1x16xi32>
    tpu.vector_store %arg7[%swap3A_94, %swap3A_95], %swap3A_98 {strides = array<i32>} : memref<3x64xi32, #tpu.memory_space<vmem>>, vector<1x16xi32>,
    %dma_start3A = arith.constant 0 : i32
    %dma_start3A_99 = arith.constant 0 : i32
    %dma_start3A_100 = tpu.memref_slice %arg6[%dma_start3A, %dma_start3A_99] : memref<3x64xi32, #tpu.memory_space<vmem>> -> memref<1x64xi32, #tpu.memory_space<vmem>>
    %dma_start3A_101 = tpu.memref_squeeze %dma_start3A_100 : memref<1x64xi32, #tpu.memory_space<vmem>> -> memref<64xi32, #tpu.memory_space<vmem>>
    %dma_start3A_102 = arith.constant 0 : i32
    %dma_start3A_103 = arith.constant 0 : i32
    %dma_start3A_104 = tpu.memref_slice %arg2[%dma_start3A_102, %dma_start3A_103] : memref<10240x128xf32, #tpu.memory_space<hbm>> -> memref<10240x128xf32, #tpu.memory_space<hbm>>
    tpu.enqueue_indirect_dma source(%dma_start3A_104 : memref<10240x128xf32, #tpu.memory_space<hbm>>) target(%arg8 : memref<64x128xf32, #tpu.memory_space<vmem>>) offsets(%dma_start3A_101 : memref<64xi32, #tpu.memory_space<vmem>>) semaphore(%arg15 : memref<!tpu.dma_semaphore, #tpu.memory_space<semaphore_mem>>)
    %get3A_105 = arith.constant 1 : i32
    %get3A_106 = arith.index_cast %get3A_105 : i32 to index
    %get3A_107 = arith.constant 0 : index
    %get3A_108 = tpu.vector_load %arg5[%get3A_106, %get3A_107] {strides = array<i32>} : memref<159x64xi32, #tpu.memory_space<vmem>>, vector<1x16xi32>,
    %get3A_109 = vector.shape_cast %get3A_108 : vector<1x16xi32> to vector<16xi32>
    %shift_right_logical3A_110 = arith.constant 16 : i32
    %shift_right_logical3A_111 = vector.broadcast %shift_right_logical3A_110 : i32 to vector<16xi32>
    %shift_right_logical3A_112 = arith.shrui %get3A_109, %shift_right_logical3A_111 : vector<16xi32>
    %swap3A_113 = arith.constant 1 : i32
    %swap3A_114 = arith.index_cast %swap3A_113 : i32 to index
    %swap3A_115 = arith.constant 0 : index
    %swap3A_116 = tpu.vector_load %arg6[%swap3A_114, %swap3A_115] {strides = array<i32>} : memref<3x64xi32, #tpu.memory_space<vmem>>, vector<1x16xi32>,
    %swap3A_117 = vector.shape_cast %swap3A_116 : vector<1x16xi32> to vector<16xi32>
    %swap3A_118 = vector.shape_cast %shift_right_logical3A_112 : vector<16xi32> to vector<1x16xi32>
    tpu.vector_store %arg6[%swap3A_114, %swap3A_115], %swap3A_118 {strides = array<i32>} : memref<3x64xi32, #tpu.memory_space<vmem>>, vector<1x16xi32>,
    %and3A_119 = arith.constant 65535 : i32
    %and3A_120 = vector.broadcast %and3A_119 : i32 to vector<16xi32>
    %and3A_121 = arith.andi %get3A_109, %and3A_120 : vector<16xi32>
    %swap3A_122 = arith.constant 1 : i32
    %swap3A_123 = arith.index_cast %swap3A_122 : i32 to index
    %swap3A_124 = arith.constant 0 : index
    %swap3A_125 = tpu.vector_load %arg7[%swap3A_123, %swap3A_124] {strides = array<i32>} : memref<3x64xi32, #tpu.memory_space<vmem>>, vector<1x16xi32>,
    %swap3A_126 = vector.shape_cast %swap3A_125 : vector<1x16xi32> to vector<16xi32>
    %swap3A_127 = vector.shape_cast %and3A_121 : vector<16xi32> to vector<1x16xi32>
    tpu.vector_store %arg7[%swap3A_123, %swap3A_124], %swap3A_127 {strides = array<i32>} : memref<3x64xi32, #tpu.memory_space<vmem>>, vector<1x16xi32>,
    %get3A_128 = arith.constant 1 : i32
    %get3A_129 = arith.index_cast %get3A_128 : i32 to index
    %get3A_130 = arith.constant 16 : index
    %get3A_131 = tpu.vector_load %arg5[%get3A_129, %get3A_130] {strides = array<i32>} : memref<159x64xi32, #tpu.memory_space<vmem>>, vector<1x16xi32>,
    %get3A_132 = vector.shape_cast %get3A_131 : vector<1x16xi32> to vector<16xi32>
    %shift_right_logical3A_133 = arith.constant 16 : i32
    %shift_right_logical3A_134 = vector.broadcast %shift_right_logical3A_133 : i32 to vector<16xi32>
    %shift_right_logical3A_135 = arith.shrui %get3A_132, %shift_right_logical3A_134 : vector<16xi32>
    %swap3A_136 = arith.constant 1 : i32
    %swap3A_137 = arith.index_cast %swap3A_136 : i32 to index
    %swap3A_138 = arith.constant 16 : index
    %swap3A_139 = tpu.vector_load %arg6[%swap3A_137, %swap3A_138] {strides = array<i32>} : memref<3x64xi32, #tpu.memory_space<vmem>>, vector<1x16xi32>,
    %swap3A_140 = vector.shape_cast %swap3A_139 : vector<1x16xi32> to vector<16xi32>
    %swap3A_141 = vector.shape_cast %shift_right_logical3A_135 : vector<16xi32> to vector<1x16xi32>
    tpu.vector_store %arg6[%swap3A_137, %swap3A_138], %swap3A_141 {strides = array<i32>} : memref<3x64xi32, #tpu.memory_space<vmem>>, vector<1x16xi32>,
    %and3A_142 = arith.constant 65535 : i32
    %and3A_143 = vector.broadcast %and3A_142 : i32 to vector<16xi32>
    %and3A_144 = arith.andi %get3A_132, %and3A_143 : vector<16xi32>
    %swap3A_145 = arith.constant 1 : i32
    %swap3A_146 = arith.index_cast %swap3A_145 : i32 to index
    %swap3A_147 = arith.constant 16 : index
    %swap3A_148 = tpu.vector_load %arg7[%swap3A_146, %swap3A_147] {strides = array<i32>} : memref<3x64xi32, #tpu.memory_space<vmem>>, vector<1x16xi32>,
    %swap3A_149 = vector.shape_cast %swap3A_148 : vector<1x16xi32> to vector<16xi32>
    %swap3A_150 = vector.shape_cast %and3A_144 : vector<16xi32> to vector<1x16xi32>
    tpu.vector_store %arg7[%swap3A_146, %swap3A_147], %swap3A_150 {strides = array<i32>} : memref<3x64xi32, #tpu.memory_space<vmem>>, vector<1x16xi32>,
    %get3A_151 = arith.constant 1 : i32
    %get3A_152 = arith.index_cast %get3A_151 : i32 to index
    %get3A_153 = arith.constant 32 : index
    %get3A_154 = tpu.vector_load %arg5[%get3A_152, %get3A_153] {strides = array<i32>} : memref<159x64xi32, #tpu.memory_space<vmem>>, vector<1x16xi32>,
    %get3A_155 = vector.shape_cast %get3A_154 : vector<1x16xi32> to vector<16xi32>
    %shift_right_logical3A_156 = arith.constant 16 : i32
    %shift_right_logical3A_157 = vector.broadcast %shift_right_logical3A_156 : i32 to vector<16xi32>
    %shift_right_logical3A_158 = arith.shrui %get3A_155, %shift_right_logical3A_157 : vector<16xi32>
    %swap3A_159 = arith.constant 1 : i32
    %swap3A_160 = arith.index_cast %swap3A_159 : i32 to index
    %swap3A_161 = arith.constant 32 : index
    %swap3A_162 = tpu.vector_load %arg6[%swap3A_160, %swap3A_161] {strides = array<i32>} : memref<3x64xi32, #tpu.memory_space<vmem>>, vector<1x16xi32>,
    %swap3A_163 = vector.shape_cast %swap3A_162 : vector<1x16xi32> to vector<16xi32>
    %swap3A_164 = vector.shape_cast %shift_right_logical3A_158 : vector<16xi32> to vector<1x16xi32>
    tpu.vector_store %arg6[%swap3A_160, %swap3A_161], %swap3A_164 {strides = array<i32>} : memref<3x64xi32, #tpu.memory_space<vmem>>, vector<1x16xi32>,
    %and3A_165 = arith.constant 65535 : i32
    %and3A_166 = vector.broadcast %and3A_165 : i32 to vector<16xi32>
    %and3A_167 = arith.andi %get3A_155, %and3A_166 : vector<16xi32>
    %swap3A_168 = arith.constant 1 : i32
    %swap3A_169 = arith.index_cast %swap3A_168 : i32 to index
    %swap3A_170 = arith.constant 32 : index
    %swap3A_171 = tpu.vector_load %arg7[%swap3A_169, %swap3A_170] {strides = array<i32>} : memref<3x64xi32, #tpu.memory_space<vmem>>, vector<1x16xi32>,
    %swap3A_172 = vector.shape_cast %swap3A_171 : vector<1x16xi32> to vector<16xi32>
    %swap3A_173 = vector.shape_cast %and3A_167 : vector<16xi32> to vector<1x16xi32>
    tpu.vector_store %arg7[%swap3A_169, %swap3A_170], %swap3A_173 {strides = array<i32>} : memref<3x64xi32, #tpu.memory_space<vmem>>, vector<1x16xi32>,
    %get3A_174 = arith.constant 1 : i32
    %get3A_175 = arith.index_cast %get3A_174 : i32 to index
    %get3A_176 = arith.constant 48 : index
    %get3A_177 = tpu.vector_load %arg5[%get3A_175, %get3A_176] {strides = array<i32>} : memref<159x64xi32, #tpu.memory_space<vmem>>, vector<1x16xi32>,
    %get3A_178 = vector.shape_cast %get3A_177 : vector<1x16xi32> to vector<16xi32>
    %shift_right_logical3A_179 = arith.constant 16 : i32
    %shift_right_logical3A_180 = vector.broadcast %shift_right_logical3A_179 : i32 to vector<16xi32>
    %shift_right_logical3A_181 = arith.shrui %get3A_178, %shift_right_logical3A_180 : vector<16xi32>
    %swap3A_182 = arith.constant 1 : i32
    %swap3A_183 = arith.index_cast %swap3A_182 : i32 to index
    %swap3A_184 = arith.constant 48 : index
    %swap3A_185 = tpu.vector_load %arg6[%swap3A_183, %swap3A_184] {strides = array<i32>} : memref<3x64xi32, #tpu.memory_space<vmem>>, vector<1x16xi32>,
    %swap3A_186 = vector.shape_cast %swap3A_185 : vector<1x16xi32> to vector<16xi32>
    %swap3A_187 = vector.shape_cast %shift_right_logical3A_181 : vector<16xi32> to vector<1x16xi32>
    tpu.vector_store %arg6[%swap3A_183, %swap3A_184], %swap3A_187 {strides = array<i32>} : memref<3x64xi32, #tpu.memory_space<vmem>>, vector<1x16xi32>,
    %and3A_188 = arith.constant 65535 : i32
    %and3A_189 = vector.broadcast %and3A_188 : i32 to vector<16xi32>
    %and3A_190 = arith.andi %get3A_178, %and3A_189 : vector<16xi32>
    %swap3A_191 = arith.constant 1 : i32
    %swap3A_192 = arith.index_cast %swap3A_191 : i32 to index
    %swap3A_193 = arith.constant 48 : index
    %swap3A_194 = tpu.vector_load %arg7[%swap3A_192, %swap3A_193] {strides = array<i32>} : memref<3x64xi32, #tpu.memory_space<vmem>>, vector<1x16xi32>,
    %swap3A_195 = vector.shape_cast %swap3A_194 : vector<1x16xi32> to vector<16xi32>
    %swap3A_196 = vector.shape_cast %and3A_190 : vector<16xi32> to vector<1x16xi32>
    tpu.vector_store %arg7[%swap3A_192, %swap3A_193], %swap3A_196 {strides = array<i32>} : memref<3x64xi32, #tpu.memory_space<vmem>>, vector<1x16xi32>,
    %dma_start3A_197 = arith.constant 1 : i32
    %dma_start3A_198 = arith.constant 0 : i32
    %dma_start3A_199 = tpu.memref_slice %arg6[%dma_start3A_197, %dma_start3A_198] : memref<3x64xi32, #tpu.memory_space<vmem>> -> memref<1x64xi32, #tpu.memory_space<vmem>>
    %dma_start3A_200 = tpu.memref_squeeze %dma_start3A_199 : memref<1x64xi32, #tpu.memory_space<vmem>> -> memref<64xi32, #tpu.memory_space<vmem>>
    %dma_start3A_201 = arith.constant 0 : i32
    %dma_start3A_202 = arith.constant 0 : i32
    %dma_start3A_203 = tpu.memref_slice %arg2[%dma_start3A_201, %dma_start3A_202] : memref<10240x128xf32, #tpu.memory_space<hbm>> -> memref<10240x128xf32, #tpu.memory_space<hbm>>
    tpu.enqueue_indirect_dma source(%dma_start3A_203 : memref<10240x128xf32, #tpu.memory_space<hbm>>) target(%arg9 : memref<64x128xf32, #tpu.memory_space<vmem>>) offsets(%dma_start3A_200 : memref<64xi32, #tpu.memory_space<vmem>>) semaphore(%arg16 : memref<!tpu.dma_semaphore, #tpu.memory_space<semaphore_mem>>)
    %get3A_204 = arith.constant 2 : i32
    %get3A_205 = arith.index_cast %get3A_204 : i32 to index
    %get3A_206 = arith.constant 0 : index
    %get3A_207 = tpu.vector_load %arg5[%get3A_205, %get3A_206] {strides = array<i32>} : memref<159x64xi32, #tpu.memory_space<vmem>>, vector<1x16xi32>,
    %get3A_208 = vector.shape_cast %get3A_207 : vector<1x16xi32> to vector<16xi32>
    %shift_right_logical3A_209 = arith.constant 16 : i32
    %shift_right_logical3A_210 = vector.broadcast %shift_right_logical3A_209 : i32 to vector<16xi32>
    %shift_right_logical3A_211 = arith.shrui %get3A_208, %shift_right_logical3A_210 : vector<16xi32>
    %swap3A_212 = arith.constant 2 : i32
    %swap3A_213 = arith.index_cast %swap3A_212 : i32 to index
    %swap3A_214 = arith.constant 0 : index
    %swap3A_215 = tpu.vector_load %arg6[%swap3A_213, %swap3A_214] {strides = array<i32>} : memref<3x64xi32, #tpu.memory_space<vmem>>, vector<1x16xi32>,
    %swap3A_216 = vector.shape_cast %swap3A_215 : vector<1x16xi32> to vector<16xi32>
    %swap3A_217 = vector.shape_cast %shift_right_logical3A_211 : vector<16xi32> to vector<1x16xi32>
    tpu.vector_store %arg6[%swap3A_213, %swap3A_214], %swap3A_217 {strides = array<i32>} : memref<3x64xi32, #tpu.memory_space<vmem>>, vector<1x16xi32>,
    %and3A_218 = arith.constant 65535 : i32
    %and3A_219 = vector.broadcast %and3A_218 : i32 to vector<16xi32>
    %and3A_220 = arith.andi %get3A_208, %and3A_219 : vector<16xi32>
    %swap3A_221 = arith.constant 2 : i32
    %swap3A_222 = arith.index_cast %swap3A_221 : i32 to index
    %swap3A_223 = arith.constant 0 : index
    %swap3A_224 = tpu.vector_load %arg7[%swap3A_222, %swap3A_223] {strides = array<i32>} : memref<3x64xi32, #tpu.memory_space<vmem>>, vector<1x16xi32>,
    %swap3A_225 = vector.shape_cast %swap3A_224 : vector<1x16xi32> to vector<16xi32>
    %swap3A_226 = vector.shape_cast %and3A_220 : vector<16xi32> to vector<1x16xi32>
    tpu.vector_store %arg7[%swap3A_222, %swap3A_223], %swap3A_226 {strides = array<i32>} : memref<3x64xi32, #tpu.memory_space<vmem>>, vector<1x16xi32>,
    %get3A_227 = arith.constant 2 : i32
    %get3A_228 = arith.index_cast %get3A_227 : i32 to index
    %get3A_229 = arith.constant 16 : index
    %get3A_230 = tpu.vector_load %arg5[%get3A_228, %get3A_229] {strides = array<i32>} : memref<159x64xi32, #tpu.memory_space<vmem>>, vector<1x16xi32>,
    %get3A_231 = vector.shape_cast %get3A_230 : vector<1x16xi32> to vector<16xi32>
    %shift_right_logical3A_232 = arith.constant 16 : i32
    %shift_right_logical3A_233 = vector.broadcast %shift_right_logical3A_232 : i32 to vector<16xi32>
    %shift_right_logical3A_234 = arith.shrui %get3A_231, %shift_right_logical3A_233 : vector<16xi32>
    %swap3A_235 = arith.constant 2 : i32
    %swap3A_236 = arith.index_cast %swap3A_235 : i32 to index
    %swap3A_237 = arith.constant 16 : index
    %swap3A_238 = tpu.vector_load %arg6[%swap3A_236, %swap3A_237] {strides = array<i32>} : memref<3x64xi32, #tpu.memory_space<vmem>>, vector<1x16xi32>,
    %swap3A_239 = vector.shape_cast %swap3A_238 : vector<1x16xi32> to vector<16xi32>
    %swap3A_240 = vector.shape_cast %shift_right_logical3A_234 : vector<16xi32> to vector<1x16xi32>
    tpu.vector_store %arg6[%swap3A_236, %swap3A_237], %swap3A_240 {strides = array<i32>} : memref<3x64xi32, #tpu.memory_space<vmem>>, vector<1x16xi32>,
    %and3A_241 = arith.constant 65535 : i32
    %and3A_242 = vector.broadcast %and3A_241 : i32 to vector<16xi32>
    %and3A_243 = arith.andi %get3A_231, %and3A_242 : vector<16xi32>
    %swap3A_244 = arith.constant 2 : i32
    %swap3A_245 = arith.index_cast %swap3A_244 : i32 to index
    %swap3A_246 = arith.constant 16 : index
    %swap3A_247 = tpu.vector_load %arg7[%swap3A_245, %swap3A_246] {strides = array<i32>} : memref<3x64xi32, #tpu.memory_space<vmem>>, vector<1x16xi32>,
    %swap3A_248 = vector.shape_cast %swap3A_247 : vector<1x16xi32> to vector<16xi32>
    %swap3A_249 = vector.shape_cast %and3A_243 : vector<16xi32> to vector<1x16xi32>
    tpu.vector_store %arg7[%swap3A_245, %swap3A_246], %swap3A_249 {strides = array<i32>} : memref<3x64xi32, #tpu.memory_space<vmem>>, vector<1x16xi32>,
    %get3A_250 = arith.constant 2 : i32
    %get3A_251 = arith.index_cast %get3A_250 : i32 to index
    %get3A_252 = arith.constant 32 : index
    %get3A_253 = tpu.vector_load %arg5[%get3A_251, %get3A_252] {strides = array<i32>} : memref<159x64xi32, #tpu.memory_space<vmem>>, vector<1x16xi32>,
    %get3A_254 = vector.shape_cast %get3A_253 : vector<1x16xi32> to vector<16xi32>
    %shift_right_logical3A_255 = arith.constant 16 : i32
    %shift_right_logical3A_256 = vector.broadcast %shift_right_logical3A_255 : i32 to vector<16xi32>
    %shift_right_logical3A_257 = arith.shrui %get3A_254, %shift_right_logical3A_256 : vector<16xi32>
    %swap3A_258 = arith.constant 2 : i32
    %swap3A_259 = arith.index_cast %swap3A_258 : i32 to index
    %swap3A_260 = arith.constant 32 : index
    %swap3A_261 = tpu.vector_load %arg6[%swap3A_259, %swap3A_260] {strides = array<i32>} : memref<3x64xi32, #tpu.memory_space<vmem>>, vector<1x16xi32>,
    %swap3A_262 = vector.shape_cast %swap3A_261 : vector<1x16xi32> to vector<16xi32>
    %swap3A_263 = vector.shape_cast %shift_right_logical3A_257 : vector<16xi32> to vector<1x16xi32>
    tpu.vector_store %arg6[%swap3A_259, %swap3A_260], %swap3A_263 {strides = array<i32>} : memref<3x64xi32, #tpu.memory_space<vmem>>, vector<1x16xi32>,
    %and3A_264 = arith.constant 65535 : i32
    %and3A_265 = vector.broadcast %and3A_264 : i32 to vector<16xi32>
    %and3A_266 = arith.andi %get3A_254, %and3A_265 : vector<16xi32>
    %swap3A_267 = arith.constant 2 : i32
    %swap3A_268 = arith.index_cast %swap3A_267 : i32 to index
    %swap3A_269 = arith.constant 32 : index
    %swap3A_270 = tpu.vector_load %arg7[%swap3A_268, %swap3A_269] {strides = array<i32>} : memref<3x64xi32, #tpu.memory_space<vmem>>, vector<1x16xi32>,
    %swap3A_271 = vector.shape_cast %swap3A_270 : vector<1x16xi32> to vector<16xi32>
    %swap3A_272 = vector.shape_cast %and3A_266 : vector<16xi32> to vector<1x16xi32>
    tpu.vector_store %arg7[%swap3A_268, %swap3A_269], %swap3A_272 {strides = array<i32>} : memref<3x64xi32, #tpu.memory_space<vmem>>, vector<1x16xi32>,
    %get3A_273 = arith.constant 2 : i32
    %get3A_274 = arith.index_cast %get3A_273 : i32 to index
    %get3A_275 = arith.constant 48 : index
    %get3A_276 = tpu.vector_load %arg5[%get3A_274, %get3A_275] {strides = array<i32>} : memref<159x64xi32, #tpu.memory_space<vmem>>, vector<1x16xi32>,
    %get3A_277 = vector.shape_cast %get3A_276 : vector<1x16xi32> to vector<16xi32>
    %shift_right_logical3A_278 = arith.constant 16 : i32
    %shift_right_logical3A_279 = vector.broadcast %shift_right_logical3A_278 : i32 to vector<16xi32>
    %shift_right_logical3A_280 = arith.shrui %get3A_277, %shift_right_logical3A_279 : vector<16xi32>
    %swap3A_281 = arith.constant 2 : i32
    %swap3A_282 = arith.index_cast %swap3A_281 : i32 to index
    %swap3A_283 = arith.constant 48 : index
    %swap3A_284 = tpu.vector_load %arg6[%swap3A_282, %swap3A_283] {strides = array<i32>} : memref<3x64xi32, #tpu.memory_space<vmem>>, vector<1x16xi32>,
    %swap3A_285 = vector.shape_cast %swap3A_284 : vector<1x16xi32> to vector<16xi32>
    %swap3A_286 = vector.shape_cast %shift_right_logical3A_280 : vector<16xi32> to vector<1x16xi32>
    tpu.vector_store %arg6[%swap3A_282, %swap3A_283], %swap3A_286 {strides = array<i32>} : memref<3x64xi32, #tpu.memory_space<vmem>>, vector<1x16xi32>,
    %and3A_287 = arith.constant 65535 : i32
    %and3A_288 = vector.broadcast %and3A_287 : i32 to vector<16xi32>
    %and3A_289 = arith.andi %get3A_277, %and3A_288 : vector<16xi32>
    %swap3A_290 = arith.constant 2 : i32
    %swap3A_291 = arith.index_cast %swap3A_290 : i32 to index
    %swap3A_292 = arith.constant 48 : index
    %swap3A_293 = tpu.vector_load %arg7[%swap3A_291, %swap3A_292] {strides = array<i32>} : memref<3x64xi32, #tpu.memory_space<vmem>>, vector<1x16xi32>,
    %swap3A_294 = vector.shape_cast %swap3A_293 : vector<1x16xi32> to vector<16xi32>
    %swap3A_295 = vector.shape_cast %and3A_289 : vector<16xi32> to vector<1x16xi32>
    tpu.vector_store %arg7[%swap3A_291, %swap3A_292], %swap3A_295 {strides = array<i32>} : memref<3x64xi32, #tpu.memory_space<vmem>>, vector<1x16xi32>,
    %dma_start3A_296 = arith.constant 2 : i32
    %dma_start3A_297 = arith.constant 0 : i32
    %dma_start3A_298 = tpu.memref_slice %arg6[%dma_start3A_296, %dma_start3A_297] : memref<3x64xi32, #tpu.memory_space<vmem>> -> memref<1x64xi32, #tpu.memory_space<vmem>>
    %dma_start3A_299 = tpu.memref_squeeze %dma_start3A_298 : memref<1x64xi32, #tpu.memory_space<vmem>> -> memref<64xi32, #tpu.memory_space<vmem>>
    %dma_start3A_300 = arith.constant 0 : i32
    %dma_start3A_301 = arith.constant 0 : i32
    %dma_start3A_302 = tpu.memref_slice %arg2[%dma_start3A_300, %dma_start3A_301] : memref<10240x128xf32, #tpu.memory_space<hbm>> -> memref<10240x128xf32, #tpu.memory_space<hbm>>
    tpu.enqueue_indirect_dma source(%dma_start3A_302 : memref<10240x128xf32, #tpu.memory_space<hbm>>) target(%arg10 : memref<64x128xf32, #tpu.memory_space<vmem>>) offsets(%dma_start3A_299 : memref<64xi32, #tpu.memory_space<vmem>>) semaphore(%arg17 : memref<!tpu.dma_semaphore, #tpu.memory_space<semaphore_mem>>)
    %scan3A_303 = arith.constant 0 : i32
    %scan3A_304 = arith.constant 52 : i32
    %scan3A_305 = arith.addi %scan3A_303, %scan3A_304 : i32
    %scan3A_306 = arith.constant 1 : i32
    scf.for %scan3A_378 = %scan3A_303 to %scan3A_305 step %scan3A_306  : i32 {
      %mul3A_379 = arith.constant 1 : i32
      %mul3A_380 = arith.muli %scan3A_378, %mul3A_379 : i32
      %add3A_381 = arith.constant 0 : i32
      %add3A_382 = arith.addi %add3A_381, %mul3A_380 : i32
      %mul3A_383 = arith.constant 3 : i32
      %mul3A_384 = arith.muli %add3A_382, %mul3A_383 : i32
      %dma_wait3A_385 = arith.constant 0 : i32
      %dma_wait3A_386 = arith.constant 0 : i32
      %dma_wait3A_387 = tpu.memref_slice %arg6[%dma_wait3A_385, %dma_wait3A_386] : memref<3x64xi32, #tpu.memory_space<vmem>> -> memref<1x64xi32, #tpu.memory_space<vmem>>
      %dma_wait3A_388 = tpu.memref_squeeze %dma_wait3A_387 : memref<1x64xi32, #tpu.memory_space<vmem>> -> memref<64xi32, #tpu.memory_space<vmem>>
      %dma_wait3A_389 = arith.constant 0 : i32
      %dma_wait3A_390 = arith.constant 0 : i32
      %dma_wait3A_391 = tpu.memref_slice %arg2[%dma_wait3A_389, %dma_wait3A_390] : memref<10240x128xf32, #tpu.memory_space<hbm>> -> memref<10240x128xf32, #tpu.memory_space<hbm>>
      tpu.wait_indirect_dma semaphore(%arg15 : memref<!tpu.dma_semaphore, #tpu.memory_space<semaphore_mem>>) src(%dma_wait3A_391 : memref<10240x128xf32, #tpu.memory_space<hbm>>) dst(%arg8 : memref<64x128xf32, #tpu.memory_space<vmem>>)
      %dma_start3A_392 = arith.constant 0 : i32
      %dma_start3A_393 = arith.constant 0 : i32
      %dma_start3A_394 = tpu.memref_slice %arg7[%dma_start3A_392, %dma_start3A_393] : memref<3x64xi32, #tpu.memory_space<vmem>> -> memref<1x64xi32, #tpu.memory_space<vmem>>
      %dma_start3A_395 = tpu.memref_squeeze %dma_start3A_394 : memref<1x64xi32, #tpu.memory_space<vmem>> -> memref<64xi32, #tpu.memory_space<vmem>>
      %dma_start3A_396 = arith.constant 0 : i32
      %dma_start3A_397 = arith.constant 0 : i32
      %dma_start3A_398 = tpu.memref_slice %arg11[%dma_start3A_396, %dma_start3A_397] : memref<10240x128xf32, #tpu.memory_space<vmem_shared>> -> memref<10240x128xf32, #tpu.memory_space<vmem_shared>>
      tpu.enqueue_indirect_dma source(%arg8 : memref<64x128xf32, #tpu.memory_space<vmem>>) target(%dma_start3A_398 : memref<10240x128xf32, #tpu.memory_space<vmem_shared>>) offsets(%dma_start3A_395 : memref<64xi32, #tpu.memory_space<vmem>>) semaphore(%arg12 : memref<!tpu.dma_semaphore, #tpu.memory_space<semaphore_mem>>) {add = true}
      %dma_wait3A_399 = arith.constant 1 : i32
      %dma_wait3A_400 = arith.constant 0 : i32
      %dma_wait3A_401 = tpu.memref_slice %arg6[%dma_wait3A_399, %dma_wait3A_400] : memref<3x64xi32, #tpu.memory_space<vmem>> -> memref<1x64xi32, #tpu.memory_space<vmem>>
      %dma_wait3A_402 = tpu.memref_squeeze %dma_wait3A_401 : memref<1x64xi32, #tpu.memory_space<vmem>> -> memref<64xi32, #tpu.memory_space<vmem>>
      %dma_wait3A_403 = arith.constant 0 : i32
      %dma_wait3A_404 = arith.constant 0 : i32
      %dma_wait3A_405 = tpu.memref_slice %arg2[%dma_wait3A_403, %dma_wait3A_404] : memref<10240x128xf32, #tpu.memory_space<hbm>> -> memref<10240x128xf32, #tpu.memory_space<hbm>>
      tpu.wait_indirect_dma semaphore(%arg16 : memref<!tpu.dma_semaphore, #tpu.memory_space<semaphore_mem>>) src(%dma_wait3A_405 : memref<10240x128xf32, #tpu.memory_space<hbm>>) dst(%arg9 : memref<64x128xf32, #tpu.memory_space<vmem>>)
      %dma_start3A_406 = arith.constant 1 : i32
      %dma_start3A_407 = arith.constant 0 : i32
      %dma_start3A_408 = tpu.memref_slice %arg7[%dma_start3A_406, %dma_start3A_407] : memref<3x64xi32, #tpu.memory_space<vmem>> -> memref<1x64xi32, #tpu.memory_space<vmem>>
      %dma_start3A_409 = tpu.memref_squeeze %dma_start3A_408 : memref<1x64xi32, #tpu.memory_space<vmem>> -> memref<64xi32, #tpu.memory_space<vmem>>
      %dma_start3A_410 = arith.constant 0 : i32
      %dma_start3A_411 = arith.constant 0 : i32
      %dma_start3A_412 = tpu.memref_slice %arg11[%dma_start3A_410, %dma_start3A_411] : memref<10240x128xf32, #tpu.memory_space<vmem_shared>> -> memref<10240x128xf32, #tpu.memory_space<vmem_shared>>
      tpu.enqueue_indirect_dma source(%arg9 : memref<64x128xf32, #tpu.memory_space<vmem>>) target(%dma_start3A_412 : memref<10240x128xf32, #tpu.memory_space<vmem_shared>>) offsets(%dma_start3A_409 : memref<64xi32, #tpu.memory_space<vmem>>) semaphore(%arg13 : memref<!tpu.dma_semaphore, #tpu.memory_space<semaphore_mem>>) {add = true}
      %dma_wait3A_413 = arith.constant 2 : i32
      %dma_wait3A_414 = arith.constant 0 : i32
      %dma_wait3A_415 = tpu.memref_slice %arg6[%dma_wait3A_413, %dma_wait3A_414] : memref<3x64xi32, #tpu.memory_space<vmem>> -> memref<1x64xi32, #tpu.memory_space<vmem>>
      %dma_wait3A_416 = tpu.memref_squeeze %dma_wait3A_415 : memref<1x64xi32, #tpu.memory_space<vmem>> -> memref<64xi32, #tpu.memory_space<vmem>>
      %dma_wait3A_417 = arith.constant 0 : i32
      %dma_wait3A_418 = arith.constant 0 : i32
      %dma_wait3A_419 = tpu.memref_slice %arg2[%dma_wait3A_417, %dma_wait3A_418] : memref<10240x128xf32, #tpu.memory_space<hbm>> -> memref<10240x128xf32, #tpu.memory_space<hbm>>
      tpu.wait_indirect_dma semaphore(%arg17 : memref<!tpu.dma_semaphore, #tpu.memory_space<semaphore_mem>>) src(%dma_wait3A_419 : memref<10240x128xf32, #tpu.memory_space<hbm>>) dst(%arg10 : memref<64x128xf32, #tpu.memory_space<vmem>>)
      %dma_start3A_420 = arith.constant 2 : i32
      %dma_start3A_421 = arith.constant 0 : i32
      %dma_start3A_422 = tpu.memref_slice %arg7[%dma_start3A_420, %dma_start3A_421] : memref<3x64xi32, #tpu.memory_space<vmem>> -> memref<1x64xi32, #tpu.memory_space<vmem>>
      %dma_start3A_423 = tpu.memref_squeeze %dma_start3A_422 : memref<1x64xi32, #tpu.memory_space<vmem>> -> memref<64xi32, #tpu.memory_space<vmem>>
      %dma_start3A_424 = arith.constant 0 : i32
      %dma_start3A_425 = arith.constant 0 : i32
      %dma_start3A_426 = tpu.memref_slice %arg11[%dma_start3A_424, %dma_start3A_425] : memref<10240x128xf32, #tpu.memory_space<vmem_shared>> -> memref<10240x128xf32, #tpu.memory_space<vmem_shared>>
      tpu.enqueue_indirect_dma source(%arg10 : memref<64x128xf32, #tpu.memory_space<vmem>>) target(%dma_start3A_426 : memref<10240x128xf32, #tpu.memory_space<vmem_shared>>) offsets(%dma_start3A_423 : memref<64xi32, #tpu.memory_space<vmem>>) semaphore(%arg14 : memref<!tpu.dma_semaphore, #tpu.memory_space<semaphore_mem>>) {add = true}
      %dma_wait3A_427 = arith.constant 0 : i32
      %dma_wait3A_428 = arith.constant 0 : i32
      %dma_wait3A_429 = tpu.memref_slice %arg7[%dma_wait3A_427, %dma_wait3A_428] : memref<3x64xi32, #tpu.memory_space<vmem>> -> memref<1x64xi32, #tpu.memory_space<vmem>>
      %dma_wait3A_430 = tpu.memref_squeeze %dma_wait3A_429 : memref<1x64xi32, #tpu.memory_space<vmem>> -> memref<64xi32, #tpu.memory_space<vmem>>
      %dma_wait3A_431 = arith.constant 0 : i32
      %dma_wait3A_432 = arith.constant 0 : i32
      %dma_wait3A_433 = tpu.memref_slice %arg11[%dma_wait3A_431, %dma_wait3A_432] : memref<10240x128xf32, #tpu.memory_space<vmem_shared>> -> memref<10240x128xf32, #tpu.memory_space<vmem_shared>>
      tpu.wait_indirect_dma semaphore(%arg12 : memref<!tpu.dma_semaphore, #tpu.memory_space<semaphore_mem>>) src(%arg8 : memref<64x128xf32, #tpu.memory_space<vmem>>) dst(%dma_wait3A_433 : memref<10240x128xf32, #tpu.memory_space<vmem_shared>>)
      %add3A_434 = arith.constant 3 : i32
      %add3A_435 = arith.addi %mul3A_384, %add3A_434 : i32
      %add3A_436 = arith.constant 0 : i32
      %add3A_437 = arith.addi %add3A_435, %add3A_436 : i32
      %get3A_438 = arith.index_cast %add3A_437 : i32 to index
      %get3A_439 = arith.constant 0 : index
      %get3A_440 = tpu.vector_load %arg5[%get3A_438, %get3A_439] {strides = array<i32>} : memref<159x64xi32, #tpu.memory_space<vmem>>, vector<1x16xi32>,
      %get3A_441 = vector.shape_cast %get3A_440 : vector<1x16xi32> to vector<16xi32>
      %shift_right_logical3A_442 = arith.constant 16 : i32
      %shift_right_logical3A_443 = vector.broadcast %shift_right_logical3A_442 : i32 to vector<16xi32>
      %shift_right_logical3A_444 = arith.shrui %get3A_441, %shift_right_logical3A_443 : vector<16xi32>
      %swap3A_445 = arith.constant 0 : i32
      %swap3A_446 = arith.index_cast %swap3A_445 : i32 to index
      %swap3A_447 = arith.constant 0 : index
      %swap3A_448 = tpu.vector_load %arg6[%swap3A_446, %swap3A_447] {strides = array<i32>} : memref<3x64xi32, #tpu.memory_space<vmem>>, vector<1x16xi32>,
      %swap3A_449 = vector.shape_cast %swap3A_448 : vector<1x16xi32> to vector<16xi32>
      %swap3A_450 = vector.shape_cast %shift_right_logical3A_444 : vector<16xi32> to vector<1x16xi32>
      tpu.vector_store %arg6[%swap3A_446, %swap3A_447], %swap3A_450 {strides = array<i32>} : memref<3x64xi32, #tpu.memory_space<vmem>>, vector<1x16xi32>,
      %and3A_451 = arith.constant 65535 : i32
      %and3A_452 = vector.broadcast %and3A_451 : i32 to vector<16xi32>
      %and3A_453 = arith.andi %get3A_441, %and3A_452 : vector<16xi32>
      %swap3A_454 = arith.constant 0 : i32
      %swap3A_455 = arith.index_cast %swap3A_454 : i32 to index
      %swap3A_456 = arith.constant 0 : index
      %swap3A_457 = tpu.vector_load %arg7[%swap3A_455, %swap3A_456] {strides = array<i32>} : memref<3x64xi32, #tpu.memory_space<vmem>>, vector<1x16xi32>,
      %swap3A_458 = vector.shape_cast %swap3A_457 : vector<1x16xi32> to vector<16xi32>
      %swap3A_459 = vector.shape_cast %and3A_453 : vector<16xi32> to vector<1x16xi32>
      tpu.vector_store %arg7[%swap3A_455, %swap3A_456], %swap3A_459 {strides = array<i32>} : memref<3x64xi32, #tpu.memory_space<vmem>>, vector<1x16xi32>,
      %get3A_460 = arith.index_cast %add3A_437 : i32 to index
      %get3A_461 = arith.constant 16 : index
      %get3A_462 = tpu.vector_load %arg5[%get3A_460, %get3A_461] {strides = array<i32>} : memref<159x64xi32, #tpu.memory_space<vmem>>, vector<1x16xi32>,
      %get3A_463 = vector.shape_cast %get3A_462 : vector<1x16xi32> to vector<16xi32>
      %shift_right_logical3A_464 = arith.constant 16 : i32
      %shift_right_logical3A_465 = vector.broadcast %shift_right_logical3A_464 : i32 to vector<16xi32>
      %shift_right_logical3A_466 = arith.shrui %get3A_463, %shift_right_logical3A_465 : vector<16xi32>
      %swap3A_467 = arith.constant 0 : i32
      %swap3A_468 = arith.index_cast %swap3A_467 : i32 to index
      %swap3A_469 = arith.constant 16 : index
      %swap3A_470 = tpu.vector_load %arg6[%swap3A_468, %swap3A_469] {strides = array<i32>} : memref<3x64xi32, #tpu.memory_space<vmem>>, vector<1x16xi32>,
      %swap3A_471 = vector.shape_cast %swap3A_470 : vector<1x16xi32> to vector<16xi32>
      %swap3A_472 = vector.shape_cast %shift_right_logical3A_466 : vector<16xi32> to vector<1x16xi32>
      tpu.vector_store %arg6[%swap3A_468, %swap3A_469], %swap3A_472 {strides = array<i32>} : memref<3x64xi32, #tpu.memory_space<vmem>>, vector<1x16xi32>,
      %and3A_473 = arith.constant 65535 : i32
      %and3A_474 = vector.broadcast %and3A_473 : i32 to vector<16xi32>
      %and3A_475 = arith.andi %get3A_463, %and3A_474 : vector<16xi32>
      %swap3A_476 = arith.constant 0 : i32
      %swap3A_477 = arith.index_cast %swap3A_476 : i32 to index
      %swap3A_478 = arith.constant 16 : index
      %swap3A_479 = tpu.vector_load %arg7[%swap3A_477, %swap3A_478] {strides = array<i32>} : memref<3x64xi32, #tpu.memory_space<vmem>>, vector<1x16xi32>,
      %swap3A_480 = vector.shape_cast %swap3A_479 : vector<1x16xi32> to vector<16xi32>
      %swap3A_481 = vector.shape_cast %and3A_475 : vector<16xi32> to vector<1x16xi32>
      tpu.vector_store %arg7[%swap3A_477, %swap3A_478], %swap3A_481 {strides = array<i32>} : memref<3x64xi32, #tpu.memory_space<vmem>>, vector<1x16xi32>,
      %get3A_482 = arith.index_cast %add3A_437 : i32 to index
      %get3A_483 = arith.constant 32 : index
      %get3A_484 = tpu.vector_load %arg5[%get3A_482, %get3A_483] {strides = array<i32>} : memref<159x64xi32, #tpu.memory_space<vmem>>, vector<1x16xi32>,
      %get3A_485 = vector.shape_cast %get3A_484 : vector<1x16xi32> to vector<16xi32>
      %shift_right_logical3A_486 = arith.constant 16 : i32
      %shift_right_logical3A_487 = vector.broadcast %shift_right_logical3A_486 : i32 to vector<16xi32>
      %shift_right_logical3A_488 = arith.shrui %get3A_485, %shift_right_logical3A_487 : vector<16xi32>
      %swap3A_489 = arith.constant 0 : i32
      %swap3A_490 = arith.index_cast %swap3A_489 : i32 to index
      %swap3A_491 = arith.constant 32 : index
      %swap3A_492 = tpu.vector_load %arg6[%swap3A_490, %swap3A_491] {strides = array<i32>} : memref<3x64xi32, #tpu.memory_space<vmem>>, vector<1x16xi32>,
      %swap3A_493 = vector.shape_cast %swap3A_492 : vector<1x16xi32> to vector<16xi32>
      %swap3A_494 = vector.shape_cast %shift_right_logical3A_488 : vector<16xi32> to vector<1x16xi32>
      tpu.vector_store %arg6[%swap3A_490, %swap3A_491], %swap3A_494 {strides = array<i32>} : memref<3x64xi32, #tpu.memory_space<vmem>>, vector<1x16xi32>,
      %and3A_495 = arith.constant 65535 : i32
      %and3A_496 = vector.broadcast %and3A_495 : i32 to vector<16xi32>
      %and3A_497 = arith.andi %get3A_485, %and3A_496 : vector<16xi32>
      %swap3A_498 = arith.constant 0 : i32
      %swap3A_499 = arith.index_cast %swap3A_498 : i32 to index
      %swap3A_500 = arith.constant 32 : index
      %swap3A_501 = tpu.vector_load %arg7[%swap3A_499, %swap3A_500] {strides = array<i32>} : memref<3x64xi32, #tpu.memory_space<vmem>>, vector<1x16xi32>,
      %swap3A_502 = vector.shape_cast %swap3A_501 : vector<1x16xi32> to vector<16xi32>
      %swap3A_503 = vector.shape_cast %and3A_497 : vector<16xi32> to vector<1x16xi32>
      tpu.vector_store %arg7[%swap3A_499, %swap3A_500], %swap3A_503 {strides = array<i32>} : memref<3x64xi32, #tpu.memory_space<vmem>>, vector<1x16xi32>,
      %get3A_504 = arith.index_cast %add3A_437 : i32 to index
      %get3A_505 = arith.constant 48 : index
      %get3A_506 = tpu.vector_load %arg5[%get3A_504, %get3A_505] {strides = array<i32>} : memref<159x64xi32, #tpu.memory_space<vmem>>, vector<1x16xi32>,
      %get3A_507 = vector.shape_cast %get3A_506 : vector<1x16xi32> to vector<16xi32>
      %shift_right_logical3A_508 = arith.constant 16 : i32
      %shift_right_logical3A_509 = vector.broadcast %shift_right_logical3A_508 : i32 to vector<16xi32>
      %shift_right_logical3A_510 = arith.shrui %get3A_507, %shift_right_logical3A_509 : vector<16xi32>
      %swap3A_511 = arith.constant 0 : i32
      %swap3A_512 = arith.index_cast %swap3A_511 : i32 to index
      %swap3A_513 = arith.constant 48 : index
      %swap3A_514 = tpu.vector_load %arg6[%swap3A_512, %swap3A_513] {strides = array<i32>} : memref<3x64xi32, #tpu.memory_space<vmem>>, vector<1x16xi32>,
      %swap3A_515 = vector.shape_cast %swap3A_514 : vector<1x16xi32> to vector<16xi32>
      %swap3A_516 = vector.shape_cast %shift_right_logical3A_510 : vector<16xi32> to vector<1x16xi32>
      tpu.vector_store %arg6[%swap3A_512, %swap3A_513], %swap3A_516 {strides = array<i32>} : memref<3x64xi32, #tpu.memory_space<vmem>>, vector<1x16xi32>,
      %and3A_517 = arith.constant 65535 : i32
      %and3A_518 = vector.broadcast %and3A_517 : i32 to vector<16xi32>
      %and3A_519 = arith.andi %get3A_507, %and3A_518 : vector<16xi32>
      %swap3A_520 = arith.constant 0 : i32
      %swap3A_521 = arith.index_cast %swap3A_520 : i32 to index
      %swap3A_522 = arith.constant 48 : index
      %swap3A_523 = tpu.vector_load %arg7[%swap3A_521, %swap3A_522] {strides = array<i32>} : memref<3x64xi32, #tpu.memory_space<vmem>>, vector<1x16xi32>,
      %swap3A_524 = vector.shape_cast %swap3A_523 : vector<1x16xi32> to vector<16xi32>
      %swap3A_525 = vector.shape_cast %and3A_519 : vector<16xi32> to vector<1x16xi32>
      tpu.vector_store %arg7[%swap3A_521, %swap3A_522], %swap3A_525 {strides = array<i32>} : memref<3x64xi32, #tpu.memory_space<vmem>>, vector<1x16xi32>,
      %add3A_526 = arith.constant 3 : i32
      %add3A_527 = arith.addi %mul3A_384, %add3A_526 : i32
      %add3A_528 = arith.constant 0 : i32
      %add3A_529 = arith.addi %add3A_527, %add3A_528 : i32
      %dma_start3A_530 = arith.constant 0 : i32
      %dma_start3A_531 = arith.constant 0 : i32
      %dma_start3A_532 = tpu.memref_slice %arg6[%dma_start3A_530, %dma_start3A_531] : memref<3x64xi32, #tpu.memory_space<vmem>> -> memref<1x64xi32, #tpu.memory_space<vmem>>
      %dma_start3A_533 = tpu.memref_squeeze %dma_start3A_532 : memref<1x64xi32, #tpu.memory_space<vmem>> -> memref<64xi32, #tpu.memory_space<vmem>>
      %dma_start3A_534 = arith.constant 0 : i32
      %dma_start3A_535 = arith.constant 0 : i32
      %dma_start3A_536 = tpu.memref_slice %arg2[%dma_start3A_534, %dma_start3A_535] : memref<10240x128xf32, #tpu.memory_space<hbm>> -> memref<10240x128xf32, #tpu.memory_space<hbm>>
      tpu.enqueue_indirect_dma source(%dma_start3A_536 : memref<10240x128xf32, #tpu.memory_space<hbm>>) target(%arg8 : memref<64x128xf32, #tpu.memory_space<vmem>>) offsets(%dma_start3A_533 : memref<64xi32, #tpu.memory_space<vmem>>) semaphore(%arg15 : memref<!tpu.dma_semaphore, #tpu.memory_space<semaphore_mem>>)
      %dma_wait3A_537 = arith.constant 1 : i32
      %dma_wait3A_538 = arith.constant 0 : i32
      %dma_wait3A_539 = tpu.memref_slice %arg7[%dma_wait3A_537, %dma_wait3A_538] : memref<3x64xi32, #tpu.memory_space<vmem>> -> memref<1x64xi32, #tpu.memory_space<vmem>>
      %dma_wait3A_540 = tpu.memref_squeeze %dma_wait3A_539 : memref<1x64xi32, #tpu.memory_space<vmem>> -> memref<64xi32, #tpu.memory_space<vmem>>
      %dma_wait3A_541 = arith.constant 0 : i32
      %dma_wait3A_542 = arith.constant 0 : i32
      %dma_wait3A_543 = tpu.memref_slice %arg11[%dma_wait3A_541, %dma_wait3A_542] : memref<10240x128xf32, #tpu.memory_space<vmem_shared>> -> memref<10240x128xf32, #tpu.memory_space<vmem_shared>>
      tpu.wait_indirect_dma semaphore(%arg13 : memref<!tpu.dma_semaphore, #tpu.memory_space<semaphore_mem>>) src(%arg9 : memref<64x128xf32, #tpu.memory_space<vmem>>) dst(%dma_wait3A_543 : memref<10240x128xf32, #tpu.memory_space<vmem_shared>>)
      %add3A_544 = arith.constant 3 : i32
      %add3A_545 = arith.addi %mul3A_384, %add3A_544 : i32
      %add3A_546 = arith.constant 1 : i32
      %add3A_547 = arith.addi %add3A_545, %add3A_546 : i32
      %get3A_548 = arith.index_cast %add3A_547 : i32 to index
      %get3A_549 = arith.constant 0 : index
      %get3A_550 = tpu.vector_load %arg5[%get3A_548, %get3A_549] {strides = array<i32>} : memref<159x64xi32, #tpu.memory_space<vmem>>, vector<1x16xi32>,
      %get3A_551 = vector.shape_cast %get3A_550 : vector<1x16xi32> to vector<16xi32>
      %shift_right_logical3A_552 = arith.constant 16 : i32
      %shift_right_logical3A_553 = vector.broadcast %shift_right_logical3A_552 : i32 to vector<16xi32>
      %shift_right_logical3A_554 = arith.shrui %get3A_551, %shift_right_logical3A_553 : vector<16xi32>
      %swap3A_555 = arith.constant 1 : i32
      %swap3A_556 = arith.index_cast %swap3A_555 : i32 to index
      %swap3A_557 = arith.constant 0 : index
      %swap3A_558 = tpu.vector_load %arg6[%swap3A_556, %swap3A_557] {strides = array<i32>} : memref<3x64xi32, #tpu.memory_space<vmem>>, vector<1x16xi32>,
      %swap3A_559 = vector.shape_cast %swap3A_558 : vector<1x16xi32> to vector<16xi32>
      %swap3A_560 = vector.shape_cast %shift_right_logical3A_554 : vector<16xi32> to vector<1x16xi32>
      tpu.vector_store %arg6[%swap3A_556, %swap3A_557], %swap3A_560 {strides = array<i32>} : memref<3x64xi32, #tpu.memory_space<vmem>>, vector<1x16xi32>,
      %and3A_561 = arith.constant 65535 : i32
      %and3A_562 = vector.broadcast %and3A_561 : i32 to vector<16xi32>
      %and3A_563 = arith.andi %get3A_551, %and3A_562 : vector<16xi32>
      %swap3A_564 = arith.constant 1 : i32
      %swap3A_565 = arith.index_cast %swap3A_564 : i32 to index
      %swap3A_566 = arith.constant 0 : index
      %swap3A_567 = tpu.vector_load %arg7[%swap3A_565, %swap3A_566] {strides = array<i32>} : memref<3x64xi32, #tpu.memory_space<vmem>>, vector<1x16xi32>,
      %swap3A_568 = vector.shape_cast %swap3A_567 : vector<1x16xi32> to vector<16xi32>
      %swap3A_569 = vector.shape_cast %and3A_563 : vector<16xi32> to vector<1x16xi32>
      tpu.vector_store %arg7[%swap3A_565, %swap3A_566], %swap3A_569 {strides = array<i32>} : memref<3x64xi32, #tpu.memory_space<vmem>>, vector<1x16xi32>,
      %get3A_570 = arith.index_cast %add3A_547 : i32 to index
      %get3A_571 = arith.constant 16 : index
      %get3A_572 = tpu.vector_load %arg5[%get3A_570, %get3A_571] {strides = array<i32>} : memref<159x64xi32, #tpu.memory_space<vmem>>, vector<1x16xi32>,
      %get3A_573 = vector.shape_cast %get3A_572 : vector<1x16xi32> to vector<16xi32>
      %shift_right_logical3A_574 = arith.constant 16 : i32
      %shift_right_logical3A_575 = vector.broadcast %shift_right_logical3A_574 : i32 to vector<16xi32>
      %shift_right_logical3A_576 = arith.shrui %get3A_573, %shift_right_logical3A_575 : vector<16xi32>
      %swap3A_577 = arith.constant 1 : i32
      %swap3A_578 = arith.index_cast %swap3A_577 : i32 to index
      %swap3A_579 = arith.constant 16 : index
      %swap3A_580 = tpu.vector_load %arg6[%swap3A_578, %swap3A_579] {strides = array<i32>} : memref<3x64xi32, #tpu.memory_space<vmem>>, vector<1x16xi32>,
      %swap3A_581 = vector.shape_cast %swap3A_580 : vector<1x16xi32> to vector<16xi32>
      %swap3A_582 = vector.shape_cast %shift_right_logical3A_576 : vector<16xi32> to vector<1x16xi32>
      tpu.vector_store %arg6[%swap3A_578, %swap3A_579], %swap3A_582 {strides = array<i32>} : memref<3x64xi32, #tpu.memory_space<vmem>>, vector<1x16xi32>,
      %and3A_583 = arith.constant 65535 : i32
      %and3A_584 = vector.broadcast %and3A_583 : i32 to vector<16xi32>
      %and3A_585 = arith.andi %get3A_573, %and3A_584 : vector<16xi32>
      %swap3A_586 = arith.constant 1 : i32
      %swap3A_587 = arith.index_cast %swap3A_586 : i32 to index
      %swap3A_588 = arith.constant 16 : index
      %swap3A_589 = tpu.vector_load %arg7[%swap3A_587, %swap3A_588] {strides = array<i32>} : memref<3x64xi32, #tpu.memory_space<vmem>>, vector<1x16xi32>,
      %swap3A_590 = vector.shape_cast %swap3A_589 : vector<1x16xi32> to vector<16xi32>
      %swap3A_591 = vector.shape_cast %and3A_585 : vector<16xi32> to vector<1x16xi32>
      tpu.vector_store %arg7[%swap3A_587, %swap3A_588], %swap3A_591 {strides = array<i32>} : memref<3x64xi32, #tpu.memory_space<vmem>>, vector<1x16xi32>,
      %get3A_592 = arith.index_cast %add3A_547 : i32 to index
      %get3A_593 = arith.constant 32 : index
      %get3A_594 = tpu.vector_load %arg5[%get3A_592, %get3A_593] {strides = array<i32>} : memref<159x64xi32, #tpu.memory_space<vmem>>, vector<1x16xi32>,
      %get3A_595 = vector.shape_cast %get3A_594 : vector<1x16xi32> to vector<16xi32>
      %shift_right_logical3A_596 = arith.constant 16 : i32
      %shift_right_logical3A_597 = vector.broadcast %shift_right_logical3A_596 : i32 to vector<16xi32>
      %shift_right_logical3A_598 = arith.shrui %get3A_595, %shift_right_logical3A_597 : vector<16xi32>
      %swap3A_599 = arith.constant 1 : i32
      %swap3A_600 = arith.index_cast %swap3A_599 : i32 to index
      %swap3A_601 = arith.constant 32 : index
      %swap3A_602 = tpu.vector_load %arg6[%swap3A_600, %swap3A_601] {strides = array<i32>} : memref<3x64xi32, #tpu.memory_space<vmem>>, vector<1x16xi32>,
      %swap3A_603 = vector.shape_cast %swap3A_602 : vector<1x16xi32> to vector<16xi32>
      %swap3A_604 = vector.shape_cast %shift_right_logical3A_598 : vector<16xi32> to vector<1x16xi32>
      tpu.vector_store %arg6[%swap3A_600, %swap3A_601], %swap3A_604 {strides = array<i32>} : memref<3x64xi32, #tpu.memory_space<vmem>>, vector<1x16xi32>,
      %and3A_605 = arith.constant 65535 : i32
      %and3A_606 = vector.broadcast %and3A_605 : i32 to vector<16xi32>
      %and3A_607 = arith.andi %get3A_595, %and3A_606 : vector<16xi32>
      %swap3A_608 = arith.constant 1 : i32
      %swap3A_609 = arith.index_cast %swap3A_608 : i32 to index
      %swap3A_610 = arith.constant 32 : index
      %swap3A_611 = tpu.vector_load %arg7[%swap3A_609, %swap3A_610] {strides = array<i32>} : memref<3x64xi32, #tpu.memory_space<vmem>>, vector<1x16xi32>,
      %swap3A_612 = vector.shape_cast %swap3A_611 : vector<1x16xi32> to vector<16xi32>
      %swap3A_613 = vector.shape_cast %and3A_607 : vector<16xi32> to vector<1x16xi32>
      tpu.vector_store %arg7[%swap3A_609, %swap3A_610], %swap3A_613 {strides = array<i32>} : memref<3x64xi32, #tpu.memory_space<vmem>>, vector<1x16xi32>,
      %get3A_614 = arith.index_cast %add3A_547 : i32 to index
      %get3A_615 = arith.constant 48 : index
      %get3A_616 = tpu.vector_load %arg5[%get3A_614, %get3A_615] {strides = array<i32>} : memref<159x64xi32, #tpu.memory_space<vmem>>, vector<1x16xi32>,
      %get3A_617 = vector.shape_cast %get3A_616 : vector<1x16xi32> to vector<16xi32>
      %shift_right_logical3A_618 = arith.constant 16 : i32
      %shift_right_logical3A_619 = vector.broadcast %shift_right_logical3A_618 : i32 to vector<16xi32>
      %shift_right_logical3A_620 = arith.shrui %get3A_617, %shift_right_logical3A_619 : vector<16xi32>
      %swap3A_621 = arith.constant 1 : i32
      %swap3A_622 = arith.index_cast %swap3A_621 : i32 to index
      %swap3A_623 = arith.constant 48 : index
      %swap3A_624 = tpu.vector_load %arg6[%swap3A_622, %swap3A_623] {strides = array<i32>} : memref<3x64xi32, #tpu.memory_space<vmem>>, vector<1x16xi32>,
      %swap3A_625 = vector.shape_cast %swap3A_624 : vector<1x16xi32> to vector<16xi32>
      %swap3A_626 = vector.shape_cast %shift_right_logical3A_620 : vector<16xi32> to vector<1x16xi32>
      tpu.vector_store %arg6[%swap3A_622, %swap3A_623], %swap3A_626 {strides = array<i32>} : memref<3x64xi32, #tpu.memory_space<vmem>>, vector<1x16xi32>,
      %and3A_627 = arith.constant 65535 : i32
      %and3A_628 = vector.broadcast %and3A_627 : i32 to vector<16xi32>
      %and3A_629 = arith.andi %get3A_617, %and3A_628 : vector<16xi32>
      %swap3A_630 = arith.constant 1 : i32
      %swap3A_631 = arith.index_cast %swap3A_630 : i32 to index
      %swap3A_632 = arith.constant 48 : index
      %swap3A_633 = tpu.vector_load %arg7[%swap3A_631, %swap3A_632] {strides = array<i32>} : memref<3x64xi32, #tpu.memory_space<vmem>>, vector<1x16xi32>,
      %swap3A_634 = vector.shape_cast %swap3A_633 : vector<1x16xi32> to vector<16xi32>
      %swap3A_635 = vector.shape_cast %and3A_629 : vector<16xi32> to vector<1x16xi32>
      tpu.vector_store %arg7[%swap3A_631, %swap3A_632], %swap3A_635 {strides = array<i32>} : memref<3x64xi32, #tpu.memory_space<vmem>>, vector<1x16xi32>,
      %add3A_636 = arith.constant 3 : i32
      %add3A_637 = arith.addi %mul3A_384, %add3A_636 : i32
      %add3A_638 = arith.constant 1 : i32
      %add3A_639 = arith.addi %add3A_637, %add3A_638 : i32
      %dma_start3A_640 = arith.constant 1 : i32
      %dma_start3A_641 = arith.constant 0 : i32
      %dma_start3A_642 = tpu.memref_slice %arg6[%dma_start3A_640, %dma_start3A_641] : memref<3x64xi32, #tpu.memory_space<vmem>> -> memref<1x64xi32, #tpu.memory_space<vmem>>
      %dma_start3A_643 = tpu.memref_squeeze %dma_start3A_642 : memref<1x64xi32, #tpu.memory_space<vmem>> -> memref<64xi32, #tpu.memory_space<vmem>>
      %dma_start3A_644 = arith.constant 0 : i32
      %dma_start3A_645 = arith.constant 0 : i32
      %dma_start3A_646 = tpu.memref_slice %arg2[%dma_start3A_644, %dma_start3A_645] : memref<10240x128xf32, #tpu.memory_space<hbm>> -> memref<10240x128xf32, #tpu.memory_space<hbm>>
      tpu.enqueue_indirect_dma source(%dma_start3A_646 : memref<10240x128xf32, #tpu.memory_space<hbm>>) target(%arg9 : memref<64x128xf32, #tpu.memory_space<vmem>>) offsets(%dma_start3A_643 : memref<64xi32, #tpu.memory_space<vmem>>) semaphore(%arg16 : memref<!tpu.dma_semaphore, #tpu.memory_space<semaphore_mem>>)
      %dma_wait3A_647 = arith.constant 2 : i32
      %dma_wait3A_648 = arith.constant 0 : i32
      %dma_wait3A_649 = tpu.memref_slice %arg7[%dma_wait3A_647, %dma_wait3A_648] : memref<3x64xi32, #tpu.memory_space<vmem>> -> memref<1x64xi32, #tpu.memory_space<vmem>>
      %dma_wait3A_650 = tpu.memref_squeeze %dma_wait3A_649 : memref<1x64xi32, #tpu.memory_space<vmem>> -> memref<64xi32, #tpu.memory_space<vmem>>
      %dma_wait3A_651 = arith.constant 0 : i32
      %dma_wait3A_652 = arith.constant 0 : i32
      %dma_wait3A_653 = tpu.memref_slice %arg11[%dma_wait3A_651, %dma_wait3A_652] : memref<10240x128xf32, #tpu.memory_space<vmem_shared>> -> memref<10240x128xf32, #tpu.memory_space<vmem_shared>>
      tpu.wait_indirect_dma semaphore(%arg14 : memref<!tpu.dma_semaphore, #tpu.memory_space<semaphore_mem>>) src(%arg10 : memref<64x128xf32, #tpu.memory_space<vmem>>) dst(%dma_wait3A_653 : memref<10240x128xf32, #tpu.memory_space<vmem_shared>>)
      %add3A_654 = arith.constant 3 : i32
      %add3A_655 = arith.addi %mul3A_384, %add3A_654 : i32
      %add3A_656 = arith.constant 2 : i32
      %add3A_657 = arith.addi %add3A_655, %add3A_656 : i32
      %get3A_658 = arith.index_cast %add3A_657 : i32 to index
      %get3A_659 = arith.constant 0 : index
      %get3A_660 = tpu.vector_load %arg5[%get3A_658, %get3A_659] {strides = array<i32>} : memref<159x64xi32, #tpu.memory_space<vmem>>, vector<1x16xi32>,
      %get3A_661 = vector.shape_cast %get3A_660 : vector<1x16xi32> to vector<16xi32>
      %shift_right_logical3A_662 = arith.constant 16 : i32
      %shift_right_logical3A_663 = vector.broadcast %shift_right_logical3A_662 : i32 to vector<16xi32>
      %shift_right_logical3A_664 = arith.shrui %get3A_661, %shift_right_logical3A_663 : vector<16xi32>
      %swap3A_665 = arith.constant 2 : i32
      %swap3A_666 = arith.index_cast %swap3A_665 : i32 to index
      %swap3A_667 = arith.constant 0 : index
      %swap3A_668 = tpu.vector_load %arg6[%swap3A_666, %swap3A_667] {strides = array<i32>} : memref<3x64xi32, #tpu.memory_space<vmem>>, vector<1x16xi32>,
      %swap3A_669 = vector.shape_cast %swap3A_668 : vector<1x16xi32> to vector<16xi32>
      %swap3A_670 = vector.shape_cast %shift_right_logical3A_664 : vector<16xi32> to vector<1x16xi32>
      tpu.vector_store %arg6[%swap3A_666, %swap3A_667], %swap3A_670 {strides = array<i32>} : memref<3x64xi32, #tpu.memory_space<vmem>>, vector<1x16xi32>,
      %and3A_671 = arith.constant 65535 : i32
      %and3A_672 = vector.broadcast %and3A_671 : i32 to vector<16xi32>
      %and3A_673 = arith.andi %get3A_661, %and3A_672 : vector<16xi32>
      %swap3A_674 = arith.constant 2 : i32
      %swap3A_675 = arith.index_cast %swap3A_674 : i32 to index
      %swap3A_676 = arith.constant 0 : index
      %swap3A_677 = tpu.vector_load %arg7[%swap3A_675, %swap3A_676] {strides = array<i32>} : memref<3x64xi32, #tpu.memory_space<vmem>>, vector<1x16xi32>,
      %swap3A_678 = vector.shape_cast %swap3A_677 : vector<1x16xi32> to vector<16xi32>
      %swap3A_679 = vector.shape_cast %and3A_673 : vector<16xi32> to vector<1x16xi32>
      tpu.vector_store %arg7[%swap3A_675, %swap3A_676], %swap3A_679 {strides = array<i32>} : memref<3x64xi32, #tpu.memory_space<vmem>>, vector<1x16xi32>,
      %get3A_680 = arith.index_cast %add3A_657 : i32 to index
      %get3A_681 = arith.constant 16 : index
      %get3A_682 = tpu.vector_load %arg5[%get3A_680, %get3A_681] {strides = array<i32>} : memref<159x64xi32, #tpu.memory_space<vmem>>, vector<1x16xi32>,
      %get3A_683 = vector.shape_cast %get3A_682 : vector<1x16xi32> to vector<16xi32>
      %shift_right_logical3A_684 = arith.constant 16 : i32
      %shift_right_logical3A_685 = vector.broadcast %shift_right_logical3A_684 : i32 to vector<16xi32>
      %shift_right_logical3A_686 = arith.shrui %get3A_683, %shift_right_logical3A_685 : vector<16xi32>
      %swap3A_687 = arith.constant 2 : i32
      %swap3A_688 = arith.index_cast %swap3A_687 : i32 to index
      %swap3A_689 = arith.constant 16 : index
      %swap3A_690 = tpu.vector_load %arg6[%swap3A_688, %swap3A_689] {strides = array<i32>} : memref<3x64xi32, #tpu.memory_space<vmem>>, vector<1x16xi32>,
      %swap3A_691 = vector.shape_cast %swap3A_690 : vector<1x16xi32> to vector<16xi32>
      %swap3A_692 = vector.shape_cast %shift_right_logical3A_686 : vector<16xi32> to vector<1x16xi32>
      tpu.vector_store %arg6[%swap3A_688, %swap3A_689], %swap3A_692 {strides = array<i32>} : memref<3x64xi32, #tpu.memory_space<vmem>>, vector<1x16xi32>,
      %and3A_693 = arith.constant 65535 : i32
      %and3A_694 = vector.broadcast %and3A_693 : i32 to vector<16xi32>
      %and3A_695 = arith.andi %get3A_683, %and3A_694 : vector<16xi32>
      %swap3A_696 = arith.constant 2 : i32
      %swap3A_697 = arith.index_cast %swap3A_696 : i32 to index
      %swap3A_698 = arith.constant 16 : index
      %swap3A_699 = tpu.vector_load %arg7[%swap3A_697, %swap3A_698] {strides = array<i32>} : memref<3x64xi32, #tpu.memory_space<vmem>>, vector<1x16xi32>,
      %swap3A_700 = vector.shape_cast %swap3A_699 : vector<1x16xi32> to vector<16xi32>
      %swap3A_701 = vector.shape_cast %and3A_695 : vector<16xi32> to vector<1x16xi32>
      tpu.vector_store %arg7[%swap3A_697, %swap3A_698], %swap3A_701 {strides = array<i32>} : memref<3x64xi32, #tpu.memory_space<vmem>>, vector<1x16xi32>,
      %get3A_702 = arith.index_cast %add3A_657 : i32 to index
      %get3A_703 = arith.constant 32 : index
      %get3A_704 = tpu.vector_load %arg5[%get3A_702, %get3A_703] {strides = array<i32>} : memref<159x64xi32, #tpu.memory_space<vmem>>, vector<1x16xi32>,
      %get3A_705 = vector.shape_cast %get3A_704 : vector<1x16xi32> to vector<16xi32>
      %shift_right_logical3A_706 = arith.constant 16 : i32
      %shift_right_logical3A_707 = vector.broadcast %shift_right_logical3A_706 : i32 to vector<16xi32>
      %shift_right_logical3A_708 = arith.shrui %get3A_705, %shift_right_logical3A_707 : vector<16xi32>
      %swap3A_709 = arith.constant 2 : i32
      %swap3A_710 = arith.index_cast %swap3A_709 : i32 to index
      %swap3A_711 = arith.constant 32 : index
      %swap3A_712 = tpu.vector_load %arg6[%swap3A_710, %swap3A_711] {strides = array<i32>} : memref<3x64xi32, #tpu.memory_space<vmem>>, vector<1x16xi32>,
      %swap3A_713 = vector.shape_cast %swap3A_712 : vector<1x16xi32> to vector<16xi32>
      %swap3A_714 = vector.shape_cast %shift_right_logical3A_708 : vector<16xi32> to vector<1x16xi32>
      tpu.vector_store %arg6[%swap3A_710, %swap3A_711], %swap3A_714 {strides = array<i32>} : memref<3x64xi32, #tpu.memory_space<vmem>>, vector<1x16xi32>,
      %and3A_715 = arith.constant 65535 : i32
      %and3A_716 = vector.broadcast %and3A_715 : i32 to vector<16xi32>
      %and3A_717 = arith.andi %get3A_705, %and3A_716 : vector<16xi32>
      %swap3A_718 = arith.constant 2 : i32
      %swap3A_719 = arith.index_cast %swap3A_718 : i32 to index
      %swap3A_720 = arith.constant 32 : index
      %swap3A_721 = tpu.vector_load %arg7[%swap3A_719, %swap3A_720] {strides = array<i32>} : memref<3x64xi32, #tpu.memory_space<vmem>>, vector<1x16xi32>,
      %swap3A_722 = vector.shape_cast %swap3A_721 : vector<1x16xi32> to vector<16xi32>
      %swap3A_723 = vector.shape_cast %and3A_717 : vector<16xi32> to vector<1x16xi32>
      tpu.vector_store %arg7[%swap3A_719, %swap3A_720], %swap3A_723 {strides = array<i32>} : memref<3x64xi32, #tpu.memory_space<vmem>>, vector<1x16xi32>,
      %get3A_724 = arith.index_cast %add3A_657 : i32 to index
      %get3A_725 = arith.constant 48 : index
      %get3A_726 = tpu.vector_load %arg5[%get3A_724, %get3A_725] {strides = array<i32>} : memref<159x64xi32, #tpu.memory_space<vmem>>, vector<1x16xi32>,
      %get3A_727 = vector.shape_cast %get3A_726 : vector<1x16xi32> to vector<16xi32>
      %shift_right_logical3A_728 = arith.constant 16 : i32
      %shift_right_logical3A_729 = vector.broadcast %shift_right_logical3A_728 : i32 to vector<16xi32>
      %shift_right_logical3A_730 = arith.shrui %get3A_727, %shift_right_logical3A_729 : vector<16xi32>
      %swap3A_731 = arith.constant 2 : i32
      %swap3A_732 = arith.index_cast %swap3A_731 : i32 to index
      %swap3A_733 = arith.constant 48 : index
      %swap3A_734 = tpu.vector_load %arg6[%swap3A_732, %swap3A_733] {strides = array<i32>} : memref<3x64xi32, #tpu.memory_space<vmem>>, vector<1x16xi32>,
      %swap3A_735 = vector.shape_cast %swap3A_734 : vector<1x16xi32> to vector<16xi32>
      %swap3A_736 = vector.shape_cast %shift_right_logical3A_730 : vector<16xi32> to vector<1x16xi32>
      tpu.vector_store %arg6[%swap3A_732, %swap3A_733], %swap3A_736 {strides = array<i32>} : memref<3x64xi32, #tpu.memory_space<vmem>>, vector<1x16xi32>,
      %and3A_737 = arith.constant 65535 : i32
      %and3A_738 = vector.broadcast %and3A_737 : i32 to vector<16xi32>
      %and3A_739 = arith.andi %get3A_727, %and3A_738 : vector<16xi32>
      %swap3A_740 = arith.constant 2 : i32
      %swap3A_741 = arith.index_cast %swap3A_740 : i32 to index
      %swap3A_742 = arith.constant 48 : index
      %swap3A_743 = tpu.vector_load %arg7[%swap3A_741, %swap3A_742] {strides = array<i32>} : memref<3x64xi32, #tpu.memory_space<vmem>>, vector<1x16xi32>,
      %swap3A_744 = vector.shape_cast %swap3A_743 : vector<1x16xi32> to vector<16xi32>
      %swap3A_745 = vector.shape_cast %and3A_739 : vector<16xi32> to vector<1x16xi32>
      tpu.vector_store %arg7[%swap3A_741, %swap3A_742], %swap3A_745 {strides = array<i32>} : memref<3x64xi32, #tpu.memory_space<vmem>>, vector<1x16xi32>,
      %add3A_746 = arith.constant 3 : i32
      %add3A_747 = arith.addi %mul3A_384, %add3A_746 : i32
      %add3A_748 = arith.constant 2 : i32
      %add3A_749 = arith.addi %add3A_747, %add3A_748 : i32
      %dma_start3A_750 = arith.constant 2 : i32
      %dma_start3A_751 = arith.constant 0 : i32
      %dma_start3A_752 = tpu.memref_slice %arg6[%dma_start3A_750, %dma_start3A_751] : memref<3x64xi32, #tpu.memory_space<vmem>> -> memref<1x64xi32, #tpu.memory_space<vmem>>
      %dma_start3A_753 = tpu.memref_squeeze %dma_start3A_752 : memref<1x64xi32, #tpu.memory_space<vmem>> -> memref<64xi32, #tpu.memory_space<vmem>>
      %dma_start3A_754 = arith.constant 0 : i32
      %dma_start3A_755 = arith.constant 0 : i32
      %dma_start3A_756 = tpu.memref_slice %arg2[%dma_start3A_754, %dma_start3A_755] : memref<10240x128xf32, #tpu.memory_space<hbm>> -> memref<10240x128xf32, #tpu.memory_space<hbm>>
      tpu.enqueue_indirect_dma source(%dma_start3A_756 : memref<10240x128xf32, #tpu.memory_space<hbm>>) target(%arg10 : memref<64x128xf32, #tpu.memory_space<vmem>>) offsets(%dma_start3A_753 : memref<64xi32, #tpu.memory_space<vmem>>) semaphore(%arg17 : memref<!tpu.dma_semaphore, #tpu.memory_space<semaphore_mem>>)
    }
    %scan3A_307 = arith.constant 52 : i32
    %dma_wait3A = arith.constant 0 : i32
    %dma_wait3A_308 = arith.constant 0 : i32
    %dma_wait3A_309 = tpu.memref_slice %arg6[%dma_wait3A, %dma_wait3A_308] : memref<3x64xi32, #tpu.memory_space<vmem>> -> memref<1x64xi32, #tpu.memory_space<vmem>>
    %dma_wait3A_310 = tpu.memref_squeeze %dma_wait3A_309 : memref<1x64xi32, #tpu.memory_space<vmem>> -> memref<64xi32, #tpu.memory_space<vmem>>
    %dma_wait3A_311 = arith.constant 0 : i32
    %dma_wait3A_312 = arith.constant 0 : i32
    %dma_wait3A_313 = tpu.memref_slice %arg2[%dma_wait3A_311, %dma_wait3A_312] : memref<10240x128xf32, #tpu.memory_space<hbm>> -> memref<10240x128xf32, #tpu.memory_space<hbm>>
    tpu.wait_indirect_dma semaphore(%arg15 : memref<!tpu.dma_semaphore, #tpu.memory_space<semaphore_mem>>) src(%dma_wait3A_313 : memref<10240x128xf32, #tpu.memory_space<hbm>>) dst(%arg8 : memref<64x128xf32, #tpu.memory_space<vmem>>)
    %dma_start3A_314 = arith.constant 0 : i32
    %dma_start3A_315 = arith.constant 0 : i32
    %dma_start3A_316 = tpu.memref_slice %arg7[%dma_start3A_314, %dma_start3A_315] : memref<3x64xi32, #tpu.memory_space<vmem>> -> memref<1x64xi32, #tpu.memory_space<vmem>>
    %dma_start3A_317 = tpu.memref_squeeze %dma_start3A_316 : memref<1x64xi32, #tpu.memory_space<vmem>> -> memref<64xi32, #tpu.memory_space<vmem>>
    %dma_start3A_318 = arith.constant 0 : i32
    %dma_start3A_319 = arith.constant 0 : i32
    %dma_start3A_320 = tpu.memref_slice %arg11[%dma_start3A_318, %dma_start3A_319] : memref<10240x128xf32, #tpu.memory_space<vmem_shared>> -> memref<10240x128xf32, #tpu.memory_space<vmem_shared>>
    tpu.enqueue_indirect_dma source(%arg8 : memref<64x128xf32, #tpu.memory_space<vmem>>) target(%dma_start3A_320 : memref<10240x128xf32, #tpu.memory_space<vmem_shared>>) offsets(%dma_start3A_317 : memref<64xi32, #tpu.memory_space<vmem>>) semaphore(%arg12 : memref<!tpu.dma_semaphore, #tpu.memory_space<semaphore_mem>>) {add = true}
    %dma_wait3A_321 = arith.constant 1 : i32
    %dma_wait3A_322 = arith.constant 0 : i32
    %dma_wait3A_323 = tpu.memref_slice %arg6[%dma_wait3A_321, %dma_wait3A_322] : memref<3x64xi32, #tpu.memory_space<vmem>> -> memref<1x64xi32, #tpu.memory_space<vmem>>
    %dma_wait3A_324 = tpu.memref_squeeze %dma_wait3A_323 : memref<1x64xi32, #tpu.memory_space<vmem>> -> memref<64xi32, #tpu.memory_space<vmem>>
    %dma_wait3A_325 = arith.constant 0 : i32
    %dma_wait3A_326 = arith.constant 0 : i32
    %dma_wait3A_327 = tpu.memref_slice %arg2[%dma_wait3A_325, %dma_wait3A_326] : memref<10240x128xf32, #tpu.memory_space<hbm>> -> memref<10240x128xf32, #tpu.memory_space<hbm>>
    tpu.wait_indirect_dma semaphore(%arg16 : memref<!tpu.dma_semaphore, #tpu.memory_space<semaphore_mem>>) src(%dma_wait3A_327 : memref<10240x128xf32, #tpu.memory_space<hbm>>) dst(%arg9 : memref<64x128xf32, #tpu.memory_space<vmem>>)
    %dma_start3A_328 = arith.constant 1 : i32
    %dma_start3A_329 = arith.constant 0 : i32
    %dma_start3A_330 = tpu.memref_slice %arg7[%dma_start3A_328, %dma_start3A_329] : memref<3x64xi32, #tpu.memory_space<vmem>> -> memref<1x64xi32, #tpu.memory_space<vmem>>
    %dma_start3A_331 = tpu.memref_squeeze %dma_start3A_330 : memref<1x64xi32, #tpu.memory_space<vmem>> -> memref<64xi32, #tpu.memory_space<vmem>>
    %dma_start3A_332 = arith.constant 0 : i32
    %dma_start3A_333 = arith.constant 0 : i32
    %dma_start3A_334 = tpu.memref_slice %arg11[%dma_start3A_332, %dma_start3A_333] : memref<10240x128xf32, #tpu.memory_space<vmem_shared>> -> memref<10240x128xf32, #tpu.memory_space<vmem_shared>>
    tpu.enqueue_indirect_dma source(%arg9 : memref<64x128xf32, #tpu.memory_space<vmem>>) target(%dma_start3A_334 : memref<10240x128xf32, #tpu.memory_space<vmem_shared>>) offsets(%dma_start3A_331 : memref<64xi32, #tpu.memory_space<vmem>>) semaphore(%arg13 : memref<!tpu.dma_semaphore, #tpu.memory_space<semaphore_mem>>) {add = true}
    %dma_wait3A_335 = arith.constant 2 : i32
    %dma_wait3A_336 = arith.constant 0 : i32
    %dma_wait3A_337 = tpu.memref_slice %arg6[%dma_wait3A_335, %dma_wait3A_336] : memref<3x64xi32, #tpu.memory_space<vmem>> -> memref<1x64xi32, #tpu.memory_space<vmem>>
    %dma_wait3A_338 = tpu.memref_squeeze %dma_wait3A_337 : memref<1x64xi32, #tpu.memory_space<vmem>> -> memref<64xi32, #tpu.memory_space<vmem>>
    %dma_wait3A_339 = arith.constant 0 : i32
    %dma_wait3A_340 = arith.constant 0 : i32
    %dma_wait3A_341 = tpu.memref_slice %arg2[%dma_wait3A_339, %dma_wait3A_340] : memref<10240x128xf32, #tpu.memory_space<hbm>> -> memref<10240x128xf32, #tpu.memory_space<hbm>>
    tpu.wait_indirect_dma semaphore(%arg17 : memref<!tpu.dma_semaphore, #tpu.memory_space<semaphore_mem>>) src(%dma_wait3A_341 : memref<10240x128xf32, #tpu.memory_space<hbm>>) dst(%arg10 : memref<64x128xf32, #tpu.memory_space<vmem>>)
    %dma_start3A_342 = arith.constant 2 : i32
    %dma_start3A_343 = arith.constant 0 : i32
    %dma_start3A_344 = tpu.memref_slice %arg7[%dma_start3A_342, %dma_start3A_343] : memref<3x64xi32, #tpu.memory_space<vmem>> -> memref<1x64xi32, #tpu.memory_space<vmem>>
    %dma_start3A_345 = tpu.memref_squeeze %dma_start3A_344 : memref<1x64xi32, #tpu.memory_space<vmem>> -> memref<64xi32, #tpu.memory_space<vmem>>
    %dma_start3A_346 = arith.constant 0 : i32
    %dma_start3A_347 = arith.constant 0 : i32
    %dma_start3A_348 = tpu.memref_slice %arg11[%dma_start3A_346, %dma_start3A_347] : memref<10240x128xf32, #tpu.memory_space<vmem_shared>> -> memref<10240x128xf32, #tpu.memory_space<vmem_shared>>
    tpu.enqueue_indirect_dma source(%arg10 : memref<64x128xf32, #tpu.memory_space<vmem>>) target(%dma_start3A_348 : memref<10240x128xf32, #tpu.memory_space<vmem_shared>>) offsets(%dma_start3A_345 : memref<64xi32, #tpu.memory_space<vmem>>) semaphore(%arg14 : memref<!tpu.dma_semaphore, #tpu.memory_space<semaphore_mem>>) {add = true}
    %dma_wait3A_349 = arith.constant 0 : i32
    %dma_wait3A_350 = arith.constant 0 : i32
    %dma_wait3A_351 = tpu.memref_slice %arg7[%dma_wait3A_349, %dma_wait3A_350] : memref<3x64xi32, #tpu.memory_space<vmem>> -> memref<1x64xi32, #tpu.memory_space<vmem>>
    %dma_wait3A_352 = tpu.memref_squeeze %dma_wait3A_351 : memref<1x64xi32, #tpu.memory_space<vmem>> -> memref<64xi32, #tpu.memory_space<vmem>>
    %dma_wait3A_353 = arith.constant 0 : i32
    %dma_wait3A_354 = arith.constant 0 : i32
    %dma_wait3A_355 = tpu.memref_slice %arg11[%dma_wait3A_353, %dma_wait3A_354] : memref<10240x128xf32, #tpu.memory_space<vmem_shared>> -> memref<10240x128xf32, #tpu.memory_space<vmem_shared>>
    tpu.wait_indirect_dma semaphore(%arg12 : memref<!tpu.dma_semaphore, #tpu.memory_space<semaphore_mem>>) src(%arg8 : memref<64x128xf32, #tpu.memory_space<vmem>>) dst(%dma_wait3A_355 : memref<10240x128xf32, #tpu.memory_space<vmem_shared>>)
    %dma_wait3A_356 = arith.constant 1 : i32
    %dma_wait3A_357 = arith.constant 0 : i32
    %dma_wait3A_358 = tpu.memref_slice %arg7[%dma_wait3A_356, %dma_wait3A_357] : memref<3x64xi32, #tpu.memory_space<vmem>> -> memref<1x64xi32, #tpu.memory_space<vmem>>
    %dma_wait3A_359 = tpu.memref_squeeze %dma_wait3A_358 : memref<1x64xi32, #tpu.memory_space<vmem>> -> memref<64xi32, #tpu.memory_space<vmem>>
    %dma_wait3A_360 = arith.constant 0 : i32
    %dma_wait3A_361 = arith.constant 0 : i32
    %dma_wait3A_362 = tpu.memref_slice %arg11[%dma_wait3A_360, %dma_wait3A_361] : memref<10240x128xf32, #tpu.memory_space<vmem_shared>> -> memref<10240x128xf32, #tpu.memory_space<vmem_shared>>
    tpu.wait_indirect_dma semaphore(%arg13 : memref<!tpu.dma_semaphore, #tpu.memory_space<semaphore_mem>>) src(%arg9 : memref<64x128xf32, #tpu.memory_space<vmem>>) dst(%dma_wait3A_362 : memref<10240x128xf32, #tpu.memory_space<vmem_shared>>)
    %dma_wait3A_363 = arith.constant 2 : i32
    %dma_wait3A_364 = arith.constant 0 : i32
    %dma_wait3A_365 = tpu.memref_slice %arg7[%dma_wait3A_363, %dma_wait3A_364] : memref<3x64xi32, #tpu.memory_space<vmem>> -> memref<1x64xi32, #tpu.memory_space<vmem>>
    %dma_wait3A_366 = tpu.memref_squeeze %dma_wait3A_365 : memref<1x64xi32, #tpu.memory_space<vmem>> -> memref<64xi32, #tpu.memory_space<vmem>>
    %dma_wait3A_367 = arith.constant 0 : i32
    %dma_wait3A_368 = arith.constant 0 : i32
    %dma_wait3A_369 = tpu.memref_slice %arg11[%dma_wait3A_367, %dma_wait3A_368] : memref<10240x128xf32, #tpu.memory_space<vmem_shared>> -> memref<10240x128xf32, #tpu.memory_space<vmem_shared>>
    tpu.wait_indirect_dma semaphore(%arg14 : memref<!tpu.dma_semaphore, #tpu.memory_space<semaphore_mem>>) src(%arg10 : memref<64x128xf32, #tpu.memory_space<vmem>>) dst(%dma_wait3A_369 : memref<10240x128xf32, #tpu.memory_space<vmem_shared>>)
    %barrier3A_370 = arith.constant 0 : index
    tpu.barrier barrier_id(%barrier3A_370)
    %mul3A_371 = arith.constant 640 : i32
    %mul3A_372 = arith.muli %arg1, %mul3A_371 : i32
    %mul3A_373 = arith.constant 10240 : i32
    %mul3A_374 = arith.muli %arg0, %mul3A_373 : i32
    %mul3A_375 = arith.constant 640 : i32
    %mul3A_376 = arith.muli %arg1, %mul3A_375 : i32
    %add3A_377 = arith.addi %mul3A_374, %mul3A_376 : i32
    "tpu.region"() ({
      %run_scoped3A = tpu.sem_alloc : memref<!tpu.dma_semaphore, #tpu.memory_space<semaphore_mem>>
      %dma_start3A_378 = arith.constant 0 : i32
      %dma_start3A_379 = tpu.memref_slice %arg4[%add3A_377, %dma_start3A_378] : memref<20480x128xf32, #tpu.memory_space<hbm>> -> memref<640x128xf32, #tpu.memory_space<hbm>>
      %dma_start3A_380 = arith.constant 0 : i32
      %dma_start3A_381 = tpu.memref_slice %arg11[%mul3A_372, %dma_start3A_380] : memref<10240x128xf32, #tpu.memory_space<vmem_shared>> -> memref<640x128xf32, #tpu.memory_space<vmem_shared>>
      tpu.enqueue_dma source(%dma_start3A_381 : memref<640x128xf32, #tpu.memory_space<vmem_shared>>) target(%dma_start3A_379 : memref<640x128xf32, #tpu.memory_space<hbm>>) target_semaphore(%run_scoped3A : memref<!tpu.dma_semaphore, #tpu.memory_space<semaphore_mem>>)
      %dma_wait3A_382 = arith.constant 0 : i32
      %dma_wait3A_383 = tpu.memref_slice %arg4[%add3A_377, %dma_wait3A_382] : memref<20480x128xf32, #tpu.memory_space<hbm>> -> memref<640x128xf32, #tpu.memory_space<hbm>>
      %dma_wait3A_384 = arith.constant 0 : i32
      %dma_wait3A_385 = tpu.memref_slice %arg11[%mul3A_372, %dma_wait3A_384] : memref<10240x128xf32, #tpu.memory_space<vmem_shared>> -> memref<640x128xf32, #tpu.memory_space<vmem_shared>>
      tpu.wait_dma2 semaphore(%run_scoped3A : memref<!tpu.dma_semaphore, #tpu.memory_space<semaphore_mem>>) src(%dma_wait3A_385 : memref<640x128xf32, #tpu.memory_space<vmem_shared>>) dst(%dma_wait3A_383 : memref<640x128xf32, #tpu.memory_space<hbm>>)
      tpu.yield
    }) : () -> ()
    return
  }
}

#map = affine_map<(d0, d1) -> (0, 0, 0)>
#map1 = affine_map<(d0, d1) -> (0, 0)>
module attributes {stable_mosaic.version = 14 : i64} {
  func.func @_sc_degree(%arg0: i32, %arg1: i32, %arg2: memref<32x80x128xi32, #tpu.memory_space<hbm>>, %arg3: memref<20480x128xf32, #tpu.memory_space<hbm>>, %arg4: memref<80x128xi32, #tpu.memory_space<vmem>>, %arg5: memref<128x128xf32, #tpu.memory_space<vmem>>, %arg6: memref<10240x128xf32, #tpu.memory_space<vmem_shared>>) attributes {dimension_semantics = [#tpu.dimension_semantics<core_parallel>, #tpu.dimension_semantics<subcore_parallel>], iteration_bounds = array<i64: 2, 16>, scalar_prefetch = 0 : i64, scratch_operands = 3 : i64, tpu.core_type = #tpu.core_type<sc_vector_subcore>, window_params = [{transform_indices = #map}, {transform_indices = #map1}]} {
    %mul3A = arith.constant 2 : i32
    %mul3A_0 = arith.muli %arg1, %mul3A : i32
    %add3A = arith.addi %mul3A_0, %arg0 : i32
    %scan3A = arith.constant 0 : i32
    %scan3A_1 = arith.constant 128 : i32
    %scan3A_2 = arith.addi %scan3A, %scan3A_1 : i32
    %scan3A_3 = arith.constant 1 : i32
    scf.for %scan3A_28 = %scan3A to %scan3A_2 step %scan3A_3  : i32 {
      %mul3A_29 = arith.constant 1 : i32
      %mul3A_30 = arith.muli %scan3A_28, %mul3A_29 : i32
      %add3A_31 = arith.constant 0 : i32
      %add3A_32 = arith.addi %add3A_31, %mul3A_30 : i32
      %broadcast_in_dim3A = arith.constant 0.000000e+00 : f32
      %broadcast_in_dim3A_33 = vector.broadcast %broadcast_in_dim3A : f32 to vector<16xf32>
      %swap3A = arith.index_cast %add3A_32 : i32 to index
      %swap3A_34 = arith.constant 0 : index
      %swap3A_35 = tpu.vector_load %arg5[%swap3A, %swap3A_34] {strides = array<i32>} : memref<128x128xf32, #tpu.memory_space<vmem>>, vector<1x16xf32>,
      %swap3A_36 = vector.shape_cast %swap3A_35 : vector<1x16xf32> to vector<16xf32>
      %swap3A_37 = vector.shape_cast %broadcast_in_dim3A_33 : vector<16xf32> to vector<1x16xf32>
      tpu.vector_store %arg5[%swap3A, %swap3A_34], %swap3A_37 {strides = array<i32>} : memref<128x128xf32, #tpu.memory_space<vmem>>, vector<1x16xf32>,
      %broadcast_in_dim3A_38 = arith.constant 0.000000e+00 : f32
      %broadcast_in_dim3A_39 = vector.broadcast %broadcast_in_dim3A_38 : f32 to vector<16xf32>
      %swap3A_40 = arith.index_cast %add3A_32 : i32 to index
      %swap3A_41 = arith.constant 16 : index
      %swap3A_42 = tpu.vector_load %arg5[%swap3A_40, %swap3A_41] {strides = array<i32>} : memref<128x128xf32, #tpu.memory_space<vmem>>, vector<1x16xf32>,
      %swap3A_43 = vector.shape_cast %swap3A_42 : vector<1x16xf32> to vector<16xf32>
      %swap3A_44 = vector.shape_cast %broadcast_in_dim3A_39 : vector<16xf32> to vector<1x16xf32>
      tpu.vector_store %arg5[%swap3A_40, %swap3A_41], %swap3A_44 {strides = array<i32>} : memref<128x128xf32, #tpu.memory_space<vmem>>, vector<1x16xf32>,
      %broadcast_in_dim3A_45 = arith.constant 0.000000e+00 : f32
      %broadcast_in_dim3A_46 = vector.broadcast %broadcast_in_dim3A_45 : f32 to vector<16xf32>
      %swap3A_47 = arith.index_cast %add3A_32 : i32 to index
      %swap3A_48 = arith.constant 32 : index
      %swap3A_49 = tpu.vector_load %arg5[%swap3A_47, %swap3A_48] {strides = array<i32>} : memref<128x128xf32, #tpu.memory_space<vmem>>, vector<1x16xf32>,
      %swap3A_50 = vector.shape_cast %swap3A_49 : vector<1x16xf32> to vector<16xf32>
      %swap3A_51 = vector.shape_cast %broadcast_in_dim3A_46 : vector<16xf32> to vector<1x16xf32>
      tpu.vector_store %arg5[%swap3A_47, %swap3A_48], %swap3A_51 {strides = array<i32>} : memref<128x128xf32, #tpu.memory_space<vmem>>, vector<1x16xf32>,
      %broadcast_in_dim3A_52 = arith.constant 0.000000e+00 : f32
      %broadcast_in_dim3A_53 = vector.broadcast %broadcast_in_dim3A_52 : f32 to vector<16xf32>
      %swap3A_54 = arith.index_cast %add3A_32 : i32 to index
      %swap3A_55 = arith.constant 48 : index
      %swap3A_56 = tpu.vector_load %arg5[%swap3A_54, %swap3A_55] {strides = array<i32>} : memref<128x128xf32, #tpu.memory_space<vmem>>, vector<1x16xf32>,
      %swap3A_57 = vector.shape_cast %swap3A_56 : vector<1x16xf32> to vector<16xf32>
      %swap3A_58 = vector.shape_cast %broadcast_in_dim3A_53 : vector<16xf32> to vector<1x16xf32>
      tpu.vector_store %arg5[%swap3A_54, %swap3A_55], %swap3A_58 {strides = array<i32>} : memref<128x128xf32, #tpu.memory_space<vmem>>, vector<1x16xf32>,
      %broadcast_in_dim3A_59 = arith.constant 0.000000e+00 : f32
      %broadcast_in_dim3A_60 = vector.broadcast %broadcast_in_dim3A_59 : f32 to vector<16xf32>
      %swap3A_61 = arith.index_cast %add3A_32 : i32 to index
      %swap3A_62 = arith.constant 64 : index
      %swap3A_63 = tpu.vector_load %arg5[%swap3A_61, %swap3A_62] {strides = array<i32>} : memref<128x128xf32, #tpu.memory_space<vmem>>, vector<1x16xf32>,
      %swap3A_64 = vector.shape_cast %swap3A_63 : vector<1x16xf32> to vector<16xf32>
      %swap3A_65 = vector.shape_cast %broadcast_in_dim3A_60 : vector<16xf32> to vector<1x16xf32>
      tpu.vector_store %arg5[%swap3A_61, %swap3A_62], %swap3A_65 {strides = array<i32>} : memref<128x128xf32, #tpu.memory_space<vmem>>, vector<1x16xf32>,
      %broadcast_in_dim3A_66 = arith.constant 0.000000e+00 : f32
      %broadcast_in_dim3A_67 = vector.broadcast %broadcast_in_dim3A_66 : f32 to vector<16xf32>
      %swap3A_68 = arith.index_cast %add3A_32 : i32 to index
      %swap3A_69 = arith.constant 80 : index
      %swap3A_70 = tpu.vector_load %arg5[%swap3A_68, %swap3A_69] {strides = array<i32>} : memref<128x128xf32, #tpu.memory_space<vmem>>, vector<1x16xf32>,
      %swap3A_71 = vector.shape_cast %swap3A_70 : vector<1x16xf32> to vector<16xf32>
      %swap3A_72 = vector.shape_cast %broadcast_in_dim3A_67 : vector<16xf32> to vector<1x16xf32>
      tpu.vector_store %arg5[%swap3A_68, %swap3A_69], %swap3A_72 {strides = array<i32>} : memref<128x128xf32, #tpu.memory_space<vmem>>, vector<1x16xf32>,
      %broadcast_in_dim3A_73 = arith.constant 0.000000e+00 : f32
      %broadcast_in_dim3A_74 = vector.broadcast %broadcast_in_dim3A_73 : f32 to vector<16xf32>
      %swap3A_75 = arith.index_cast %add3A_32 : i32 to index
      %swap3A_76 = arith.constant 96 : index
      %swap3A_77 = tpu.vector_load %arg5[%swap3A_75, %swap3A_76] {strides = array<i32>} : memref<128x128xf32, #tpu.memory_space<vmem>>, vector<1x16xf32>,
      %swap3A_78 = vector.shape_cast %swap3A_77 : vector<1x16xf32> to vector<16xf32>
      %swap3A_79 = vector.shape_cast %broadcast_in_dim3A_74 : vector<16xf32> to vector<1x16xf32>
      tpu.vector_store %arg5[%swap3A_75, %swap3A_76], %swap3A_79 {strides = array<i32>} : memref<128x128xf32, #tpu.memory_space<vmem>>, vector<1x16xf32>,
      %broadcast_in_dim3A_80 = arith.constant 0.000000e+00 : f32
      %broadcast_in_dim3A_81 = vector.broadcast %broadcast_in_dim3A_80 : f32 to vector<16xf32>
      %swap3A_82 = arith.index_cast %add3A_32 : i32 to index
      %swap3A_83 = arith.constant 112 : index
      %swap3A_84 = tpu.vector_load %arg5[%swap3A_82, %swap3A_83] {strides = array<i32>} : memref<128x128xf32, #tpu.memory_space<vmem>>, vector<1x16xf32>,
      %swap3A_85 = vector.shape_cast %swap3A_84 : vector<1x16xf32> to vector<16xf32>
      %swap3A_86 = vector.shape_cast %broadcast_in_dim3A_81 : vector<16xf32> to vector<1x16xf32>
      tpu.vector_store %arg5[%swap3A_82, %swap3A_83], %swap3A_86 {strides = array<i32>} : memref<128x128xf32, #tpu.memory_space<vmem>>, vector<1x16xf32>,
    }
    %scan3A_4 = arith.constant 128 : i32
    %scan3A_5 = arith.constant 0 : i32
    %scan3A_6 = arith.constant 5 : i32
    %scan3A_7 = arith.addi %scan3A_5, %scan3A_6 : i32
    %scan3A_8 = arith.constant 1 : i32
    scf.for %scan3A_28 = %scan3A_5 to %scan3A_7 step %scan3A_8  : i32 {
      %mul3A_29 = arith.constant 1 : i32
      %mul3A_30 = arith.muli %scan3A_28, %mul3A_29 : i32
      %add3A_31 = arith.constant 0 : i32
      %add3A_32 = arith.addi %add3A_31, %mul3A_30 : i32
      %mul3A_33 = arith.constant 640 : i32
      %mul3A_34 = arith.muli %arg1, %mul3A_33 : i32
      %mul3A_35 = arith.constant 128 : i32
      %mul3A_36 = arith.muli %add3A_32, %mul3A_35 : i32
      %add3A_37 = arith.addi %mul3A_34, %mul3A_36 : i32
      "tpu.region"() ({
        %run_scoped3A = tpu.sem_alloc : memref<!tpu.dma_semaphore, #tpu.memory_space<semaphore_mem>>
        %dma_start3A = arith.constant 0 : i32
        %dma_start3A_38 = tpu.memref_slice %arg6[%add3A_37, %dma_start3A] : memref<10240x128xf32, #tpu.memory_space<vmem_shared>> -> memref<128x128xf32, #tpu.memory_space<vmem_shared>>
        %dma_start3A_39 = arith.constant 0 : i32
        %dma_start3A_40 = tpu.memref_slice %arg6[%add3A_37, %dma_start3A_39] : memref<10240x128xf32, #tpu.memory_space<vmem_shared>> -> memref<128x128xf32, #tpu.memory_space<vmem_shared>>
        tpu.enqueue_dma source(%arg5 : memref<128x128xf32, #tpu.memory_space<vmem>>) target(%dma_start3A_40 : memref<128x128xf32, #tpu.memory_space<vmem_shared>>) target_semaphore(%run_scoped3A : memref<!tpu.dma_semaphore, #tpu.memory_space<semaphore_mem>>)
        %dma_wait3A = arith.constant 0 : i32
        %dma_wait3A_41 = tpu.memref_slice %arg6[%add3A_37, %dma_wait3A] : memref<10240x128xf32, #tpu.memory_space<vmem_shared>> -> memref<128x128xf32, #tpu.memory_space<vmem_shared>>
        %dma_wait3A_42 = arith.constant 0 : i32
        %dma_wait3A_43 = tpu.memref_slice %arg6[%add3A_37, %dma_wait3A_42] : memref<10240x128xf32, #tpu.memory_space<vmem_shared>> -> memref<128x128xf32, #tpu.memory_space<vmem_shared>>
        tpu.wait_dma2 semaphore(%run_scoped3A : memref<!tpu.dma_semaphore, #tpu.memory_space<semaphore_mem>>) src(%arg5 : memref<128x128xf32, #tpu.memory_space<vmem>>) dst(%dma_wait3A_43 : memref<128x128xf32, #tpu.memory_space<vmem_shared>>)
        tpu.yield
      }) : () -> ()
    }
    %scan3A_9 = arith.constant 5 : i32
    %scan3A_10 = arith.constant 0 : i32
    %scan3A_11 = arith.constant 128 : i32
    %scan3A_12 = arith.addi %scan3A_10, %scan3A_11 : i32
    %scan3A_13 = arith.constant 1 : i32
    scf.for %scan3A_28 = %scan3A_10 to %scan3A_12 step %scan3A_13  : i32 {
      %mul3A_29 = arith.constant 1 : i32
      %mul3A_30 = arith.muli %scan3A_28, %mul3A_29 : i32
      %add3A_31 = arith.constant 0 : i32
      %add3A_32 = arith.addi %add3A_31, %mul3A_30 : i32
      %broadcast_in_dim3A = arith.constant 1.000000e+00 : f32
      %broadcast_in_dim3A_33 = vector.broadcast %broadcast_in_dim3A : f32 to vector<16xf32>
      %swap3A = arith.index_cast %add3A_32 : i32 to index
      %swap3A_34 = arith.constant 0 : index
      %swap3A_35 = tpu.vector_load %arg5[%swap3A, %swap3A_34] {strides = array<i32>} : memref<128x128xf32, #tpu.memory_space<vmem>>, vector<1x16xf32>,
      %swap3A_36 = vector.shape_cast %swap3A_35 : vector<1x16xf32> to vector<16xf32>
      %swap3A_37 = vector.shape_cast %broadcast_in_dim3A_33 : vector<16xf32> to vector<1x16xf32>
      tpu.vector_store %arg5[%swap3A, %swap3A_34], %swap3A_37 {strides = array<i32>} : memref<128x128xf32, #tpu.memory_space<vmem>>, vector<1x16xf32>,
      %broadcast_in_dim3A_38 = arith.constant 1.000000e+00 : f32
      %broadcast_in_dim3A_39 = vector.broadcast %broadcast_in_dim3A_38 : f32 to vector<16xf32>
      %swap3A_40 = arith.index_cast %add3A_32 : i32 to index
      %swap3A_41 = arith.constant 16 : index
      %swap3A_42 = tpu.vector_load %arg5[%swap3A_40, %swap3A_41] {strides = array<i32>} : memref<128x128xf32, #tpu.memory_space<vmem>>, vector<1x16xf32>,
      %swap3A_43 = vector.shape_cast %swap3A_42 : vector<1x16xf32> to vector<16xf32>
      %swap3A_44 = vector.shape_cast %broadcast_in_dim3A_39 : vector<16xf32> to vector<1x16xf32>
      tpu.vector_store %arg5[%swap3A_40, %swap3A_41], %swap3A_44 {strides = array<i32>} : memref<128x128xf32, #tpu.memory_space<vmem>>, vector<1x16xf32>,
      %broadcast_in_dim3A_45 = arith.constant 1.000000e+00 : f32
      %broadcast_in_dim3A_46 = vector.broadcast %broadcast_in_dim3A_45 : f32 to vector<16xf32>
      %swap3A_47 = arith.index_cast %add3A_32 : i32 to index
      %swap3A_48 = arith.constant 32 : index
      %swap3A_49 = tpu.vector_load %arg5[%swap3A_47, %swap3A_48] {strides = array<i32>} : memref<128x128xf32, #tpu.memory_space<vmem>>, vector<1x16xf32>,
      %swap3A_50 = vector.shape_cast %swap3A_49 : vector<1x16xf32> to vector<16xf32>
      %swap3A_51 = vector.shape_cast %broadcast_in_dim3A_46 : vector<16xf32> to vector<1x16xf32>
      tpu.vector_store %arg5[%swap3A_47, %swap3A_48], %swap3A_51 {strides = array<i32>} : memref<128x128xf32, #tpu.memory_space<vmem>>, vector<1x16xf32>,
      %broadcast_in_dim3A_52 = arith.constant 1.000000e+00 : f32
      %broadcast_in_dim3A_53 = vector.broadcast %broadcast_in_dim3A_52 : f32 to vector<16xf32>
      %swap3A_54 = arith.index_cast %add3A_32 : i32 to index
      %swap3A_55 = arith.constant 48 : index
      %swap3A_56 = tpu.vector_load %arg5[%swap3A_54, %swap3A_55] {strides = array<i32>} : memref<128x128xf32, #tpu.memory_space<vmem>>, vector<1x16xf32>,
      %swap3A_57 = vector.shape_cast %swap3A_56 : vector<1x16xf32> to vector<16xf32>
      %swap3A_58 = vector.shape_cast %broadcast_in_dim3A_53 : vector<16xf32> to vector<1x16xf32>
      tpu.vector_store %arg5[%swap3A_54, %swap3A_55], %swap3A_58 {strides = array<i32>} : memref<128x128xf32, #tpu.memory_space<vmem>>, vector<1x16xf32>,
      %broadcast_in_dim3A_59 = arith.constant 1.000000e+00 : f32
      %broadcast_in_dim3A_60 = vector.broadcast %broadcast_in_dim3A_59 : f32 to vector<16xf32>
      %swap3A_61 = arith.index_cast %add3A_32 : i32 to index
      %swap3A_62 = arith.constant 64 : index
      %swap3A_63 = tpu.vector_load %arg5[%swap3A_61, %swap3A_62] {strides = array<i32>} : memref<128x128xf32, #tpu.memory_space<vmem>>, vector<1x16xf32>,
      %swap3A_64 = vector.shape_cast %swap3A_63 : vector<1x16xf32> to vector<16xf32>
      %swap3A_65 = vector.shape_cast %broadcast_in_dim3A_60 : vector<16xf32> to vector<1x16xf32>
      tpu.vector_store %arg5[%swap3A_61, %swap3A_62], %swap3A_65 {strides = array<i32>} : memref<128x128xf32, #tpu.memory_space<vmem>>, vector<1x16xf32>,
      %broadcast_in_dim3A_66 = arith.constant 1.000000e+00 : f32
      %broadcast_in_dim3A_67 = vector.broadcast %broadcast_in_dim3A_66 : f32 to vector<16xf32>
      %swap3A_68 = arith.index_cast %add3A_32 : i32 to index
      %swap3A_69 = arith.constant 80 : index
      %swap3A_70 = tpu.vector_load %arg5[%swap3A_68, %swap3A_69] {strides = array<i32>} : memref<128x128xf32, #tpu.memory_space<vmem>>, vector<1x16xf32>,
      %swap3A_71 = vector.shape_cast %swap3A_70 : vector<1x16xf32> to vector<16xf32>
      %swap3A_72 = vector.shape_cast %broadcast_in_dim3A_67 : vector<16xf32> to vector<1x16xf32>
      tpu.vector_store %arg5[%swap3A_68, %swap3A_69], %swap3A_72 {strides = array<i32>} : memref<128x128xf32, #tpu.memory_space<vmem>>, vector<1x16xf32>,
      %broadcast_in_dim3A_73 = arith.constant 1.000000e+00 : f32
      %broadcast_in_dim3A_74 = vector.broadcast %broadcast_in_dim3A_73 : f32 to vector<16xf32>
      %swap3A_75 = arith.index_cast %add3A_32 : i32 to index
      %swap3A_76 = arith.constant 96 : index
      %swap3A_77 = tpu.vector_load %arg5[%swap3A_75, %swap3A_76] {strides = array<i32>} : memref<128x128xf32, #tpu.memory_space<vmem>>, vector<1x16xf32>,
      %swap3A_78 = vector.shape_cast %swap3A_77 : vector<1x16xf32> to vector<16xf32>
      %swap3A_79 = vector.shape_cast %broadcast_in_dim3A_74 : vector<16xf32> to vector<1x16xf32>
      tpu.vector_store %arg5[%swap3A_75, %swap3A_76], %swap3A_79 {strides = array<i32>} : memref<128x128xf32, #tpu.memory_space<vmem>>, vector<1x16xf32>,
      %broadcast_in_dim3A_80 = arith.constant 1.000000e+00 : f32
      %broadcast_in_dim3A_81 = vector.broadcast %broadcast_in_dim3A_80 : f32 to vector<16xf32>
      %swap3A_82 = arith.index_cast %add3A_32 : i32 to index
      %swap3A_83 = arith.constant 112 : index
      %swap3A_84 = tpu.vector_load %arg5[%swap3A_82, %swap3A_83] {strides = array<i32>} : memref<128x128xf32, #tpu.memory_space<vmem>>, vector<1x16xf32>,
      %swap3A_85 = vector.shape_cast %swap3A_84 : vector<1x16xf32> to vector<16xf32>
      %swap3A_86 = vector.shape_cast %broadcast_in_dim3A_81 : vector<16xf32> to vector<1x16xf32>
      tpu.vector_store %arg5[%swap3A_82, %swap3A_83], %swap3A_86 {strides = array<i32>} : memref<128x128xf32, #tpu.memory_space<vmem>>, vector<1x16xf32>,
    }
    %scan3A_14 = arith.constant 128 : i32
    "tpu.region"() ({
      %run_scoped3A = tpu.sem_alloc : memref<!tpu.dma_semaphore, #tpu.memory_space<semaphore_mem>>
      %dma_start3A = arith.constant 0 : i32
      %dma_start3A_28 = arith.constant 0 : i32
      %dma_start3A_29 = tpu.memref_slice %arg2[%add3A, %dma_start3A, %dma_start3A_28] : memref<32x80x128xi32, #tpu.memory_space<hbm>> -> memref<1x80x128xi32, #tpu.memory_space<hbm>>
      %dma_start3A_30 = tpu.memref_squeeze %dma_start3A_29 : memref<1x80x128xi32, #tpu.memory_space<hbm>> -> memref<80x128xi32, #tpu.memory_space<hbm>>
      %dma_start3A_31 = arith.constant 0 : i32
      %dma_start3A_32 = arith.constant 0 : i32
      %dma_start3A_33 = tpu.memref_slice %arg2[%add3A, %dma_start3A_31, %dma_start3A_32] : memref<32x80x128xi32, #tpu.memory_space<hbm>> -> memref<1x80x128xi32, #tpu.memory_space<hbm>>
      %dma_start3A_34 = tpu.memref_squeeze %dma_start3A_33 : memref<1x80x128xi32, #tpu.memory_space<hbm>> -> memref<80x128xi32, #tpu.memory_space<hbm>>
      tpu.enqueue_dma source(%dma_start3A_34 : memref<80x128xi32, #tpu.memory_space<hbm>>) target(%arg4 : memref<80x128xi32, #tpu.memory_space<vmem>>) target_semaphore(%run_scoped3A : memref<!tpu.dma_semaphore, #tpu.memory_space<semaphore_mem>>)
      %dma_wait3A = arith.constant 0 : i32
      %dma_wait3A_35 = arith.constant 0 : i32
      %dma_wait3A_36 = tpu.memref_slice %arg2[%add3A, %dma_wait3A, %dma_wait3A_35] : memref<32x80x128xi32, #tpu.memory_space<hbm>> -> memref<1x80x128xi32, #tpu.memory_space<hbm>>
      %dma_wait3A_37 = tpu.memref_squeeze %dma_wait3A_36 : memref<1x80x128xi32, #tpu.memory_space<hbm>> -> memref<80x128xi32, #tpu.memory_space<hbm>>
      %dma_wait3A_38 = arith.constant 0 : i32
      %dma_wait3A_39 = arith.constant 0 : i32
      %dma_wait3A_40 = tpu.memref_slice %arg2[%add3A, %dma_wait3A_38, %dma_wait3A_39] : memref<32x80x128xi32, #tpu.memory_space<hbm>> -> memref<1x80x128xi32, #tpu.memory_space<hbm>>
      %dma_wait3A_41 = tpu.memref_squeeze %dma_wait3A_40 : memref<1x80x128xi32, #tpu.memory_space<hbm>> -> memref<80x128xi32, #tpu.memory_space<hbm>>
      tpu.wait_dma2 semaphore(%run_scoped3A : memref<!tpu.dma_semaphore, #tpu.memory_space<semaphore_mem>>) src(%dma_wait3A_41 : memref<80x128xi32, #tpu.memory_space<hbm>>) dst(%arg4 : memref<80x128xi32, #tpu.memory_space<vmem>>)
      tpu.yield
    }) : () -> ()
    %barrier3A = arith.constant 0 : index
    tpu.barrier barrier_id(%barrier3A)
    %scan3A_15 = arith.constant 0 : i32
    %scan3A_16 = arith.constant 80 : i32
    %scan3A_17 = arith.addi %scan3A_15, %scan3A_16 : i32
    %scan3A_18 = arith.constant 1 : i32
    scf.for %scan3A_28 = %scan3A_15 to %scan3A_17 step %scan3A_18  : i32 {
      %mul3A_29 = arith.constant 1 : i32
      %mul3A_30 = arith.muli %scan3A_28, %mul3A_29 : i32
      %add3A_31 = arith.constant 0 : i32
      %add3A_32 = arith.addi %add3A_31, %mul3A_30 : i32
      "tpu.region"() ({
        %run_scoped3A = tpu.sem_alloc : memref<!tpu.dma_semaphore, #tpu.memory_space<semaphore_mem>>
        %dma_start3A = arith.constant 0 : i32
        %dma_start3A_33 = tpu.memref_slice %arg4[%add3A_32, %dma_start3A] : memref<80x128xi32, #tpu.memory_space<vmem>> -> memref<1x128xi32, #tpu.memory_space<vmem>>
        %dma_start3A_34 = tpu.memref_squeeze %dma_start3A_33 : memref<1x128xi32, #tpu.memory_space<vmem>> -> memref<128xi32, #tpu.memory_space<vmem>>
        %dma_start3A_35 = arith.constant 0 : i32
        %dma_start3A_36 = arith.constant 0 : i32
        %dma_start3A_37 = tpu.memref_slice %arg6[%dma_start3A_35, %dma_start3A_36] : memref<10240x128xf32, #tpu.memory_space<vmem_shared>> -> memref<10240x128xf32, #tpu.memory_space<vmem_shared>>
        tpu.enqueue_indirect_dma source(%arg5 : memref<128x128xf32, #tpu.memory_space<vmem>>) target(%dma_start3A_37 : memref<10240x128xf32, #tpu.memory_space<vmem_shared>>) offsets(%dma_start3A_34 : memref<128xi32, #tpu.memory_space<vmem>>) semaphore(%run_scoped3A : memref<!tpu.dma_semaphore, #tpu.memory_space<semaphore_mem>>) {add = true}
        %dma_wait3A = arith.constant 0 : i32
        %dma_wait3A_38 = tpu.memref_slice %arg4[%add3A_32, %dma_wait3A] : memref<80x128xi32, #tpu.memory_space<vmem>> -> memref<1x128xi32, #tpu.memory_space<vmem>>
        %dma_wait3A_39 = tpu.memref_squeeze %dma_wait3A_38 : memref<1x128xi32, #tpu.memory_space<vmem>> -> memref<128xi32, #tpu.memory_space<vmem>>
        %dma_wait3A_40 = arith.constant 0 : i32
        %dma_wait3A_41 = arith.constant 0 : i32
        %dma_wait3A_42 = tpu.memref_slice %arg6[%dma_wait3A_40, %dma_wait3A_41] : memref<10240x128xf32, #tpu.memory_space<vmem_shared>> -> memref<10240x128xf32, #tpu.memory_space<vmem_shared>>
        tpu.wait_indirect_dma semaphore(%run_scoped3A : memref<!tpu.dma_semaphore, #tpu.memory_space<semaphore_mem>>) src(%arg5 : memref<128x128xf32, #tpu.memory_space<vmem>>) dst(%dma_wait3A_42 : memref<10240x128xf32, #tpu.memory_space<vmem_shared>>)
        tpu.yield
      }) : () -> ()
    }
    %scan3A_19 = arith.constant 80 : i32
    %barrier3A_20 = arith.constant 0 : index
    tpu.barrier barrier_id(%barrier3A_20)
    %mul3A_21 = arith.constant 640 : i32
    %mul3A_22 = arith.muli %arg1, %mul3A_21 : i32
    %mul3A_23 = arith.constant 10240 : i32
    %mul3A_24 = arith.muli %arg0, %mul3A_23 : i32
    %mul3A_25 = arith.constant 640 : i32
    %mul3A_26 = arith.muli %arg1, %mul3A_25 : i32
    %add3A_27 = arith.addi %mul3A_24, %mul3A_26 : i32
    "tpu.region"() ({
      %run_scoped3A = tpu.sem_alloc : memref<!tpu.dma_semaphore, #tpu.memory_space<semaphore_mem>>
      %dma_start3A = arith.constant 0 : i32
      %dma_start3A_28 = tpu.memref_slice %arg3[%add3A_27, %dma_start3A] : memref<20480x128xf32, #tpu.memory_space<hbm>> -> memref<640x128xf32, #tpu.memory_space<hbm>>
      %dma_start3A_29 = arith.constant 0 : i32
      %dma_start3A_30 = tpu.memref_slice %arg6[%mul3A_22, %dma_start3A_29] : memref<10240x128xf32, #tpu.memory_space<vmem_shared>> -> memref<640x128xf32, #tpu.memory_space<vmem_shared>>
      tpu.enqueue_dma source(%dma_start3A_30 : memref<640x128xf32, #tpu.memory_space<vmem_shared>>) target(%dma_start3A_28 : memref<640x128xf32, #tpu.memory_space<hbm>>) target_semaphore(%run_scoped3A : memref<!tpu.dma_semaphore, #tpu.memory_space<semaphore_mem>>)
      %dma_wait3A = arith.constant 0 : i32
      %dma_wait3A_31 = tpu.memref_slice %arg3[%add3A_27, %dma_wait3A] : memref<20480x128xf32, #tpu.memory_space<hbm>> -> memref<640x128xf32, #tpu.memory_space<hbm>>
      %dma_wait3A_32 = arith.constant 0 : i32
      %dma_wait3A_33 = tpu.memref_slice %arg6[%mul3A_22, %dma_wait3A_32] : memref<10240x128xf32, #tpu.memory_space<vmem_shared>> -> memref<640x128xf32, #tpu.memory_space<vmem_shared>>
      tpu.wait_dma2 semaphore(%run_scoped3A : memref<!tpu.dma_semaphore, #tpu.memory_space<semaphore_mem>>) src(%dma_wait3A_33 : memref<640x128xf32, #tpu.memory_space<vmem_shared>>) dst(%dma_wait3A_31 : memref<640x128xf32, #tpu.memory_space<hbm>>)
      tpu.yield
    }) : () -> ()
    return
  }
}

#map = affine_map<(d0, d1) -> (0, 0)>
#map1 = affine_map<(d0, d1) -> (0, 0, 0)>
module attributes {stable_mosaic.version = 14 : i64} {
  func.func @_sc_aggregate(%arg0: i32, %arg1: i32, %arg2: memref<10240x128xf32, #tpu.memory_space<hbm>>, %arg3: memref<32x159x64xi32, #tpu.memory_space<hbm>>, %arg4: memref<20480x128xf32, #tpu.memory_space<hbm>>, %arg5: memref<159x64xi32, #tpu.memory_space<vmem>>, %arg6: memref<3x64xi32, #tpu.memory_space<vmem>>, %arg7: memref<3x64xi32, #tpu.memory_space<vmem>>, %arg8: memref<64x128xf32, #tpu.memory_space<vmem>>, %arg9: memref<64x128xf32, #tpu.memory_space<vmem>>, %arg10: memref<64x128xf32, #tpu.memory_space<vmem>>, %arg11: memref<10240x128xf32, #tpu.memory_space<vmem_shared>>, %arg12: memref<!tpu.dma_semaphore, #tpu.memory_space<semaphore_mem>>, %arg13: memref<!tpu.dma_semaphore, #tpu.memory_space<semaphore_mem>>, %arg14: memref<!tpu.dma_semaphore, #tpu.memory_space<semaphore_mem>>, %arg15: memref<!tpu.dma_semaphore, #tpu.memory_space<semaphore_mem>>, %arg16: memref<!tpu.dma_semaphore, #tpu.memory_space<semaphore_mem>>, %arg17: memref<!tpu.dma_semaphore, #tpu.memory_space<semaphore_mem>>) attributes {dimension_semantics = [#tpu.dimension_semantics<core_parallel>, #tpu.dimension_semantics<subcore_parallel>], iteration_bounds = array<i64: 2, 16>, scalar_prefetch = 0 : i64, scratch_operands = 13 : i64, tpu.core_type = #tpu.core_type<sc_vector_subcore>, window_params = [{transform_indices = #map}, {transform_indices = #map1}, {transform_indices = #map}]} {
    %mul3A = arith.constant 2 : i32
    %mul3A_0 = arith.muli %arg1, %mul3A : i32
    %sub3A = arith.constant 1 : i32
    %sub3A_1 = arith.subi %sub3A, %arg0 : i32
    %add3A = arith.addi %mul3A_0, %sub3A_1 : i32
    %scan3A = arith.constant 0 : i32
    %scan3A_2 = arith.constant 64 : i32
    %scan3A_3 = arith.addi %scan3A, %scan3A_2 : i32
    %scan3A_4 = arith.constant 1 : i32
    scf.for %scan3A_378 = %scan3A to %scan3A_3 step %scan3A_4  : i32 {
      %mul3A_379 = arith.constant 1 : i32
      %mul3A_380 = arith.muli %scan3A_378, %mul3A_379 : i32
      %add3A_381 = arith.constant 0 : i32
      %add3A_382 = arith.addi %add3A_381, %mul3A_380 : i32
      %broadcast_in_dim3A = arith.constant 0.000000e+00 : f32
      %broadcast_in_dim3A_383 = vector.broadcast %broadcast_in_dim3A : f32 to vector<16xf32>
      %swap3A_384 = arith.index_cast %add3A_382 : i32 to index
      %swap3A_385 = arith.constant 0 : index
      %swap3A_386 = tpu.vector_load %arg8[%swap3A_384, %swap3A_385] {strides = array<i32>} : memref<64x128xf32, #tpu.memory_space<vmem>>, vector<1x16xf32>,
      %swap3A_387 = vector.shape_cast %swap3A_386 : vector<1x16xf32> to vector<16xf32>
      %swap3A_388 = vector.shape_cast %broadcast_in_dim3A_383 : vector<16xf32> to vector<1x16xf32>
      tpu.vector_store %arg8[%swap3A_384, %swap3A_385], %swap3A_388 {strides = array<i32>} : memref<64x128xf32, #tpu.memory_space<vmem>>, vector<1x16xf32>,
      %broadcast_in_dim3A_389 = arith.constant 0.000000e+00 : f32
      %broadcast_in_dim3A_390 = vector.broadcast %broadcast_in_dim3A_389 : f32 to vector<16xf32>
      %swap3A_391 = arith.index_cast %add3A_382 : i32 to index
      %swap3A_392 = arith.constant 16 : index
      %swap3A_393 = tpu.vector_load %arg8[%swap3A_391, %swap3A_392] {strides = array<i32>} : memref<64x128xf32, #tpu.memory_space<vmem>>, vector<1x16xf32>,
      %swap3A_394 = vector.shape_cast %swap3A_393 : vector<1x16xf32> to vector<16xf32>
      %swap3A_395 = vector.shape_cast %broadcast_in_dim3A_390 : vector<16xf32> to vector<1x16xf32>
      tpu.vector_store %arg8[%swap3A_391, %swap3A_392], %swap3A_395 {strides = array<i32>} : memref<64x128xf32, #tpu.memory_space<vmem>>, vector<1x16xf32>,
      %broadcast_in_dim3A_396 = arith.constant 0.000000e+00 : f32
      %broadcast_in_dim3A_397 = vector.broadcast %broadcast_in_dim3A_396 : f32 to vector<16xf32>
      %swap3A_398 = arith.index_cast %add3A_382 : i32 to index
      %swap3A_399 = arith.constant 32 : index
      %swap3A_400 = tpu.vector_load %arg8[%swap3A_398, %swap3A_399] {strides = array<i32>} : memref<64x128xf32, #tpu.memory_space<vmem>>, vector<1x16xf32>,
      %swap3A_401 = vector.shape_cast %swap3A_400 : vector<1x16xf32> to vector<16xf32>
      %swap3A_402 = vector.shape_cast %broadcast_in_dim3A_397 : vector<16xf32> to vector<1x16xf32>
      tpu.vector_store %arg8[%swap3A_398, %swap3A_399], %swap3A_402 {strides = array<i32>} : memref<64x128xf32, #tpu.memory_space<vmem>>, vector<1x16xf32>,
      %broadcast_in_dim3A_403 = arith.constant 0.000000e+00 : f32
      %broadcast_in_dim3A_404 = vector.broadcast %broadcast_in_dim3A_403 : f32 to vector<16xf32>
      %swap3A_405 = arith.index_cast %add3A_382 : i32 to index
      %swap3A_406 = arith.constant 48 : index
      %swap3A_407 = tpu.vector_load %arg8[%swap3A_405, %swap3A_406] {strides = array<i32>} : memref<64x128xf32, #tpu.memory_space<vmem>>, vector<1x16xf32>,
      %swap3A_408 = vector.shape_cast %swap3A_407 : vector<1x16xf32> to vector<16xf32>
      %swap3A_409 = vector.shape_cast %broadcast_in_dim3A_404 : vector<16xf32> to vector<1x16xf32>
      tpu.vector_store %arg8[%swap3A_405, %swap3A_406], %swap3A_409 {strides = array<i32>} : memref<64x128xf32, #tpu.memory_space<vmem>>, vector<1x16xf32>,
      %broadcast_in_dim3A_410 = arith.constant 0.000000e+00 : f32
      %broadcast_in_dim3A_411 = vector.broadcast %broadcast_in_dim3A_410 : f32 to vector<16xf32>
      %swap3A_412 = arith.index_cast %add3A_382 : i32 to index
      %swap3A_413 = arith.constant 64 : index
      %swap3A_414 = tpu.vector_load %arg8[%swap3A_412, %swap3A_413] {strides = array<i32>} : memref<64x128xf32, #tpu.memory_space<vmem>>, vector<1x16xf32>,
      %swap3A_415 = vector.shape_cast %swap3A_414 : vector<1x16xf32> to vector<16xf32>
      %swap3A_416 = vector.shape_cast %broadcast_in_dim3A_411 : vector<16xf32> to vector<1x16xf32>
      tpu.vector_store %arg8[%swap3A_412, %swap3A_413], %swap3A_416 {strides = array<i32>} : memref<64x128xf32, #tpu.memory_space<vmem>>, vector<1x16xf32>,
      %broadcast_in_dim3A_417 = arith.constant 0.000000e+00 : f32
      %broadcast_in_dim3A_418 = vector.broadcast %broadcast_in_dim3A_417 : f32 to vector<16xf32>
      %swap3A_419 = arith.index_cast %add3A_382 : i32 to index
      %swap3A_420 = arith.constant 80 : index
      %swap3A_421 = tpu.vector_load %arg8[%swap3A_419, %swap3A_420] {strides = array<i32>} : memref<64x128xf32, #tpu.memory_space<vmem>>, vector<1x16xf32>,
      %swap3A_422 = vector.shape_cast %swap3A_421 : vector<1x16xf32> to vector<16xf32>
      %swap3A_423 = vector.shape_cast %broadcast_in_dim3A_418 : vector<16xf32> to vector<1x16xf32>
      tpu.vector_store %arg8[%swap3A_419, %swap3A_420], %swap3A_423 {strides = array<i32>} : memref<64x128xf32, #tpu.memory_space<vmem>>, vector<1x16xf32>,
      %broadcast_in_dim3A_424 = arith.constant 0.000000e+00 : f32
      %broadcast_in_dim3A_425 = vector.broadcast %broadcast_in_dim3A_424 : f32 to vector<16xf32>
      %swap3A_426 = arith.index_cast %add3A_382 : i32 to index
      %swap3A_427 = arith.constant 96 : index
      %swap3A_428 = tpu.vector_load %arg8[%swap3A_426, %swap3A_427] {strides = array<i32>} : memref<64x128xf32, #tpu.memory_space<vmem>>, vector<1x16xf32>,
      %swap3A_429 = vector.shape_cast %swap3A_428 : vector<1x16xf32> to vector<16xf32>
      %swap3A_430 = vector.shape_cast %broadcast_in_dim3A_425 : vector<16xf32> to vector<1x16xf32>
      tpu.vector_store %arg8[%swap3A_426, %swap3A_427], %swap3A_430 {strides = array<i32>} : memref<64x128xf32, #tpu.memory_space<vmem>>, vector<1x16xf32>,
      %broadcast_in_dim3A_431 = arith.constant 0.000000e+00 : f32
      %broadcast_in_dim3A_432 = vector.broadcast %broadcast_in_dim3A_431 : f32 to vector<16xf32>
      %swap3A_433 = arith.index_cast %add3A_382 : i32 to index
      %swap3A_434 = arith.constant 112 : index
      %swap3A_435 = tpu.vector_load %arg8[%swap3A_433, %swap3A_434] {strides = array<i32>} : memref<64x128xf32, #tpu.memory_space<vmem>>, vector<1x16xf32>,
      %swap3A_436 = vector.shape_cast %swap3A_435 : vector<1x16xf32> to vector<16xf32>
      %swap3A_437 = vector.shape_cast %broadcast_in_dim3A_432 : vector<16xf32> to vector<1x16xf32>
      tpu.vector_store %arg8[%swap3A_433, %swap3A_434], %swap3A_437 {strides = array<i32>} : memref<64x128xf32, #tpu.memory_space<vmem>>, vector<1x16xf32>,
    }
    %scan3A_5 = arith.constant 64 : i32
    %scan3A_6 = arith.constant 0 : i32
    %scan3A_7 = arith.constant 10 : i32
    %scan3A_8 = arith.addi %scan3A_6, %scan3A_7 : i32
    %scan3A_9 = arith.constant 1 : i32
    scf.for %scan3A_378 = %scan3A_6 to %scan3A_8 step %scan3A_9  : i32 {
      %mul3A_379 = arith.constant 1 : i32
      %mul3A_380 = arith.muli %scan3A_378, %mul3A_379 : i32
      %add3A_381 = arith.constant 0 : i32
      %add3A_382 = arith.addi %add3A_381, %mul3A_380 : i32
      %mul3A_383 = arith.constant 640 : i32
      %mul3A_384 = arith.muli %arg1, %mul3A_383 : i32
      %mul3A_385 = arith.constant 64 : i32
      %mul3A_386 = arith.muli %add3A_382, %mul3A_385 : i32
      %add3A_387 = arith.addi %mul3A_384, %mul3A_386 : i32
      "tpu.region"() ({
        %run_scoped3A = tpu.sem_alloc : memref<!tpu.dma_semaphore, #tpu.memory_space<semaphore_mem>>
        %dma_start3A_388 = arith.constant 0 : i32
        %dma_start3A_389 = tpu.memref_slice %arg11[%add3A_387, %dma_start3A_388] : memref<10240x128xf32, #tpu.memory_space<vmem_shared>> -> memref<64x128xf32, #tpu.memory_space<vmem_shared>>
        %dma_start3A_390 = arith.constant 0 : i32
        %dma_start3A_391 = tpu.memref_slice %arg11[%add3A_387, %dma_start3A_390] : memref<10240x128xf32, #tpu.memory_space<vmem_shared>> -> memref<64x128xf32, #tpu.memory_space<vmem_shared>>
        tpu.enqueue_dma source(%arg8 : memref<64x128xf32, #tpu.memory_space<vmem>>) target(%dma_start3A_391 : memref<64x128xf32, #tpu.memory_space<vmem_shared>>) target_semaphore(%run_scoped3A : memref<!tpu.dma_semaphore, #tpu.memory_space<semaphore_mem>>)
        %dma_wait3A_392 = arith.constant 0 : i32
        %dma_wait3A_393 = tpu.memref_slice %arg11[%add3A_387, %dma_wait3A_392] : memref<10240x128xf32, #tpu.memory_space<vmem_shared>> -> memref<64x128xf32, #tpu.memory_space<vmem_shared>>
        %dma_wait3A_394 = arith.constant 0 : i32
        %dma_wait3A_395 = tpu.memref_slice %arg11[%add3A_387, %dma_wait3A_394] : memref<10240x128xf32, #tpu.memory_space<vmem_shared>> -> memref<64x128xf32, #tpu.memory_space<vmem_shared>>
        tpu.wait_dma2 semaphore(%run_scoped3A : memref<!tpu.dma_semaphore, #tpu.memory_space<semaphore_mem>>) src(%arg8 : memref<64x128xf32, #tpu.memory_space<vmem>>) dst(%dma_wait3A_395 : memref<64x128xf32, #tpu.memory_space<vmem_shared>>)
        tpu.yield
      }) : () -> ()
    }
    %scan3A_10 = arith.constant 10 : i32
    "tpu.region"() ({
      %run_scoped3A = tpu.sem_alloc : memref<!tpu.dma_semaphore, #tpu.memory_space<semaphore_mem>>
      %dma_start3A_378 = arith.constant 0 : i32
      %dma_start3A_379 = arith.constant 0 : i32
      %dma_start3A_380 = tpu.memref_slice %arg3[%add3A, %dma_start3A_378, %dma_start3A_379] : memref<32x159x64xi32, #tpu.memory_space<hbm>> -> memref<1x159x64xi32, #tpu.memory_space<hbm>>
      %dma_start3A_381 = tpu.memref_squeeze %dma_start3A_380 : memref<1x159x64xi32, #tpu.memory_space<hbm>> -> memref<159x64xi32, #tpu.memory_space<hbm>>
      %dma_start3A_382 = arith.constant 0 : i32
      %dma_start3A_383 = arith.constant 0 : i32
      %dma_start3A_384 = tpu.memref_slice %arg3[%add3A, %dma_start3A_382, %dma_start3A_383] : memref<32x159x64xi32, #tpu.memory_space<hbm>> -> memref<1x159x64xi32, #tpu.memory_space<hbm>>
      %dma_start3A_385 = tpu.memref_squeeze %dma_start3A_384 : memref<1x159x64xi32, #tpu.memory_space<hbm>> -> memref<159x64xi32, #tpu.memory_space<hbm>>
      tpu.enqueue_dma source(%dma_start3A_385 : memref<159x64xi32, #tpu.memory_space<hbm>>) target(%arg5 : memref<159x64xi32, #tpu.memory_space<vmem>>) target_semaphore(%run_scoped3A : memref<!tpu.dma_semaphore, #tpu.memory_space<semaphore_mem>>)
      %dma_wait3A_386 = arith.constant 0 : i32
      %dma_wait3A_387 = arith.constant 0 : i32
      %dma_wait3A_388 = tpu.memref_slice %arg3[%add3A, %dma_wait3A_386, %dma_wait3A_387] : memref<32x159x64xi32, #tpu.memory_space<hbm>> -> memref<1x159x64xi32, #tpu.memory_space<hbm>>
      %dma_wait3A_389 = tpu.memref_squeeze %dma_wait3A_388 : memref<1x159x64xi32, #tpu.memory_space<hbm>> -> memref<159x64xi32, #tpu.memory_space<hbm>>
      %dma_wait3A_390 = arith.constant 0 : i32
      %dma_wait3A_391 = arith.constant 0 : i32
      %dma_wait3A_392 = tpu.memref_slice %arg3[%add3A, %dma_wait3A_390, %dma_wait3A_391] : memref<32x159x64xi32, #tpu.memory_space<hbm>> -> memref<1x159x64xi32, #tpu.memory_space<hbm>>
      %dma_wait3A_393 = tpu.memref_squeeze %dma_wait3A_392 : memref<1x159x64xi32, #tpu.memory_space<hbm>> -> memref<159x64xi32, #tpu.memory_space<hbm>>
      tpu.wait_dma2 semaphore(%run_scoped3A : memref<!tpu.dma_semaphore, #tpu.memory_space<semaphore_mem>>) src(%dma_wait3A_393 : memref<159x64xi32, #tpu.memory_space<hbm>>) dst(%arg5 : memref<159x64xi32, #tpu.memory_space<vmem>>)
      tpu.yield
    }) : () -> ()
    %barrier3A = arith.constant 0 : index
    tpu.barrier barrier_id(%barrier3A)
    %get3A = arith.constant 0 : i32
    %get3A_11 = arith.index_cast %get3A : i32 to index
    %get3A_12 = arith.constant 0 : index
    %get3A_13 = tpu.vector_load %arg5[%get3A_11, %get3A_12] {strides = array<i32>} : memref<159x64xi32, #tpu.memory_space<vmem>>, vector<1x16xi32>,
    %get3A_14 = vector.shape_cast %get3A_13 : vector<1x16xi32> to vector<16xi32>
    %shift_right_logical3A = arith.constant 16 : i32
    %shift_right_logical3A_15 = vector.broadcast %shift_right_logical3A : i32 to vector<16xi32>
    %shift_right_logical3A_16 = arith.shrui %get3A_14, %shift_right_logical3A_15 : vector<16xi32>
    %swap3A = arith.constant 0 : i32
    %swap3A_17 = arith.index_cast %swap3A : i32 to index
    %swap3A_18 = arith.constant 0 : index
    %swap3A_19 = tpu.vector_load %arg6[%swap3A_17, %swap3A_18] {strides = array<i32>} : memref<3x64xi32, #tpu.memory_space<vmem>>, vector<1x16xi32>,
    %swap3A_20 = vector.shape_cast %swap3A_19 : vector<1x16xi32> to vector<16xi32>
    %swap3A_21 = vector.shape_cast %shift_right_logical3A_16 : vector<16xi32> to vector<1x16xi32>
    tpu.vector_store %arg6[%swap3A_17, %swap3A_18], %swap3A_21 {strides = array<i32>} : memref<3x64xi32, #tpu.memory_space<vmem>>, vector<1x16xi32>,
    %and3A = arith.constant 65535 : i32
    %and3A_22 = vector.broadcast %and3A : i32 to vector<16xi32>
    %and3A_23 = arith.andi %get3A_14, %and3A_22 : vector<16xi32>
    %swap3A_24 = arith.constant 0 : i32
    %swap3A_25 = arith.index_cast %swap3A_24 : i32 to index
    %swap3A_26 = arith.constant 0 : index
    %swap3A_27 = tpu.vector_load %arg7[%swap3A_25, %swap3A_26] {strides = array<i32>} : memref<3x64xi32, #tpu.memory_space<vmem>>, vector<1x16xi32>,
    %swap3A_28 = vector.shape_cast %swap3A_27 : vector<1x16xi32> to vector<16xi32>
    %swap3A_29 = vector.shape_cast %and3A_23 : vector<16xi32> to vector<1x16xi32>
    tpu.vector_store %arg7[%swap3A_25, %swap3A_26], %swap3A_29 {strides = array<i32>} : memref<3x64xi32, #tpu.memory_space<vmem>>, vector<1x16xi32>,
    %get3A_30 = arith.constant 0 : i32
    %get3A_31 = arith.index_cast %get3A_30 : i32 to index
    %get3A_32 = arith.constant 16 : index
    %get3A_33 = tpu.vector_load %arg5[%get3A_31, %get3A_32] {strides = array<i32>} : memref<159x64xi32, #tpu.memory_space<vmem>>, vector<1x16xi32>,
    %get3A_34 = vector.shape_cast %get3A_33 : vector<1x16xi32> to vector<16xi32>
    %shift_right_logical3A_35 = arith.constant 16 : i32
    %shift_right_logical3A_36 = vector.broadcast %shift_right_logical3A_35 : i32 to vector<16xi32>
    %shift_right_logical3A_37 = arith.shrui %get3A_34, %shift_right_logical3A_36 : vector<16xi32>
    %swap3A_38 = arith.constant 0 : i32
    %swap3A_39 = arith.index_cast %swap3A_38 : i32 to index
    %swap3A_40 = arith.constant 16 : index
    %swap3A_41 = tpu.vector_load %arg6[%swap3A_39, %swap3A_40] {strides = array<i32>} : memref<3x64xi32, #tpu.memory_space<vmem>>, vector<1x16xi32>,
    %swap3A_42 = vector.shape_cast %swap3A_41 : vector<1x16xi32> to vector<16xi32>
    %swap3A_43 = vector.shape_cast %shift_right_logical3A_37 : vector<16xi32> to vector<1x16xi32>
    tpu.vector_store %arg6[%swap3A_39, %swap3A_40], %swap3A_43 {strides = array<i32>} : memref<3x64xi32, #tpu.memory_space<vmem>>, vector<1x16xi32>,
    %and3A_44 = arith.constant 65535 : i32
    %and3A_45 = vector.broadcast %and3A_44 : i32 to vector<16xi32>
    %and3A_46 = arith.andi %get3A_34, %and3A_45 : vector<16xi32>
    %swap3A_47 = arith.constant 0 : i32
    %swap3A_48 = arith.index_cast %swap3A_47 : i32 to index
    %swap3A_49 = arith.constant 16 : index
    %swap3A_50 = tpu.vector_load %arg7[%swap3A_48, %swap3A_49] {strides = array<i32>} : memref<3x64xi32, #tpu.memory_space<vmem>>, vector<1x16xi32>,
    %swap3A_51 = vector.shape_cast %swap3A_50 : vector<1x16xi32> to vector<16xi32>
    %swap3A_52 = vector.shape_cast %and3A_46 : vector<16xi32> to vector<1x16xi32>
    tpu.vector_store %arg7[%swap3A_48, %swap3A_49], %swap3A_52 {strides = array<i32>} : memref<3x64xi32, #tpu.memory_space<vmem>>, vector<1x16xi32>,
    %get3A_53 = arith.constant 0 : i32
    %get3A_54 = arith.index_cast %get3A_53 : i32 to index
    %get3A_55 = arith.constant 32 : index
    %get3A_56 = tpu.vector_load %arg5[%get3A_54, %get3A_55] {strides = array<i32>} : memref<159x64xi32, #tpu.memory_space<vmem>>, vector<1x16xi32>,
    %get3A_57 = vector.shape_cast %get3A_56 : vector<1x16xi32> to vector<16xi32>
    %shift_right_logical3A_58 = arith.constant 16 : i32
    %shift_right_logical3A_59 = vector.broadcast %shift_right_logical3A_58 : i32 to vector<16xi32>
    %shift_right_logical3A_60 = arith.shrui %get3A_57, %shift_right_logical3A_59 : vector<16xi32>
    %swap3A_61 = arith.constant 0 : i32
    %swap3A_62 = arith.index_cast %swap3A_61 : i32 to index
    %swap3A_63 = arith.constant 32 : index
    %swap3A_64 = tpu.vector_load %arg6[%swap3A_62, %swap3A_63] {strides = array<i32>} : memref<3x64xi32, #tpu.memory_space<vmem>>, vector<1x16xi32>,
    %swap3A_65 = vector.shape_cast %swap3A_64 : vector<1x16xi32> to vector<16xi32>
    %swap3A_66 = vector.shape_cast %shift_right_logical3A_60 : vector<16xi32> to vector<1x16xi32>
    tpu.vector_store %arg6[%swap3A_62, %swap3A_63], %swap3A_66 {strides = array<i32>} : memref<3x64xi32, #tpu.memory_space<vmem>>, vector<1x16xi32>,
    %and3A_67 = arith.constant 65535 : i32
    %and3A_68 = vector.broadcast %and3A_67 : i32 to vector<16xi32>
    %and3A_69 = arith.andi %get3A_57, %and3A_68 : vector<16xi32>
    %swap3A_70 = arith.constant 0 : i32
    %swap3A_71 = arith.index_cast %swap3A_70 : i32 to index
    %swap3A_72 = arith.constant 32 : index
    %swap3A_73 = tpu.vector_load %arg7[%swap3A_71, %swap3A_72] {strides = array<i32>} : memref<3x64xi32, #tpu.memory_space<vmem>>, vector<1x16xi32>,
    %swap3A_74 = vector.shape_cast %swap3A_73 : vector<1x16xi32> to vector<16xi32>
    %swap3A_75 = vector.shape_cast %and3A_69 : vector<16xi32> to vector<1x16xi32>
    tpu.vector_store %arg7[%swap3A_71, %swap3A_72], %swap3A_75 {strides = array<i32>} : memref<3x64xi32, #tpu.memory_space<vmem>>, vector<1x16xi32>,
    %get3A_76 = arith.constant 0 : i32
    %get3A_77 = arith.index_cast %get3A_76 : i32 to index
    %get3A_78 = arith.constant 48 : index
    %get3A_79 = tpu.vector_load %arg5[%get3A_77, %get3A_78] {strides = array<i32>} : memref<159x64xi32, #tpu.memory_space<vmem>>, vector<1x16xi32>,
    %get3A_80 = vector.shape_cast %get3A_79 : vector<1x16xi32> to vector<16xi32>
    %shift_right_logical3A_81 = arith.constant 16 : i32
    %shift_right_logical3A_82 = vector.broadcast %shift_right_logical3A_81 : i32 to vector<16xi32>
    %shift_right_logical3A_83 = arith.shrui %get3A_80, %shift_right_logical3A_82 : vector<16xi32>
    %swap3A_84 = arith.constant 0 : i32
    %swap3A_85 = arith.index_cast %swap3A_84 : i32 to index
    %swap3A_86 = arith.constant 48 : index
    %swap3A_87 = tpu.vector_load %arg6[%swap3A_85, %swap3A_86] {strides = array<i32>} : memref<3x64xi32, #tpu.memory_space<vmem>>, vector<1x16xi32>,
    %swap3A_88 = vector.shape_cast %swap3A_87 : vector<1x16xi32> to vector<16xi32>
    %swap3A_89 = vector.shape_cast %shift_right_logical3A_83 : vector<16xi32> to vector<1x16xi32>
    tpu.vector_store %arg6[%swap3A_85, %swap3A_86], %swap3A_89 {strides = array<i32>} : memref<3x64xi32, #tpu.memory_space<vmem>>, vector<1x16xi32>,
    %and3A_90 = arith.constant 65535 : i32
    %and3A_91 = vector.broadcast %and3A_90 : i32 to vector<16xi32>
    %and3A_92 = arith.andi %get3A_80, %and3A_91 : vector<16xi32>
    %swap3A_93 = arith.constant 0 : i32
    %swap3A_94 = arith.index_cast %swap3A_93 : i32 to index
    %swap3A_95 = arith.constant 48 : index
    %swap3A_96 = tpu.vector_load %arg7[%swap3A_94, %swap3A_95] {strides = array<i32>} : memref<3x64xi32, #tpu.memory_space<vmem>>, vector<1x16xi32>,
    %swap3A_97 = vector.shape_cast %swap3A_96 : vector<1x16xi32> to vector<16xi32>
    %swap3A_98 = vector.shape_cast %and3A_92 : vector<16xi32> to vector<1x16xi32>
    tpu.vector_store %arg7[%swap3A_94, %swap3A_95], %swap3A_98 {strides = array<i32>} : memref<3x64xi32, #tpu.memory_space<vmem>>, vector<1x16xi32>,
    %dma_start3A = arith.constant 0 : i32
    %dma_start3A_99 = arith.constant 0 : i32
    %dma_start3A_100 = tpu.memref_slice %arg6[%dma_start3A, %dma_start3A_99] : memref<3x64xi32, #tpu.memory_space<vmem>> -> memref<1x64xi32, #tpu.memory_space<vmem>>
    %dma_start3A_101 = tpu.memref_squeeze %dma_start3A_100 : memref<1x64xi32, #tpu.memory_space<vmem>> -> memref<64xi32, #tpu.memory_space<vmem>>
    %dma_start3A_102 = arith.constant 0 : i32
    %dma_start3A_103 = arith.constant 0 : i32
    %dma_start3A_104 = tpu.memref_slice %arg2[%dma_start3A_102, %dma_start3A_103] : memref<10240x128xf32, #tpu.memory_space<hbm>> -> memref<10240x128xf32, #tpu.memory_space<hbm>>
    tpu.enqueue_indirect_dma source(%dma_start3A_104 : memref<10240x128xf32, #tpu.memory_space<hbm>>) target(%arg8 : memref<64x128xf32, #tpu.memory_space<vmem>>) offsets(%dma_start3A_101 : memref<64xi32, #tpu.memory_space<vmem>>) semaphore(%arg15 : memref<!tpu.dma_semaphore, #tpu.memory_space<semaphore_mem>>)
    %get3A_105 = arith.constant 1 : i32
    %get3A_106 = arith.index_cast %get3A_105 : i32 to index
    %get3A_107 = arith.constant 0 : index
    %get3A_108 = tpu.vector_load %arg5[%get3A_106, %get3A_107] {strides = array<i32>} : memref<159x64xi32, #tpu.memory_space<vmem>>, vector<1x16xi32>,
    %get3A_109 = vector.shape_cast %get3A_108 : vector<1x16xi32> to vector<16xi32>
    %shift_right_logical3A_110 = arith.constant 16 : i32
    %shift_right_logical3A_111 = vector.broadcast %shift_right_logical3A_110 : i32 to vector<16xi32>
    %shift_right_logical3A_112 = arith.shrui %get3A_109, %shift_right_logical3A_111 : vector<16xi32>
    %swap3A_113 = arith.constant 1 : i32
    %swap3A_114 = arith.index_cast %swap3A_113 : i32 to index
    %swap3A_115 = arith.constant 0 : index
    %swap3A_116 = tpu.vector_load %arg6[%swap3A_114, %swap3A_115] {strides = array<i32>} : memref<3x64xi32, #tpu.memory_space<vmem>>, vector<1x16xi32>,
    %swap3A_117 = vector.shape_cast %swap3A_116 : vector<1x16xi32> to vector<16xi32>
    %swap3A_118 = vector.shape_cast %shift_right_logical3A_112 : vector<16xi32> to vector<1x16xi32>
    tpu.vector_store %arg6[%swap3A_114, %swap3A_115], %swap3A_118 {strides = array<i32>} : memref<3x64xi32, #tpu.memory_space<vmem>>, vector<1x16xi32>,
    %and3A_119 = arith.constant 65535 : i32
    %and3A_120 = vector.broadcast %and3A_119 : i32 to vector<16xi32>
    %and3A_121 = arith.andi %get3A_109, %and3A_120 : vector<16xi32>
    %swap3A_122 = arith.constant 1 : i32
    %swap3A_123 = arith.index_cast %swap3A_122 : i32 to index
    %swap3A_124 = arith.constant 0 : index
    %swap3A_125 = tpu.vector_load %arg7[%swap3A_123, %swap3A_124] {strides = array<i32>} : memref<3x64xi32, #tpu.memory_space<vmem>>, vector<1x16xi32>,
    %swap3A_126 = vector.shape_cast %swap3A_125 : vector<1x16xi32> to vector<16xi32>
    %swap3A_127 = vector.shape_cast %and3A_121 : vector<16xi32> to vector<1x16xi32>
    tpu.vector_store %arg7[%swap3A_123, %swap3A_124], %swap3A_127 {strides = array<i32>} : memref<3x64xi32, #tpu.memory_space<vmem>>, vector<1x16xi32>,
    %get3A_128 = arith.constant 1 : i32
    %get3A_129 = arith.index_cast %get3A_128 : i32 to index
    %get3A_130 = arith.constant 16 : index
    %get3A_131 = tpu.vector_load %arg5[%get3A_129, %get3A_130] {strides = array<i32>} : memref<159x64xi32, #tpu.memory_space<vmem>>, vector<1x16xi32>,
    %get3A_132 = vector.shape_cast %get3A_131 : vector<1x16xi32> to vector<16xi32>
    %shift_right_logical3A_133 = arith.constant 16 : i32
    %shift_right_logical3A_134 = vector.broadcast %shift_right_logical3A_133 : i32 to vector<16xi32>
    %shift_right_logical3A_135 = arith.shrui %get3A_132, %shift_right_logical3A_134 : vector<16xi32>
    %swap3A_136 = arith.constant 1 : i32
    %swap3A_137 = arith.index_cast %swap3A_136 : i32 to index
    %swap3A_138 = arith.constant 16 : index
    %swap3A_139 = tpu.vector_load %arg6[%swap3A_137, %swap3A_138] {strides = array<i32>} : memref<3x64xi32, #tpu.memory_space<vmem>>, vector<1x16xi32>,
    %swap3A_140 = vector.shape_cast %swap3A_139 : vector<1x16xi32> to vector<16xi32>
    %swap3A_141 = vector.shape_cast %shift_right_logical3A_135 : vector<16xi32> to vector<1x16xi32>
    tpu.vector_store %arg6[%swap3A_137, %swap3A_138], %swap3A_141 {strides = array<i32>} : memref<3x64xi32, #tpu.memory_space<vmem>>, vector<1x16xi32>,
    %and3A_142 = arith.constant 65535 : i32
    %and3A_143 = vector.broadcast %and3A_142 : i32 to vector<16xi32>
    %and3A_144 = arith.andi %get3A_132, %and3A_143 : vector<16xi32>
    %swap3A_145 = arith.constant 1 : i32
    %swap3A_146 = arith.index_cast %swap3A_145 : i32 to index
    %swap3A_147 = arith.constant 16 : index
    %swap3A_148 = tpu.vector_load %arg7[%swap3A_146, %swap3A_147] {strides = array<i32>} : memref<3x64xi32, #tpu.memory_space<vmem>>, vector<1x16xi32>,
    %swap3A_149 = vector.shape_cast %swap3A_148 : vector<1x16xi32> to vector<16xi32>
    %swap3A_150 = vector.shape_cast %and3A_144 : vector<16xi32> to vector<1x16xi32>
    tpu.vector_store %arg7[%swap3A_146, %swap3A_147], %swap3A_150 {strides = array<i32>} : memref<3x64xi32, #tpu.memory_space<vmem>>, vector<1x16xi32>,
    %get3A_151 = arith.constant 1 : i32
    %get3A_152 = arith.index_cast %get3A_151 : i32 to index
    %get3A_153 = arith.constant 32 : index
    %get3A_154 = tpu.vector_load %arg5[%get3A_152, %get3A_153] {strides = array<i32>} : memref<159x64xi32, #tpu.memory_space<vmem>>, vector<1x16xi32>,
    %get3A_155 = vector.shape_cast %get3A_154 : vector<1x16xi32> to vector<16xi32>
    %shift_right_logical3A_156 = arith.constant 16 : i32
    %shift_right_logical3A_157 = vector.broadcast %shift_right_logical3A_156 : i32 to vector<16xi32>
    %shift_right_logical3A_158 = arith.shrui %get3A_155, %shift_right_logical3A_157 : vector<16xi32>
    %swap3A_159 = arith.constant 1 : i32
    %swap3A_160 = arith.index_cast %swap3A_159 : i32 to index
    %swap3A_161 = arith.constant 32 : index
    %swap3A_162 = tpu.vector_load %arg6[%swap3A_160, %swap3A_161] {strides = array<i32>} : memref<3x64xi32, #tpu.memory_space<vmem>>, vector<1x16xi32>,
    %swap3A_163 = vector.shape_cast %swap3A_162 : vector<1x16xi32> to vector<16xi32>
    %swap3A_164 = vector.shape_cast %shift_right_logical3A_158 : vector<16xi32> to vector<1x16xi32>
    tpu.vector_store %arg6[%swap3A_160, %swap3A_161], %swap3A_164 {strides = array<i32>} : memref<3x64xi32, #tpu.memory_space<vmem>>, vector<1x16xi32>,
    %and3A_165 = arith.constant 65535 : i32
    %and3A_166 = vector.broadcast %and3A_165 : i32 to vector<16xi32>
    %and3A_167 = arith.andi %get3A_155, %and3A_166 : vector<16xi32>
    %swap3A_168 = arith.constant 1 : i32
    %swap3A_169 = arith.index_cast %swap3A_168 : i32 to index
    %swap3A_170 = arith.constant 32 : index
    %swap3A_171 = tpu.vector_load %arg7[%swap3A_169, %swap3A_170] {strides = array<i32>} : memref<3x64xi32, #tpu.memory_space<vmem>>, vector<1x16xi32>,
    %swap3A_172 = vector.shape_cast %swap3A_171 : vector<1x16xi32> to vector<16xi32>
    %swap3A_173 = vector.shape_cast %and3A_167 : vector<16xi32> to vector<1x16xi32>
    tpu.vector_store %arg7[%swap3A_169, %swap3A_170], %swap3A_173 {strides = array<i32>} : memref<3x64xi32, #tpu.memory_space<vmem>>, vector<1x16xi32>,
    %get3A_174 = arith.constant 1 : i32
    %get3A_175 = arith.index_cast %get3A_174 : i32 to index
    %get3A_176 = arith.constant 48 : index
    %get3A_177 = tpu.vector_load %arg5[%get3A_175, %get3A_176] {strides = array<i32>} : memref<159x64xi32, #tpu.memory_space<vmem>>, vector<1x16xi32>,
    %get3A_178 = vector.shape_cast %get3A_177 : vector<1x16xi32> to vector<16xi32>
    %shift_right_logical3A_179 = arith.constant 16 : i32
    %shift_right_logical3A_180 = vector.broadcast %shift_right_logical3A_179 : i32 to vector<16xi32>
    %shift_right_logical3A_181 = arith.shrui %get3A_178, %shift_right_logical3A_180 : vector<16xi32>
    %swap3A_182 = arith.constant 1 : i32
    %swap3A_183 = arith.index_cast %swap3A_182 : i32 to index
    %swap3A_184 = arith.constant 48 : index
    %swap3A_185 = tpu.vector_load %arg6[%swap3A_183, %swap3A_184] {strides = array<i32>} : memref<3x64xi32, #tpu.memory_space<vmem>>, vector<1x16xi32>,
    %swap3A_186 = vector.shape_cast %swap3A_185 : vector<1x16xi32> to vector<16xi32>
    %swap3A_187 = vector.shape_cast %shift_right_logical3A_181 : vector<16xi32> to vector<1x16xi32>
    tpu.vector_store %arg6[%swap3A_183, %swap3A_184], %swap3A_187 {strides = array<i32>} : memref<3x64xi32, #tpu.memory_space<vmem>>, vector<1x16xi32>,
    %and3A_188 = arith.constant 65535 : i32
    %and3A_189 = vector.broadcast %and3A_188 : i32 to vector<16xi32>
    %and3A_190 = arith.andi %get3A_178, %and3A_189 : vector<16xi32>
    %swap3A_191 = arith.constant 1 : i32
    %swap3A_192 = arith.index_cast %swap3A_191 : i32 to index
    %swap3A_193 = arith.constant 48 : index
    %swap3A_194 = tpu.vector_load %arg7[%swap3A_192, %swap3A_193] {strides = array<i32>} : memref<3x64xi32, #tpu.memory_space<vmem>>, vector<1x16xi32>,
    %swap3A_195 = vector.shape_cast %swap3A_194 : vector<1x16xi32> to vector<16xi32>
    %swap3A_196 = vector.shape_cast %and3A_190 : vector<16xi32> to vector<1x16xi32>
    tpu.vector_store %arg7[%swap3A_192, %swap3A_193], %swap3A_196 {strides = array<i32>} : memref<3x64xi32, #tpu.memory_space<vmem>>, vector<1x16xi32>,
    %dma_start3A_197 = arith.constant 1 : i32
    %dma_start3A_198 = arith.constant 0 : i32
    %dma_start3A_199 = tpu.memref_slice %arg6[%dma_start3A_197, %dma_start3A_198] : memref<3x64xi32, #tpu.memory_space<vmem>> -> memref<1x64xi32, #tpu.memory_space<vmem>>
    %dma_start3A_200 = tpu.memref_squeeze %dma_start3A_199 : memref<1x64xi32, #tpu.memory_space<vmem>> -> memref<64xi32, #tpu.memory_space<vmem>>
    %dma_start3A_201 = arith.constant 0 : i32
    %dma_start3A_202 = arith.constant 0 : i32
    %dma_start3A_203 = tpu.memref_slice %arg2[%dma_start3A_201, %dma_start3A_202] : memref<10240x128xf32, #tpu.memory_space<hbm>> -> memref<10240x128xf32, #tpu.memory_space<hbm>>
    tpu.enqueue_indirect_dma source(%dma_start3A_203 : memref<10240x128xf32, #tpu.memory_space<hbm>>) target(%arg9 : memref<64x128xf32, #tpu.memory_space<vmem>>) offsets(%dma_start3A_200 : memref<64xi32, #tpu.memory_space<vmem>>) semaphore(%arg16 : memref<!tpu.dma_semaphore, #tpu.memory_space<semaphore_mem>>)
    %get3A_204 = arith.constant 2 : i32
    %get3A_205 = arith.index_cast %get3A_204 : i32 to index
    %get3A_206 = arith.constant 0 : index
    %get3A_207 = tpu.vector_load %arg5[%get3A_205, %get3A_206] {strides = array<i32>} : memref<159x64xi32, #tpu.memory_space<vmem>>, vector<1x16xi32>,
    %get3A_208 = vector.shape_cast %get3A_207 : vector<1x16xi32> to vector<16xi32>
    %shift_right_logical3A_209 = arith.constant 16 : i32
    %shift_right_logical3A_210 = vector.broadcast %shift_right_logical3A_209 : i32 to vector<16xi32>
    %shift_right_logical3A_211 = arith.shrui %get3A_208, %shift_right_logical3A_210 : vector<16xi32>
    %swap3A_212 = arith.constant 2 : i32
    %swap3A_213 = arith.index_cast %swap3A_212 : i32 to index
    %swap3A_214 = arith.constant 0 : index
    %swap3A_215 = tpu.vector_load %arg6[%swap3A_213, %swap3A_214] {strides = array<i32>} : memref<3x64xi32, #tpu.memory_space<vmem>>, vector<1x16xi32>,
    %swap3A_216 = vector.shape_cast %swap3A_215 : vector<1x16xi32> to vector<16xi32>
    %swap3A_217 = vector.shape_cast %shift_right_logical3A_211 : vector<16xi32> to vector<1x16xi32>
    tpu.vector_store %arg6[%swap3A_213, %swap3A_214], %swap3A_217 {strides = array<i32>} : memref<3x64xi32, #tpu.memory_space<vmem>>, vector<1x16xi32>,
    %and3A_218 = arith.constant 65535 : i32
    %and3A_219 = vector.broadcast %and3A_218 : i32 to vector<16xi32>
    %and3A_220 = arith.andi %get3A_208, %and3A_219 : vector<16xi32>
    %swap3A_221 = arith.constant 2 : i32
    %swap3A_222 = arith.index_cast %swap3A_221 : i32 to index
    %swap3A_223 = arith.constant 0 : index
    %swap3A_224 = tpu.vector_load %arg7[%swap3A_222, %swap3A_223] {strides = array<i32>} : memref<3x64xi32, #tpu.memory_space<vmem>>, vector<1x16xi32>,
    %swap3A_225 = vector.shape_cast %swap3A_224 : vector<1x16xi32> to vector<16xi32>
    %swap3A_226 = vector.shape_cast %and3A_220 : vector<16xi32> to vector<1x16xi32>
    tpu.vector_store %arg7[%swap3A_222, %swap3A_223], %swap3A_226 {strides = array<i32>} : memref<3x64xi32, #tpu.memory_space<vmem>>, vector<1x16xi32>,
    %get3A_227 = arith.constant 2 : i32
    %get3A_228 = arith.index_cast %get3A_227 : i32 to index
    %get3A_229 = arith.constant 16 : index
    %get3A_230 = tpu.vector_load %arg5[%get3A_228, %get3A_229] {strides = array<i32>} : memref<159x64xi32, #tpu.memory_space<vmem>>, vector<1x16xi32>,
    %get3A_231 = vector.shape_cast %get3A_230 : vector<1x16xi32> to vector<16xi32>
    %shift_right_logical3A_232 = arith.constant 16 : i32
    %shift_right_logical3A_233 = vector.broadcast %shift_right_logical3A_232 : i32 to vector<16xi32>
    %shift_right_logical3A_234 = arith.shrui %get3A_231, %shift_right_logical3A_233 : vector<16xi32>
    %swap3A_235 = arith.constant 2 : i32
    %swap3A_236 = arith.index_cast %swap3A_235 : i32 to index
    %swap3A_237 = arith.constant 16 : index
    %swap3A_238 = tpu.vector_load %arg6[%swap3A_236, %swap3A_237] {strides = array<i32>} : memref<3x64xi32, #tpu.memory_space<vmem>>, vector<1x16xi32>,
    %swap3A_239 = vector.shape_cast %swap3A_238 : vector<1x16xi32> to vector<16xi32>
    %swap3A_240 = vector.shape_cast %shift_right_logical3A_234 : vector<16xi32> to vector<1x16xi32>
    tpu.vector_store %arg6[%swap3A_236, %swap3A_237], %swap3A_240 {strides = array<i32>} : memref<3x64xi32, #tpu.memory_space<vmem>>, vector<1x16xi32>,
    %and3A_241 = arith.constant 65535 : i32
    %and3A_242 = vector.broadcast %and3A_241 : i32 to vector<16xi32>
    %and3A_243 = arith.andi %get3A_231, %and3A_242 : vector<16xi32>
    %swap3A_244 = arith.constant 2 : i32
    %swap3A_245 = arith.index_cast %swap3A_244 : i32 to index
    %swap3A_246 = arith.constant 16 : index
    %swap3A_247 = tpu.vector_load %arg7[%swap3A_245, %swap3A_246] {strides = array<i32>} : memref<3x64xi32, #tpu.memory_space<vmem>>, vector<1x16xi32>,
    %swap3A_248 = vector.shape_cast %swap3A_247 : vector<1x16xi32> to vector<16xi32>
    %swap3A_249 = vector.shape_cast %and3A_243 : vector<16xi32> to vector<1x16xi32>
    tpu.vector_store %arg7[%swap3A_245, %swap3A_246], %swap3A_249 {strides = array<i32>} : memref<3x64xi32, #tpu.memory_space<vmem>>, vector<1x16xi32>,
    %get3A_250 = arith.constant 2 : i32
    %get3A_251 = arith.index_cast %get3A_250 : i32 to index
    %get3A_252 = arith.constant 32 : index
    %get3A_253 = tpu.vector_load %arg5[%get3A_251, %get3A_252] {strides = array<i32>} : memref<159x64xi32, #tpu.memory_space<vmem>>, vector<1x16xi32>,
    %get3A_254 = vector.shape_cast %get3A_253 : vector<1x16xi32> to vector<16xi32>
    %shift_right_logical3A_255 = arith.constant 16 : i32
    %shift_right_logical3A_256 = vector.broadcast %shift_right_logical3A_255 : i32 to vector<16xi32>
    %shift_right_logical3A_257 = arith.shrui %get3A_254, %shift_right_logical3A_256 : vector<16xi32>
    %swap3A_258 = arith.constant 2 : i32
    %swap3A_259 = arith.index_cast %swap3A_258 : i32 to index
    %swap3A_260 = arith.constant 32 : index
    %swap3A_261 = tpu.vector_load %arg6[%swap3A_259, %swap3A_260] {strides = array<i32>} : memref<3x64xi32, #tpu.memory_space<vmem>>, vector<1x16xi32>,
    %swap3A_262 = vector.shape_cast %swap3A_261 : vector<1x16xi32> to vector<16xi32>
    %swap3A_263 = vector.shape_cast %shift_right_logical3A_257 : vector<16xi32> to vector<1x16xi32>
    tpu.vector_store %arg6[%swap3A_259, %swap3A_260], %swap3A_263 {strides = array<i32>} : memref<3x64xi32, #tpu.memory_space<vmem>>, vector<1x16xi32>,
    %and3A_264 = arith.constant 65535 : i32
    %and3A_265 = vector.broadcast %and3A_264 : i32 to vector<16xi32>
    %and3A_266 = arith.andi %get3A_254, %and3A_265 : vector<16xi32>
    %swap3A_267 = arith.constant 2 : i32
    %swap3A_268 = arith.index_cast %swap3A_267 : i32 to index
    %swap3A_269 = arith.constant 32 : index
    %swap3A_270 = tpu.vector_load %arg7[%swap3A_268, %swap3A_269] {strides = array<i32>} : memref<3x64xi32, #tpu.memory_space<vmem>>, vector<1x16xi32>,
    %swap3A_271 = vector.shape_cast %swap3A_270 : vector<1x16xi32> to vector<16xi32>
    %swap3A_272 = vector.shape_cast %and3A_266 : vector<16xi32> to vector<1x16xi32>
    tpu.vector_store %arg7[%swap3A_268, %swap3A_269], %swap3A_272 {strides = array<i32>} : memref<3x64xi32, #tpu.memory_space<vmem>>, vector<1x16xi32>,
    %get3A_273 = arith.constant 2 : i32
    %get3A_274 = arith.index_cast %get3A_273 : i32 to index
    %get3A_275 = arith.constant 48 : index
    %get3A_276 = tpu.vector_load %arg5[%get3A_274, %get3A_275] {strides = array<i32>} : memref<159x64xi32, #tpu.memory_space<vmem>>, vector<1x16xi32>,
    %get3A_277 = vector.shape_cast %get3A_276 : vector<1x16xi32> to vector<16xi32>
    %shift_right_logical3A_278 = arith.constant 16 : i32
    %shift_right_logical3A_279 = vector.broadcast %shift_right_logical3A_278 : i32 to vector<16xi32>
    %shift_right_logical3A_280 = arith.shrui %get3A_277, %shift_right_logical3A_279 : vector<16xi32>
    %swap3A_281 = arith.constant 2 : i32
    %swap3A_282 = arith.index_cast %swap3A_281 : i32 to index
    %swap3A_283 = arith.constant 48 : index
    %swap3A_284 = tpu.vector_load %arg6[%swap3A_282, %swap3A_283] {strides = array<i32>} : memref<3x64xi32, #tpu.memory_space<vmem>>, vector<1x16xi32>,
    %swap3A_285 = vector.shape_cast %swap3A_284 : vector<1x16xi32> to vector<16xi32>
    %swap3A_286 = vector.shape_cast %shift_right_logical3A_280 : vector<16xi32> to vector<1x16xi32>
    tpu.vector_store %arg6[%swap3A_282, %swap3A_283], %swap3A_286 {strides = array<i32>} : memref<3x64xi32, #tpu.memory_space<vmem>>, vector<1x16xi32>,
    %and3A_287 = arith.constant 65535 : i32
    %and3A_288 = vector.broadcast %and3A_287 : i32 to vector<16xi32>
    %and3A_289 = arith.andi %get3A_277, %and3A_288 : vector<16xi32>
    %swap3A_290 = arith.constant 2 : i32
    %swap3A_291 = arith.index_cast %swap3A_290 : i32 to index
    %swap3A_292 = arith.constant 48 : index
    %swap3A_293 = tpu.vector_load %arg7[%swap3A_291, %swap3A_292] {strides = array<i32>} : memref<3x64xi32, #tpu.memory_space<vmem>>, vector<1x16xi32>,
    %swap3A_294 = vector.shape_cast %swap3A_293 : vector<1x16xi32> to vector<16xi32>
    %swap3A_295 = vector.shape_cast %and3A_289 : vector<16xi32> to vector<1x16xi32>
    tpu.vector_store %arg7[%swap3A_291, %swap3A_292], %swap3A_295 {strides = array<i32>} : memref<3x64xi32, #tpu.memory_space<vmem>>, vector<1x16xi32>,
    %dma_start3A_296 = arith.constant 2 : i32
    %dma_start3A_297 = arith.constant 0 : i32
    %dma_start3A_298 = tpu.memref_slice %arg6[%dma_start3A_296, %dma_start3A_297] : memref<3x64xi32, #tpu.memory_space<vmem>> -> memref<1x64xi32, #tpu.memory_space<vmem>>
    %dma_start3A_299 = tpu.memref_squeeze %dma_start3A_298 : memref<1x64xi32, #tpu.memory_space<vmem>> -> memref<64xi32, #tpu.memory_space<vmem>>
    %dma_start3A_300 = arith.constant 0 : i32
    %dma_start3A_301 = arith.constant 0 : i32
    %dma_start3A_302 = tpu.memref_slice %arg2[%dma_start3A_300, %dma_start3A_301] : memref<10240x128xf32, #tpu.memory_space<hbm>> -> memref<10240x128xf32, #tpu.memory_space<hbm>>
    tpu.enqueue_indirect_dma source(%dma_start3A_302 : memref<10240x128xf32, #tpu.memory_space<hbm>>) target(%arg10 : memref<64x128xf32, #tpu.memory_space<vmem>>) offsets(%dma_start3A_299 : memref<64xi32, #tpu.memory_space<vmem>>) semaphore(%arg17 : memref<!tpu.dma_semaphore, #tpu.memory_space<semaphore_mem>>)
    %scan3A_303 = arith.constant 0 : i32
    %scan3A_304 = arith.constant 52 : i32
    %scan3A_305 = arith.addi %scan3A_303, %scan3A_304 : i32
    %scan3A_306 = arith.constant 1 : i32
    scf.for %scan3A_378 = %scan3A_303 to %scan3A_305 step %scan3A_306  : i32 {
      %mul3A_379 = arith.constant 1 : i32
      %mul3A_380 = arith.muli %scan3A_378, %mul3A_379 : i32
      %add3A_381 = arith.constant 0 : i32
      %add3A_382 = arith.addi %add3A_381, %mul3A_380 : i32
      %mul3A_383 = arith.constant 3 : i32
      %mul3A_384 = arith.muli %add3A_382, %mul3A_383 : i32
      %dma_wait3A_385 = arith.constant 0 : i32
      %dma_wait3A_386 = arith.constant 0 : i32
      %dma_wait3A_387 = tpu.memref_slice %arg6[%dma_wait3A_385, %dma_wait3A_386] : memref<3x64xi32, #tpu.memory_space<vmem>> -> memref<1x64xi32, #tpu.memory_space<vmem>>
      %dma_wait3A_388 = tpu.memref_squeeze %dma_wait3A_387 : memref<1x64xi32, #tpu.memory_space<vmem>> -> memref<64xi32, #tpu.memory_space<vmem>>
      %dma_wait3A_389 = arith.constant 0 : i32
      %dma_wait3A_390 = arith.constant 0 : i32
      %dma_wait3A_391 = tpu.memref_slice %arg2[%dma_wait3A_389, %dma_wait3A_390] : memref<10240x128xf32, #tpu.memory_space<hbm>> -> memref<10240x128xf32, #tpu.memory_space<hbm>>
      tpu.wait_indirect_dma semaphore(%arg15 : memref<!tpu.dma_semaphore, #tpu.memory_space<semaphore_mem>>) src(%dma_wait3A_391 : memref<10240x128xf32, #tpu.memory_space<hbm>>) dst(%arg8 : memref<64x128xf32, #tpu.memory_space<vmem>>)
      %dma_start3A_392 = arith.constant 0 : i32
      %dma_start3A_393 = arith.constant 0 : i32
      %dma_start3A_394 = tpu.memref_slice %arg7[%dma_start3A_392, %dma_start3A_393] : memref<3x64xi32, #tpu.memory_space<vmem>> -> memref<1x64xi32, #tpu.memory_space<vmem>>
      %dma_start3A_395 = tpu.memref_squeeze %dma_start3A_394 : memref<1x64xi32, #tpu.memory_space<vmem>> -> memref<64xi32, #tpu.memory_space<vmem>>
      %dma_start3A_396 = arith.constant 0 : i32
      %dma_start3A_397 = arith.constant 0 : i32
      %dma_start3A_398 = tpu.memref_slice %arg11[%dma_start3A_396, %dma_start3A_397] : memref<10240x128xf32, #tpu.memory_space<vmem_shared>> -> memref<10240x128xf32, #tpu.memory_space<vmem_shared>>
      tpu.enqueue_indirect_dma source(%arg8 : memref<64x128xf32, #tpu.memory_space<vmem>>) target(%dma_start3A_398 : memref<10240x128xf32, #tpu.memory_space<vmem_shared>>) offsets(%dma_start3A_395 : memref<64xi32, #tpu.memory_space<vmem>>) semaphore(%arg12 : memref<!tpu.dma_semaphore, #tpu.memory_space<semaphore_mem>>) {add = true}
      %dma_wait3A_399 = arith.constant 1 : i32
      %dma_wait3A_400 = arith.constant 0 : i32
      %dma_wait3A_401 = tpu.memref_slice %arg6[%dma_wait3A_399, %dma_wait3A_400] : memref<3x64xi32, #tpu.memory_space<vmem>> -> memref<1x64xi32, #tpu.memory_space<vmem>>
      %dma_wait3A_402 = tpu.memref_squeeze %dma_wait3A_401 : memref<1x64xi32, #tpu.memory_space<vmem>> -> memref<64xi32, #tpu.memory_space<vmem>>
      %dma_wait3A_403 = arith.constant 0 : i32
      %dma_wait3A_404 = arith.constant 0 : i32
      %dma_wait3A_405 = tpu.memref_slice %arg2[%dma_wait3A_403, %dma_wait3A_404] : memref<10240x128xf32, #tpu.memory_space<hbm>> -> memref<10240x128xf32, #tpu.memory_space<hbm>>
      tpu.wait_indirect_dma semaphore(%arg16 : memref<!tpu.dma_semaphore, #tpu.memory_space<semaphore_mem>>) src(%dma_wait3A_405 : memref<10240x128xf32, #tpu.memory_space<hbm>>) dst(%arg9 : memref<64x128xf32, #tpu.memory_space<vmem>>)
      %dma_start3A_406 = arith.constant 1 : i32
      %dma_start3A_407 = arith.constant 0 : i32
      %dma_start3A_408 = tpu.memref_slice %arg7[%dma_start3A_406, %dma_start3A_407] : memref<3x64xi32, #tpu.memory_space<vmem>> -> memref<1x64xi32, #tpu.memory_space<vmem>>
      %dma_start3A_409 = tpu.memref_squeeze %dma_start3A_408 : memref<1x64xi32, #tpu.memory_space<vmem>> -> memref<64xi32, #tpu.memory_space<vmem>>
      %dma_start3A_410 = arith.constant 0 : i32
      %dma_start3A_411 = arith.constant 0 : i32
      %dma_start3A_412 = tpu.memref_slice %arg11[%dma_start3A_410, %dma_start3A_411] : memref<10240x128xf32, #tpu.memory_space<vmem_shared>> -> memref<10240x128xf32, #tpu.memory_space<vmem_shared>>
      tpu.enqueue_indirect_dma source(%arg9 : memref<64x128xf32, #tpu.memory_space<vmem>>) target(%dma_start3A_412 : memref<10240x128xf32, #tpu.memory_space<vmem_shared>>) offsets(%dma_start3A_409 : memref<64xi32, #tpu.memory_space<vmem>>) semaphore(%arg13 : memref<!tpu.dma_semaphore, #tpu.memory_space<semaphore_mem>>) {add = true}
      %dma_wait3A_413 = arith.constant 2 : i32
      %dma_wait3A_414 = arith.constant 0 : i32
      %dma_wait3A_415 = tpu.memref_slice %arg6[%dma_wait3A_413, %dma_wait3A_414] : memref<3x64xi32, #tpu.memory_space<vmem>> -> memref<1x64xi32, #tpu.memory_space<vmem>>
      %dma_wait3A_416 = tpu.memref_squeeze %dma_wait3A_415 : memref<1x64xi32, #tpu.memory_space<vmem>> -> memref<64xi32, #tpu.memory_space<vmem>>
      %dma_wait3A_417 = arith.constant 0 : i32
      %dma_wait3A_418 = arith.constant 0 : i32
      %dma_wait3A_419 = tpu.memref_slice %arg2[%dma_wait3A_417, %dma_wait3A_418] : memref<10240x128xf32, #tpu.memory_space<hbm>> -> memref<10240x128xf32, #tpu.memory_space<hbm>>
      tpu.wait_indirect_dma semaphore(%arg17 : memref<!tpu.dma_semaphore, #tpu.memory_space<semaphore_mem>>) src(%dma_wait3A_419 : memref<10240x128xf32, #tpu.memory_space<hbm>>) dst(%arg10 : memref<64x128xf32, #tpu.memory_space<vmem>>)
      %dma_start3A_420 = arith.constant 2 : i32
      %dma_start3A_421 = arith.constant 0 : i32
      %dma_start3A_422 = tpu.memref_slice %arg7[%dma_start3A_420, %dma_start3A_421] : memref<3x64xi32, #tpu.memory_space<vmem>> -> memref<1x64xi32, #tpu.memory_space<vmem>>
      %dma_start3A_423 = tpu.memref_squeeze %dma_start3A_422 : memref<1x64xi32, #tpu.memory_space<vmem>> -> memref<64xi32, #tpu.memory_space<vmem>>
      %dma_start3A_424 = arith.constant 0 : i32
      %dma_start3A_425 = arith.constant 0 : i32
      %dma_start3A_426 = tpu.memref_slice %arg11[%dma_start3A_424, %dma_start3A_425] : memref<10240x128xf32, #tpu.memory_space<vmem_shared>> -> memref<10240x128xf32, #tpu.memory_space<vmem_shared>>
      tpu.enqueue_indirect_dma source(%arg10 : memref<64x128xf32, #tpu.memory_space<vmem>>) target(%dma_start3A_426 : memref<10240x128xf32, #tpu.memory_space<vmem_shared>>) offsets(%dma_start3A_423 : memref<64xi32, #tpu.memory_space<vmem>>) semaphore(%arg14 : memref<!tpu.dma_semaphore, #tpu.memory_space<semaphore_mem>>) {add = true}
      %dma_wait3A_427 = arith.constant 0 : i32
      %dma_wait3A_428 = arith.constant 0 : i32
      %dma_wait3A_429 = tpu.memref_slice %arg7[%dma_wait3A_427, %dma_wait3A_428] : memref<3x64xi32, #tpu.memory_space<vmem>> -> memref<1x64xi32, #tpu.memory_space<vmem>>
      %dma_wait3A_430 = tpu.memref_squeeze %dma_wait3A_429 : memref<1x64xi32, #tpu.memory_space<vmem>> -> memref<64xi32, #tpu.memory_space<vmem>>
      %dma_wait3A_431 = arith.constant 0 : i32
      %dma_wait3A_432 = arith.constant 0 : i32
      %dma_wait3A_433 = tpu.memref_slice %arg11[%dma_wait3A_431, %dma_wait3A_432] : memref<10240x128xf32, #tpu.memory_space<vmem_shared>> -> memref<10240x128xf32, #tpu.memory_space<vmem_shared>>
      tpu.wait_indirect_dma semaphore(%arg12 : memref<!tpu.dma_semaphore, #tpu.memory_space<semaphore_mem>>) src(%arg8 : memref<64x128xf32, #tpu.memory_space<vmem>>) dst(%dma_wait3A_433 : memref<10240x128xf32, #tpu.memory_space<vmem_shared>>)
      %add3A_434 = arith.constant 3 : i32
      %add3A_435 = arith.addi %mul3A_384, %add3A_434 : i32
      %add3A_436 = arith.constant 0 : i32
      %add3A_437 = arith.addi %add3A_435, %add3A_436 : i32
      %get3A_438 = arith.index_cast %add3A_437 : i32 to index
      %get3A_439 = arith.constant 0 : index
      %get3A_440 = tpu.vector_load %arg5[%get3A_438, %get3A_439] {strides = array<i32>} : memref<159x64xi32, #tpu.memory_space<vmem>>, vector<1x16xi32>,
      %get3A_441 = vector.shape_cast %get3A_440 : vector<1x16xi32> to vector<16xi32>
      %shift_right_logical3A_442 = arith.constant 16 : i32
      %shift_right_logical3A_443 = vector.broadcast %shift_right_logical3A_442 : i32 to vector<16xi32>
      %shift_right_logical3A_444 = arith.shrui %get3A_441, %shift_right_logical3A_443 : vector<16xi32>
      %swap3A_445 = arith.constant 0 : i32
      %swap3A_446 = arith.index_cast %swap3A_445 : i32 to index
      %swap3A_447 = arith.constant 0 : index
      %swap3A_448 = tpu.vector_load %arg6[%swap3A_446, %swap3A_447] {strides = array<i32>} : memref<3x64xi32, #tpu.memory_space<vmem>>, vector<1x16xi32>,
      %swap3A_449 = vector.shape_cast %swap3A_448 : vector<1x16xi32> to vector<16xi32>
      %swap3A_450 = vector.shape_cast %shift_right_logical3A_444 : vector<16xi32> to vector<1x16xi32>
      tpu.vector_store %arg6[%swap3A_446, %swap3A_447], %swap3A_450 {strides = array<i32>} : memref<3x64xi32, #tpu.memory_space<vmem>>, vector<1x16xi32>,
      %and3A_451 = arith.constant 65535 : i32
      %and3A_452 = vector.broadcast %and3A_451 : i32 to vector<16xi32>
      %and3A_453 = arith.andi %get3A_441, %and3A_452 : vector<16xi32>
      %swap3A_454 = arith.constant 0 : i32
      %swap3A_455 = arith.index_cast %swap3A_454 : i32 to index
      %swap3A_456 = arith.constant 0 : index
      %swap3A_457 = tpu.vector_load %arg7[%swap3A_455, %swap3A_456] {strides = array<i32>} : memref<3x64xi32, #tpu.memory_space<vmem>>, vector<1x16xi32>,
      %swap3A_458 = vector.shape_cast %swap3A_457 : vector<1x16xi32> to vector<16xi32>
      %swap3A_459 = vector.shape_cast %and3A_453 : vector<16xi32> to vector<1x16xi32>
      tpu.vector_store %arg7[%swap3A_455, %swap3A_456], %swap3A_459 {strides = array<i32>} : memref<3x64xi32, #tpu.memory_space<vmem>>, vector<1x16xi32>,
      %get3A_460 = arith.index_cast %add3A_437 : i32 to index
      %get3A_461 = arith.constant 16 : index
      %get3A_462 = tpu.vector_load %arg5[%get3A_460, %get3A_461] {strides = array<i32>} : memref<159x64xi32, #tpu.memory_space<vmem>>, vector<1x16xi32>,
      %get3A_463 = vector.shape_cast %get3A_462 : vector<1x16xi32> to vector<16xi32>
      %shift_right_logical3A_464 = arith.constant 16 : i32
      %shift_right_logical3A_465 = vector.broadcast %shift_right_logical3A_464 : i32 to vector<16xi32>
      %shift_right_logical3A_466 = arith.shrui %get3A_463, %shift_right_logical3A_465 : vector<16xi32>
      %swap3A_467 = arith.constant 0 : i32
      %swap3A_468 = arith.index_cast %swap3A_467 : i32 to index
      %swap3A_469 = arith.constant 16 : index
      %swap3A_470 = tpu.vector_load %arg6[%swap3A_468, %swap3A_469] {strides = array<i32>} : memref<3x64xi32, #tpu.memory_space<vmem>>, vector<1x16xi32>,
      %swap3A_471 = vector.shape_cast %swap3A_470 : vector<1x16xi32> to vector<16xi32>
      %swap3A_472 = vector.shape_cast %shift_right_logical3A_466 : vector<16xi32> to vector<1x16xi32>
      tpu.vector_store %arg6[%swap3A_468, %swap3A_469], %swap3A_472 {strides = array<i32>} : memref<3x64xi32, #tpu.memory_space<vmem>>, vector<1x16xi32>,
      %and3A_473 = arith.constant 65535 : i32
      %and3A_474 = vector.broadcast %and3A_473 : i32 to vector<16xi32>
      %and3A_475 = arith.andi %get3A_463, %and3A_474 : vector<16xi32>
      %swap3A_476 = arith.constant 0 : i32
      %swap3A_477 = arith.index_cast %swap3A_476 : i32 to index
      %swap3A_478 = arith.constant 16 : index
      %swap3A_479 = tpu.vector_load %arg7[%swap3A_477, %swap3A_478] {strides = array<i32>} : memref<3x64xi32, #tpu.memory_space<vmem>>, vector<1x16xi32>,
      %swap3A_480 = vector.shape_cast %swap3A_479 : vector<1x16xi32> to vector<16xi32>
      %swap3A_481 = vector.shape_cast %and3A_475 : vector<16xi32> to vector<1x16xi32>
      tpu.vector_store %arg7[%swap3A_477, %swap3A_478], %swap3A_481 {strides = array<i32>} : memref<3x64xi32, #tpu.memory_space<vmem>>, vector<1x16xi32>,
      %get3A_482 = arith.index_cast %add3A_437 : i32 to index
      %get3A_483 = arith.constant 32 : index
      %get3A_484 = tpu.vector_load %arg5[%get3A_482, %get3A_483] {strides = array<i32>} : memref<159x64xi32, #tpu.memory_space<vmem>>, vector<1x16xi32>,
      %get3A_485 = vector.shape_cast %get3A_484 : vector<1x16xi32> to vector<16xi32>
      %shift_right_logical3A_486 = arith.constant 16 : i32
      %shift_right_logical3A_487 = vector.broadcast %shift_right_logical3A_486 : i32 to vector<16xi32>
      %shift_right_logical3A_488 = arith.shrui %get3A_485, %shift_right_logical3A_487 : vector<16xi32>
      %swap3A_489 = arith.constant 0 : i32
      %swap3A_490 = arith.index_cast %swap3A_489 : i32 to index
      %swap3A_491 = arith.constant 32 : index
      %swap3A_492 = tpu.vector_load %arg6[%swap3A_490, %swap3A_491] {strides = array<i32>} : memref<3x64xi32, #tpu.memory_space<vmem>>, vector<1x16xi32>,
      %swap3A_493 = vector.shape_cast %swap3A_492 : vector<1x16xi32> to vector<16xi32>
      %swap3A_494 = vector.shape_cast %shift_right_logical3A_488 : vector<16xi32> to vector<1x16xi32>
      tpu.vector_store %arg6[%swap3A_490, %swap3A_491], %swap3A_494 {strides = array<i32>} : memref<3x64xi32, #tpu.memory_space<vmem>>, vector<1x16xi32>,
      %and3A_495 = arith.constant 65535 : i32
      %and3A_496 = vector.broadcast %and3A_495 : i32 to vector<16xi32>
      %and3A_497 = arith.andi %get3A_485, %and3A_496 : vector<16xi32>
      %swap3A_498 = arith.constant 0 : i32
      %swap3A_499 = arith.index_cast %swap3A_498 : i32 to index
      %swap3A_500 = arith.constant 32 : index
      %swap3A_501 = tpu.vector_load %arg7[%swap3A_499, %swap3A_500] {strides = array<i32>} : memref<3x64xi32, #tpu.memory_space<vmem>>, vector<1x16xi32>,
      %swap3A_502 = vector.shape_cast %swap3A_501 : vector<1x16xi32> to vector<16xi32>
      %swap3A_503 = vector.shape_cast %and3A_497 : vector<16xi32> to vector<1x16xi32>
      tpu.vector_store %arg7[%swap3A_499, %swap3A_500], %swap3A_503 {strides = array<i32>} : memref<3x64xi32, #tpu.memory_space<vmem>>, vector<1x16xi32>,
      %get3A_504 = arith.index_cast %add3A_437 : i32 to index
      %get3A_505 = arith.constant 48 : index
      %get3A_506 = tpu.vector_load %arg5[%get3A_504, %get3A_505] {strides = array<i32>} : memref<159x64xi32, #tpu.memory_space<vmem>>, vector<1x16xi32>,
      %get3A_507 = vector.shape_cast %get3A_506 : vector<1x16xi32> to vector<16xi32>
      %shift_right_logical3A_508 = arith.constant 16 : i32
      %shift_right_logical3A_509 = vector.broadcast %shift_right_logical3A_508 : i32 to vector<16xi32>
      %shift_right_logical3A_510 = arith.shrui %get3A_507, %shift_right_logical3A_509 : vector<16xi32>
      %swap3A_511 = arith.constant 0 : i32
      %swap3A_512 = arith.index_cast %swap3A_511 : i32 to index
      %swap3A_513 = arith.constant 48 : index
      %swap3A_514 = tpu.vector_load %arg6[%swap3A_512, %swap3A_513] {strides = array<i32>} : memref<3x64xi32, #tpu.memory_space<vmem>>, vector<1x16xi32>,
      %swap3A_515 = vector.shape_cast %swap3A_514 : vector<1x16xi32> to vector<16xi32>
      %swap3A_516 = vector.shape_cast %shift_right_logical3A_510 : vector<16xi32> to vector<1x16xi32>
      tpu.vector_store %arg6[%swap3A_512, %swap3A_513], %swap3A_516 {strides = array<i32>} : memref<3x64xi32, #tpu.memory_space<vmem>>, vector<1x16xi32>,
      %and3A_517 = arith.constant 65535 : i32
      %and3A_518 = vector.broadcast %and3A_517 : i32 to vector<16xi32>
      %and3A_519 = arith.andi %get3A_507, %and3A_518 : vector<16xi32>
      %swap3A_520 = arith.constant 0 : i32
      %swap3A_521 = arith.index_cast %swap3A_520 : i32 to index
      %swap3A_522 = arith.constant 48 : index
      %swap3A_523 = tpu.vector_load %arg7[%swap3A_521, %swap3A_522] {strides = array<i32>} : memref<3x64xi32, #tpu.memory_space<vmem>>, vector<1x16xi32>,
      %swap3A_524 = vector.shape_cast %swap3A_523 : vector<1x16xi32> to vector<16xi32>
      %swap3A_525 = vector.shape_cast %and3A_519 : vector<16xi32> to vector<1x16xi32>
      tpu.vector_store %arg7[%swap3A_521, %swap3A_522], %swap3A_525 {strides = array<i32>} : memref<3x64xi32, #tpu.memory_space<vmem>>, vector<1x16xi32>,
      %add3A_526 = arith.constant 3 : i32
      %add3A_527 = arith.addi %mul3A_384, %add3A_526 : i32
      %add3A_528 = arith.constant 0 : i32
      %add3A_529 = arith.addi %add3A_527, %add3A_528 : i32
      %dma_start3A_530 = arith.constant 0 : i32
      %dma_start3A_531 = arith.constant 0 : i32
      %dma_start3A_532 = tpu.memref_slice %arg6[%dma_start3A_530, %dma_start3A_531] : memref<3x64xi32, #tpu.memory_space<vmem>> -> memref<1x64xi32, #tpu.memory_space<vmem>>
      %dma_start3A_533 = tpu.memref_squeeze %dma_start3A_532 : memref<1x64xi32, #tpu.memory_space<vmem>> -> memref<64xi32, #tpu.memory_space<vmem>>
      %dma_start3A_534 = arith.constant 0 : i32
      %dma_start3A_535 = arith.constant 0 : i32
      %dma_start3A_536 = tpu.memref_slice %arg2[%dma_start3A_534, %dma_start3A_535] : memref<10240x128xf32, #tpu.memory_space<hbm>> -> memref<10240x128xf32, #tpu.memory_space<hbm>>
      tpu.enqueue_indirect_dma source(%dma_start3A_536 : memref<10240x128xf32, #tpu.memory_space<hbm>>) target(%arg8 : memref<64x128xf32, #tpu.memory_space<vmem>>) offsets(%dma_start3A_533 : memref<64xi32, #tpu.memory_space<vmem>>) semaphore(%arg15 : memref<!tpu.dma_semaphore, #tpu.memory_space<semaphore_mem>>)
      %dma_wait3A_537 = arith.constant 1 : i32
      %dma_wait3A_538 = arith.constant 0 : i32
      %dma_wait3A_539 = tpu.memref_slice %arg7[%dma_wait3A_537, %dma_wait3A_538] : memref<3x64xi32, #tpu.memory_space<vmem>> -> memref<1x64xi32, #tpu.memory_space<vmem>>
      %dma_wait3A_540 = tpu.memref_squeeze %dma_wait3A_539 : memref<1x64xi32, #tpu.memory_space<vmem>> -> memref<64xi32, #tpu.memory_space<vmem>>
      %dma_wait3A_541 = arith.constant 0 : i32
      %dma_wait3A_542 = arith.constant 0 : i32
      %dma_wait3A_543 = tpu.memref_slice %arg11[%dma_wait3A_541, %dma_wait3A_542] : memref<10240x128xf32, #tpu.memory_space<vmem_shared>> -> memref<10240x128xf32, #tpu.memory_space<vmem_shared>>
      tpu.wait_indirect_dma semaphore(%arg13 : memref<!tpu.dma_semaphore, #tpu.memory_space<semaphore_mem>>) src(%arg9 : memref<64x128xf32, #tpu.memory_space<vmem>>) dst(%dma_wait3A_543 : memref<10240x128xf32, #tpu.memory_space<vmem_shared>>)
      %add3A_544 = arith.constant 3 : i32
      %add3A_545 = arith.addi %mul3A_384, %add3A_544 : i32
      %add3A_546 = arith.constant 1 : i32
      %add3A_547 = arith.addi %add3A_545, %add3A_546 : i32
      %get3A_548 = arith.index_cast %add3A_547 : i32 to index
      %get3A_549 = arith.constant 0 : index
      %get3A_550 = tpu.vector_load %arg5[%get3A_548, %get3A_549] {strides = array<i32>} : memref<159x64xi32, #tpu.memory_space<vmem>>, vector<1x16xi32>,
      %get3A_551 = vector.shape_cast %get3A_550 : vector<1x16xi32> to vector<16xi32>
      %shift_right_logical3A_552 = arith.constant 16 : i32
      %shift_right_logical3A_553 = vector.broadcast %shift_right_logical3A_552 : i32 to vector<16xi32>
      %shift_right_logical3A_554 = arith.shrui %get3A_551, %shift_right_logical3A_553 : vector<16xi32>
      %swap3A_555 = arith.constant 1 : i32
      %swap3A_556 = arith.index_cast %swap3A_555 : i32 to index
      %swap3A_557 = arith.constant 0 : index
      %swap3A_558 = tpu.vector_load %arg6[%swap3A_556, %swap3A_557] {strides = array<i32>} : memref<3x64xi32, #tpu.memory_space<vmem>>, vector<1x16xi32>,
      %swap3A_559 = vector.shape_cast %swap3A_558 : vector<1x16xi32> to vector<16xi32>
      %swap3A_560 = vector.shape_cast %shift_right_logical3A_554 : vector<16xi32> to vector<1x16xi32>
      tpu.vector_store %arg6[%swap3A_556, %swap3A_557], %swap3A_560 {strides = array<i32>} : memref<3x64xi32, #tpu.memory_space<vmem>>, vector<1x16xi32>,
      %and3A_561 = arith.constant 65535 : i32
      %and3A_562 = vector.broadcast %and3A_561 : i32 to vector<16xi32>
      %and3A_563 = arith.andi %get3A_551, %and3A_562 : vector<16xi32>
      %swap3A_564 = arith.constant 1 : i32
      %swap3A_565 = arith.index_cast %swap3A_564 : i32 to index
      %swap3A_566 = arith.constant 0 : index
      %swap3A_567 = tpu.vector_load %arg7[%swap3A_565, %swap3A_566] {strides = array<i32>} : memref<3x64xi32, #tpu.memory_space<vmem>>, vector<1x16xi32>,
      %swap3A_568 = vector.shape_cast %swap3A_567 : vector<1x16xi32> to vector<16xi32>
      %swap3A_569 = vector.shape_cast %and3A_563 : vector<16xi32> to vector<1x16xi32>
      tpu.vector_store %arg7[%swap3A_565, %swap3A_566], %swap3A_569 {strides = array<i32>} : memref<3x64xi32, #tpu.memory_space<vmem>>, vector<1x16xi32>,
      %get3A_570 = arith.index_cast %add3A_547 : i32 to index
      %get3A_571 = arith.constant 16 : index
      %get3A_572 = tpu.vector_load %arg5[%get3A_570, %get3A_571] {strides = array<i32>} : memref<159x64xi32, #tpu.memory_space<vmem>>, vector<1x16xi32>,
      %get3A_573 = vector.shape_cast %get3A_572 : vector<1x16xi32> to vector<16xi32>
      %shift_right_logical3A_574 = arith.constant 16 : i32
      %shift_right_logical3A_575 = vector.broadcast %shift_right_logical3A_574 : i32 to vector<16xi32>
      %shift_right_logical3A_576 = arith.shrui %get3A_573, %shift_right_logical3A_575 : vector<16xi32>
      %swap3A_577 = arith.constant 1 : i32
      %swap3A_578 = arith.index_cast %swap3A_577 : i32 to index
      %swap3A_579 = arith.constant 16 : index
      %swap3A_580 = tpu.vector_load %arg6[%swap3A_578, %swap3A_579] {strides = array<i32>} : memref<3x64xi32, #tpu.memory_space<vmem>>, vector<1x16xi32>,
      %swap3A_581 = vector.shape_cast %swap3A_580 : vector<1x16xi32> to vector<16xi32>
      %swap3A_582 = vector.shape_cast %shift_right_logical3A_576 : vector<16xi32> to vector<1x16xi32>
      tpu.vector_store %arg6[%swap3A_578, %swap3A_579], %swap3A_582 {strides = array<i32>} : memref<3x64xi32, #tpu.memory_space<vmem>>, vector<1x16xi32>,
      %and3A_583 = arith.constant 65535 : i32
      %and3A_584 = vector.broadcast %and3A_583 : i32 to vector<16xi32>
      %and3A_585 = arith.andi %get3A_573, %and3A_584 : vector<16xi32>
      %swap3A_586 = arith.constant 1 : i32
      %swap3A_587 = arith.index_cast %swap3A_586 : i32 to index
      %swap3A_588 = arith.constant 16 : index
      %swap3A_589 = tpu.vector_load %arg7[%swap3A_587, %swap3A_588] {strides = array<i32>} : memref<3x64xi32, #tpu.memory_space<vmem>>, vector<1x16xi32>,
      %swap3A_590 = vector.shape_cast %swap3A_589 : vector<1x16xi32> to vector<16xi32>
      %swap3A_591 = vector.shape_cast %and3A_585 : vector<16xi32> to vector<1x16xi32>
      tpu.vector_store %arg7[%swap3A_587, %swap3A_588], %swap3A_591 {strides = array<i32>} : memref<3x64xi32, #tpu.memory_space<vmem>>, vector<1x16xi32>,
      %get3A_592 = arith.index_cast %add3A_547 : i32 to index
      %get3A_593 = arith.constant 32 : index
      %get3A_594 = tpu.vector_load %arg5[%get3A_592, %get3A_593] {strides = array<i32>} : memref<159x64xi32, #tpu.memory_space<vmem>>, vector<1x16xi32>,
      %get3A_595 = vector.shape_cast %get3A_594 : vector<1x16xi32> to vector<16xi32>
      %shift_right_logical3A_596 = arith.constant 16 : i32
      %shift_right_logical3A_597 = vector.broadcast %shift_right_logical3A_596 : i32 to vector<16xi32>
      %shift_right_logical3A_598 = arith.shrui %get3A_595, %shift_right_logical3A_597 : vector<16xi32>
      %swap3A_599 = arith.constant 1 : i32
      %swap3A_600 = arith.index_cast %swap3A_599 : i32 to index
      %swap3A_601 = arith.constant 32 : index
      %swap3A_602 = tpu.vector_load %arg6[%swap3A_600, %swap3A_601] {strides = array<i32>} : memref<3x64xi32, #tpu.memory_space<vmem>>, vector<1x16xi32>,
      %swap3A_603 = vector.shape_cast %swap3A_602 : vector<1x16xi32> to vector<16xi32>
      %swap3A_604 = vector.shape_cast %shift_right_logical3A_598 : vector<16xi32> to vector<1x16xi32>
      tpu.vector_store %arg6[%swap3A_600, %swap3A_601], %swap3A_604 {strides = array<i32>} : memref<3x64xi32, #tpu.memory_space<vmem>>, vector<1x16xi32>,
      %and3A_605 = arith.constant 65535 : i32
      %and3A_606 = vector.broadcast %and3A_605 : i32 to vector<16xi32>
      %and3A_607 = arith.andi %get3A_595, %and3A_606 : vector<16xi32>
      %swap3A_608 = arith.constant 1 : i32
      %swap3A_609 = arith.index_cast %swap3A_608 : i32 to index
      %swap3A_610 = arith.constant 32 : index
      %swap3A_611 = tpu.vector_load %arg7[%swap3A_609, %swap3A_610] {strides = array<i32>} : memref<3x64xi32, #tpu.memory_space<vmem>>, vector<1x16xi32>,
      %swap3A_612 = vector.shape_cast %swap3A_611 : vector<1x16xi32> to vector<16xi32>
      %swap3A_613 = vector.shape_cast %and3A_607 : vector<16xi32> to vector<1x16xi32>
      tpu.vector_store %arg7[%swap3A_609, %swap3A_610], %swap3A_613 {strides = array<i32>} : memref<3x64xi32, #tpu.memory_space<vmem>>, vector<1x16xi32>,
      %get3A_614 = arith.index_cast %add3A_547 : i32 to index
      %get3A_615 = arith.constant 48 : index
      %get3A_616 = tpu.vector_load %arg5[%get3A_614, %get3A_615] {strides = array<i32>} : memref<159x64xi32, #tpu.memory_space<vmem>>, vector<1x16xi32>,
      %get3A_617 = vector.shape_cast %get3A_616 : vector<1x16xi32> to vector<16xi32>
      %shift_right_logical3A_618 = arith.constant 16 : i32
      %shift_right_logical3A_619 = vector.broadcast %shift_right_logical3A_618 : i32 to vector<16xi32>
      %shift_right_logical3A_620 = arith.shrui %get3A_617, %shift_right_logical3A_619 : vector<16xi32>
      %swap3A_621 = arith.constant 1 : i32
      %swap3A_622 = arith.index_cast %swap3A_621 : i32 to index
      %swap3A_623 = arith.constant 48 : index
      %swap3A_624 = tpu.vector_load %arg6[%swap3A_622, %swap3A_623] {strides = array<i32>} : memref<3x64xi32, #tpu.memory_space<vmem>>, vector<1x16xi32>,
      %swap3A_625 = vector.shape_cast %swap3A_624 : vector<1x16xi32> to vector<16xi32>
      %swap3A_626 = vector.shape_cast %shift_right_logical3A_620 : vector<16xi32> to vector<1x16xi32>
      tpu.vector_store %arg6[%swap3A_622, %swap3A_623], %swap3A_626 {strides = array<i32>} : memref<3x64xi32, #tpu.memory_space<vmem>>, vector<1x16xi32>,
      %and3A_627 = arith.constant 65535 : i32
      %and3A_628 = vector.broadcast %and3A_627 : i32 to vector<16xi32>
      %and3A_629 = arith.andi %get3A_617, %and3A_628 : vector<16xi32>
      %swap3A_630 = arith.constant 1 : i32
      %swap3A_631 = arith.index_cast %swap3A_630 : i32 to index
      %swap3A_632 = arith.constant 48 : index
      %swap3A_633 = tpu.vector_load %arg7[%swap3A_631, %swap3A_632] {strides = array<i32>} : memref<3x64xi32, #tpu.memory_space<vmem>>, vector<1x16xi32>,
      %swap3A_634 = vector.shape_cast %swap3A_633 : vector<1x16xi32> to vector<16xi32>
      %swap3A_635 = vector.shape_cast %and3A_629 : vector<16xi32> to vector<1x16xi32>
      tpu.vector_store %arg7[%swap3A_631, %swap3A_632], %swap3A_635 {strides = array<i32>} : memref<3x64xi32, #tpu.memory_space<vmem>>, vector<1x16xi32>,
      %add3A_636 = arith.constant 3 : i32
      %add3A_637 = arith.addi %mul3A_384, %add3A_636 : i32
      %add3A_638 = arith.constant 1 : i32
      %add3A_639 = arith.addi %add3A_637, %add3A_638 : i32
      %dma_start3A_640 = arith.constant 1 : i32
      %dma_start3A_641 = arith.constant 0 : i32
      %dma_start3A_642 = tpu.memref_slice %arg6[%dma_start3A_640, %dma_start3A_641] : memref<3x64xi32, #tpu.memory_space<vmem>> -> memref<1x64xi32, #tpu.memory_space<vmem>>
      %dma_start3A_643 = tpu.memref_squeeze %dma_start3A_642 : memref<1x64xi32, #tpu.memory_space<vmem>> -> memref<64xi32, #tpu.memory_space<vmem>>
      %dma_start3A_644 = arith.constant 0 : i32
      %dma_start3A_645 = arith.constant 0 : i32
      %dma_start3A_646 = tpu.memref_slice %arg2[%dma_start3A_644, %dma_start3A_645] : memref<10240x128xf32, #tpu.memory_space<hbm>> -> memref<10240x128xf32, #tpu.memory_space<hbm>>
      tpu.enqueue_indirect_dma source(%dma_start3A_646 : memref<10240x128xf32, #tpu.memory_space<hbm>>) target(%arg9 : memref<64x128xf32, #tpu.memory_space<vmem>>) offsets(%dma_start3A_643 : memref<64xi32, #tpu.memory_space<vmem>>) semaphore(%arg16 : memref<!tpu.dma_semaphore, #tpu.memory_space<semaphore_mem>>)
      %dma_wait3A_647 = arith.constant 2 : i32
      %dma_wait3A_648 = arith.constant 0 : i32
      %dma_wait3A_649 = tpu.memref_slice %arg7[%dma_wait3A_647, %dma_wait3A_648] : memref<3x64xi32, #tpu.memory_space<vmem>> -> memref<1x64xi32, #tpu.memory_space<vmem>>
      %dma_wait3A_650 = tpu.memref_squeeze %dma_wait3A_649 : memref<1x64xi32, #tpu.memory_space<vmem>> -> memref<64xi32, #tpu.memory_space<vmem>>
      %dma_wait3A_651 = arith.constant 0 : i32
      %dma_wait3A_652 = arith.constant 0 : i32
      %dma_wait3A_653 = tpu.memref_slice %arg11[%dma_wait3A_651, %dma_wait3A_652] : memref<10240x128xf32, #tpu.memory_space<vmem_shared>> -> memref<10240x128xf32, #tpu.memory_space<vmem_shared>>
      tpu.wait_indirect_dma semaphore(%arg14 : memref<!tpu.dma_semaphore, #tpu.memory_space<semaphore_mem>>) src(%arg10 : memref<64x128xf32, #tpu.memory_space<vmem>>) dst(%dma_wait3A_653 : memref<10240x128xf32, #tpu.memory_space<vmem_shared>>)
      %add3A_654 = arith.constant 3 : i32
      %add3A_655 = arith.addi %mul3A_384, %add3A_654 : i32
      %add3A_656 = arith.constant 2 : i32
      %add3A_657 = arith.addi %add3A_655, %add3A_656 : i32
      %get3A_658 = arith.index_cast %add3A_657 : i32 to index
      %get3A_659 = arith.constant 0 : index
      %get3A_660 = tpu.vector_load %arg5[%get3A_658, %get3A_659] {strides = array<i32>} : memref<159x64xi32, #tpu.memory_space<vmem>>, vector<1x16xi32>,
      %get3A_661 = vector.shape_cast %get3A_660 : vector<1x16xi32> to vector<16xi32>
      %shift_right_logical3A_662 = arith.constant 16 : i32
      %shift_right_logical3A_663 = vector.broadcast %shift_right_logical3A_662 : i32 to vector<16xi32>
      %shift_right_logical3A_664 = arith.shrui %get3A_661, %shift_right_logical3A_663 : vector<16xi32>
      %swap3A_665 = arith.constant 2 : i32
      %swap3A_666 = arith.index_cast %swap3A_665 : i32 to index
      %swap3A_667 = arith.constant 0 : index
      %swap3A_668 = tpu.vector_load %arg6[%swap3A_666, %swap3A_667] {strides = array<i32>} : memref<3x64xi32, #tpu.memory_space<vmem>>, vector<1x16xi32>,
      %swap3A_669 = vector.shape_cast %swap3A_668 : vector<1x16xi32> to vector<16xi32>
      %swap3A_670 = vector.shape_cast %shift_right_logical3A_664 : vector<16xi32> to vector<1x16xi32>
      tpu.vector_store %arg6[%swap3A_666, %swap3A_667], %swap3A_670 {strides = array<i32>} : memref<3x64xi32, #tpu.memory_space<vmem>>, vector<1x16xi32>,
      %and3A_671 = arith.constant 65535 : i32
      %and3A_672 = vector.broadcast %and3A_671 : i32 to vector<16xi32>
      %and3A_673 = arith.andi %get3A_661, %and3A_672 : vector<16xi32>
      %swap3A_674 = arith.constant 2 : i32
      %swap3A_675 = arith.index_cast %swap3A_674 : i32 to index
      %swap3A_676 = arith.constant 0 : index
      %swap3A_677 = tpu.vector_load %arg7[%swap3A_675, %swap3A_676] {strides = array<i32>} : memref<3x64xi32, #tpu.memory_space<vmem>>, vector<1x16xi32>,
      %swap3A_678 = vector.shape_cast %swap3A_677 : vector<1x16xi32> to vector<16xi32>
      %swap3A_679 = vector.shape_cast %and3A_673 : vector<16xi32> to vector<1x16xi32>
      tpu.vector_store %arg7[%swap3A_675, %swap3A_676], %swap3A_679 {strides = array<i32>} : memref<3x64xi32, #tpu.memory_space<vmem>>, vector<1x16xi32>,
      %get3A_680 = arith.index_cast %add3A_657 : i32 to index
      %get3A_681 = arith.constant 16 : index
      %get3A_682 = tpu.vector_load %arg5[%get3A_680, %get3A_681] {strides = array<i32>} : memref<159x64xi32, #tpu.memory_space<vmem>>, vector<1x16xi32>,
      %get3A_683 = vector.shape_cast %get3A_682 : vector<1x16xi32> to vector<16xi32>
      %shift_right_logical3A_684 = arith.constant 16 : i32
      %shift_right_logical3A_685 = vector.broadcast %shift_right_logical3A_684 : i32 to vector<16xi32>
      %shift_right_logical3A_686 = arith.shrui %get3A_683, %shift_right_logical3A_685 : vector<16xi32>
      %swap3A_687 = arith.constant 2 : i32
      %swap3A_688 = arith.index_cast %swap3A_687 : i32 to index
      %swap3A_689 = arith.constant 16 : index
      %swap3A_690 = tpu.vector_load %arg6[%swap3A_688, %swap3A_689] {strides = array<i32>} : memref<3x64xi32, #tpu.memory_space<vmem>>, vector<1x16xi32>,
      %swap3A_691 = vector.shape_cast %swap3A_690 : vector<1x16xi32> to vector<16xi32>
      %swap3A_692 = vector.shape_cast %shift_right_logical3A_686 : vector<16xi32> to vector<1x16xi32>
      tpu.vector_store %arg6[%swap3A_688, %swap3A_689], %swap3A_692 {strides = array<i32>} : memref<3x64xi32, #tpu.memory_space<vmem>>, vector<1x16xi32>,
      %and3A_693 = arith.constant 65535 : i32
      %and3A_694 = vector.broadcast %and3A_693 : i32 to vector<16xi32>
      %and3A_695 = arith.andi %get3A_683, %and3A_694 : vector<16xi32>
      %swap3A_696 = arith.constant 2 : i32
      %swap3A_697 = arith.index_cast %swap3A_696 : i32 to index
      %swap3A_698 = arith.constant 16 : index
      %swap3A_699 = tpu.vector_load %arg7[%swap3A_697, %swap3A_698] {strides = array<i32>} : memref<3x64xi32, #tpu.memory_space<vmem>>, vector<1x16xi32>,
      %swap3A_700 = vector.shape_cast %swap3A_699 : vector<1x16xi32> to vector<16xi32>
      %swap3A_701 = vector.shape_cast %and3A_695 : vector<16xi32> to vector<1x16xi32>
      tpu.vector_store %arg7[%swap3A_697, %swap3A_698], %swap3A_701 {strides = array<i32>} : memref<3x64xi32, #tpu.memory_space<vmem>>, vector<1x16xi32>,
      %get3A_702 = arith.index_cast %add3A_657 : i32 to index
      %get3A_703 = arith.constant 32 : index
      %get3A_704 = tpu.vector_load %arg5[%get3A_702, %get3A_703] {strides = array<i32>} : memref<159x64xi32, #tpu.memory_space<vmem>>, vector<1x16xi32>,
      %get3A_705 = vector.shape_cast %get3A_704 : vector<1x16xi32> to vector<16xi32>
      %shift_right_logical3A_706 = arith.constant 16 : i32
      %shift_right_logical3A_707 = vector.broadcast %shift_right_logical3A_706 : i32 to vector<16xi32>
      %shift_right_logical3A_708 = arith.shrui %get3A_705, %shift_right_logical3A_707 : vector<16xi32>
      %swap3A_709 = arith.constant 2 : i32
      %swap3A_710 = arith.index_cast %swap3A_709 : i32 to index
      %swap3A_711 = arith.constant 32 : index
      %swap3A_712 = tpu.vector_load %arg6[%swap3A_710, %swap3A_711] {strides = array<i32>} : memref<3x64xi32, #tpu.memory_space<vmem>>, vector<1x16xi32>,
      %swap3A_713 = vector.shape_cast %swap3A_712 : vector<1x16xi32> to vector<16xi32>
      %swap3A_714 = vector.shape_cast %shift_right_logical3A_708 : vector<16xi32> to vector<1x16xi32>
      tpu.vector_store %arg6[%swap3A_710, %swap3A_711], %swap3A_714 {strides = array<i32>} : memref<3x64xi32, #tpu.memory_space<vmem>>, vector<1x16xi32>,
      %and3A_715 = arith.constant 65535 : i32
      %and3A_716 = vector.broadcast %and3A_715 : i32 to vector<16xi32>
      %and3A_717 = arith.andi %get3A_705, %and3A_716 : vector<16xi32>
      %swap3A_718 = arith.constant 2 : i32
      %swap3A_719 = arith.index_cast %swap3A_718 : i32 to index
      %swap3A_720 = arith.constant 32 : index
      %swap3A_721 = tpu.vector_load %arg7[%swap3A_719, %swap3A_720] {strides = array<i32>} : memref<3x64xi32, #tpu.memory_space<vmem>>, vector<1x16xi32>,
      %swap3A_722 = vector.shape_cast %swap3A_721 : vector<1x16xi32> to vector<16xi32>
      %swap3A_723 = vector.shape_cast %and3A_717 : vector<16xi32> to vector<1x16xi32>
      tpu.vector_store %arg7[%swap3A_719, %swap3A_720], %swap3A_723 {strides = array<i32>} : memref<3x64xi32, #tpu.memory_space<vmem>>, vector<1x16xi32>,
      %get3A_724 = arith.index_cast %add3A_657 : i32 to index
      %get3A_725 = arith.constant 48 : index
      %get3A_726 = tpu.vector_load %arg5[%get3A_724, %get3A_725] {strides = array<i32>} : memref<159x64xi32, #tpu.memory_space<vmem>>, vector<1x16xi32>,
      %get3A_727 = vector.shape_cast %get3A_726 : vector<1x16xi32> to vector<16xi32>
      %shift_right_logical3A_728 = arith.constant 16 : i32
      %shift_right_logical3A_729 = vector.broadcast %shift_right_logical3A_728 : i32 to vector<16xi32>
      %shift_right_logical3A_730 = arith.shrui %get3A_727, %shift_right_logical3A_729 : vector<16xi32>
      %swap3A_731 = arith.constant 2 : i32
      %swap3A_732 = arith.index_cast %swap3A_731 : i32 to index
      %swap3A_733 = arith.constant 48 : index
      %swap3A_734 = tpu.vector_load %arg6[%swap3A_732, %swap3A_733] {strides = array<i32>} : memref<3x64xi32, #tpu.memory_space<vmem>>, vector<1x16xi32>,
      %swap3A_735 = vector.shape_cast %swap3A_734 : vector<1x16xi32> to vector<16xi32>
      %swap3A_736 = vector.shape_cast %shift_right_logical3A_730 : vector<16xi32> to vector<1x16xi32>
      tpu.vector_store %arg6[%swap3A_732, %swap3A_733], %swap3A_736 {strides = array<i32>} : memref<3x64xi32, #tpu.memory_space<vmem>>, vector<1x16xi32>,
      %and3A_737 = arith.constant 65535 : i32
      %and3A_738 = vector.broadcast %and3A_737 : i32 to vector<16xi32>
      %and3A_739 = arith.andi %get3A_727, %and3A_738 : vector<16xi32>
      %swap3A_740 = arith.constant 2 : i32
      %swap3A_741 = arith.index_cast %swap3A_740 : i32 to index
      %swap3A_742 = arith.constant 48 : index
      %swap3A_743 = tpu.vector_load %arg7[%swap3A_741, %swap3A_742] {strides = array<i32>} : memref<3x64xi32, #tpu.memory_space<vmem>>, vector<1x16xi32>,
      %swap3A_744 = vector.shape_cast %swap3A_743 : vector<1x16xi32> to vector<16xi32>
      %swap3A_745 = vector.shape_cast %and3A_739 : vector<16xi32> to vector<1x16xi32>
      tpu.vector_store %arg7[%swap3A_741, %swap3A_742], %swap3A_745 {strides = array<i32>} : memref<3x64xi32, #tpu.memory_space<vmem>>, vector<1x16xi32>,
      %add3A_746 = arith.constant 3 : i32
      %add3A_747 = arith.addi %mul3A_384, %add3A_746 : i32
      %add3A_748 = arith.constant 2 : i32
      %add3A_749 = arith.addi %add3A_747, %add3A_748 : i32
      %dma_start3A_750 = arith.constant 2 : i32
      %dma_start3A_751 = arith.constant 0 : i32
      %dma_start3A_752 = tpu.memref_slice %arg6[%dma_start3A_750, %dma_start3A_751] : memref<3x64xi32, #tpu.memory_space<vmem>> -> memref<1x64xi32, #tpu.memory_space<vmem>>
      %dma_start3A_753 = tpu.memref_squeeze %dma_start3A_752 : memref<1x64xi32, #tpu.memory_space<vmem>> -> memref<64xi32, #tpu.memory_space<vmem>>
      %dma_start3A_754 = arith.constant 0 : i32
      %dma_start3A_755 = arith.constant 0 : i32
      %dma_start3A_756 = tpu.memref_slice %arg2[%dma_start3A_754, %dma_start3A_755] : memref<10240x128xf32, #tpu.memory_space<hbm>> -> memref<10240x128xf32, #tpu.memory_space<hbm>>
      tpu.enqueue_indirect_dma source(%dma_start3A_756 : memref<10240x128xf32, #tpu.memory_space<hbm>>) target(%arg10 : memref<64x128xf32, #tpu.memory_space<vmem>>) offsets(%dma_start3A_753 : memref<64xi32, #tpu.memory_space<vmem>>) semaphore(%arg17 : memref<!tpu.dma_semaphore, #tpu.memory_space<semaphore_mem>>)
    }
    %scan3A_307 = arith.constant 52 : i32
    %dma_wait3A = arith.constant 0 : i32
    %dma_wait3A_308 = arith.constant 0 : i32
    %dma_wait3A_309 = tpu.memref_slice %arg6[%dma_wait3A, %dma_wait3A_308] : memref<3x64xi32, #tpu.memory_space<vmem>> -> memref<1x64xi32, #tpu.memory_space<vmem>>
    %dma_wait3A_310 = tpu.memref_squeeze %dma_wait3A_309 : memref<1x64xi32, #tpu.memory_space<vmem>> -> memref<64xi32, #tpu.memory_space<vmem>>
    %dma_wait3A_311 = arith.constant 0 : i32
    %dma_wait3A_312 = arith.constant 0 : i32
    %dma_wait3A_313 = tpu.memref_slice %arg2[%dma_wait3A_311, %dma_wait3A_312] : memref<10240x128xf32, #tpu.memory_space<hbm>> -> memref<10240x128xf32, #tpu.memory_space<hbm>>
    tpu.wait_indirect_dma semaphore(%arg15 : memref<!tpu.dma_semaphore, #tpu.memory_space<semaphore_mem>>) src(%dma_wait3A_313 : memref<10240x128xf32, #tpu.memory_space<hbm>>) dst(%arg8 : memref<64x128xf32, #tpu.memory_space<vmem>>)
    %dma_start3A_314 = arith.constant 0 : i32
    %dma_start3A_315 = arith.constant 0 : i32
    %dma_start3A_316 = tpu.memref_slice %arg7[%dma_start3A_314, %dma_start3A_315] : memref<3x64xi32, #tpu.memory_space<vmem>> -> memref<1x64xi32, #tpu.memory_space<vmem>>
    %dma_start3A_317 = tpu.memref_squeeze %dma_start3A_316 : memref<1x64xi32, #tpu.memory_space<vmem>> -> memref<64xi32, #tpu.memory_space<vmem>>
    %dma_start3A_318 = arith.constant 0 : i32
    %dma_start3A_319 = arith.constant 0 : i32
    %dma_start3A_320 = tpu.memref_slice %arg11[%dma_start3A_318, %dma_start3A_319] : memref<10240x128xf32, #tpu.memory_space<vmem_shared>> -> memref<10240x128xf32, #tpu.memory_space<vmem_shared>>
    tpu.enqueue_indirect_dma source(%arg8 : memref<64x128xf32, #tpu.memory_space<vmem>>) target(%dma_start3A_320 : memref<10240x128xf32, #tpu.memory_space<vmem_shared>>) offsets(%dma_start3A_317 : memref<64xi32, #tpu.memory_space<vmem>>) semaphore(%arg12 : memref<!tpu.dma_semaphore, #tpu.memory_space<semaphore_mem>>) {add = true}
    %dma_wait3A_321 = arith.constant 1 : i32
    %dma_wait3A_322 = arith.constant 0 : i32
    %dma_wait3A_323 = tpu.memref_slice %arg6[%dma_wait3A_321, %dma_wait3A_322] : memref<3x64xi32, #tpu.memory_space<vmem>> -> memref<1x64xi32, #tpu.memory_space<vmem>>
    %dma_wait3A_324 = tpu.memref_squeeze %dma_wait3A_323 : memref<1x64xi32, #tpu.memory_space<vmem>> -> memref<64xi32, #tpu.memory_space<vmem>>
    %dma_wait3A_325 = arith.constant 0 : i32
    %dma_wait3A_326 = arith.constant 0 : i32
    %dma_wait3A_327 = tpu.memref_slice %arg2[%dma_wait3A_325, %dma_wait3A_326] : memref<10240x128xf32, #tpu.memory_space<hbm>> -> memref<10240x128xf32, #tpu.memory_space<hbm>>
    tpu.wait_indirect_dma semaphore(%arg16 : memref<!tpu.dma_semaphore, #tpu.memory_space<semaphore_mem>>) src(%dma_wait3A_327 : memref<10240x128xf32, #tpu.memory_space<hbm>>) dst(%arg9 : memref<64x128xf32, #tpu.memory_space<vmem>>)
    %dma_start3A_328 = arith.constant 1 : i32
    %dma_start3A_329 = arith.constant 0 : i32
    %dma_start3A_330 = tpu.memref_slice %arg7[%dma_start3A_328, %dma_start3A_329] : memref<3x64xi32, #tpu.memory_space<vmem>> -> memref<1x64xi32, #tpu.memory_space<vmem>>
    %dma_start3A_331 = tpu.memref_squeeze %dma_start3A_330 : memref<1x64xi32, #tpu.memory_space<vmem>> -> memref<64xi32, #tpu.memory_space<vmem>>
    %dma_start3A_332 = arith.constant 0 : i32
    %dma_start3A_333 = arith.constant 0 : i32
    %dma_start3A_334 = tpu.memref_slice %arg11[%dma_start3A_332, %dma_start3A_333] : memref<10240x128xf32, #tpu.memory_space<vmem_shared>> -> memref<10240x128xf32, #tpu.memory_space<vmem_shared>>
    tpu.enqueue_indirect_dma source(%arg9 : memref<64x128xf32, #tpu.memory_space<vmem>>) target(%dma_start3A_334 : memref<10240x128xf32, #tpu.memory_space<vmem_shared>>) offsets(%dma_start3A_331 : memref<64xi32, #tpu.memory_space<vmem>>) semaphore(%arg13 : memref<!tpu.dma_semaphore, #tpu.memory_space<semaphore_mem>>) {add = true}
    %dma_wait3A_335 = arith.constant 2 : i32
    %dma_wait3A_336 = arith.constant 0 : i32
    %dma_wait3A_337 = tpu.memref_slice %arg6[%dma_wait3A_335, %dma_wait3A_336] : memref<3x64xi32, #tpu.memory_space<vmem>> -> memref<1x64xi32, #tpu.memory_space<vmem>>
    %dma_wait3A_338 = tpu.memref_squeeze %dma_wait3A_337 : memref<1x64xi32, #tpu.memory_space<vmem>> -> memref<64xi32, #tpu.memory_space<vmem>>
    %dma_wait3A_339 = arith.constant 0 : i32
    %dma_wait3A_340 = arith.constant 0 : i32
    %dma_wait3A_341 = tpu.memref_slice %arg2[%dma_wait3A_339, %dma_wait3A_340] : memref<10240x128xf32, #tpu.memory_space<hbm>> -> memref<10240x128xf32, #tpu.memory_space<hbm>>
    tpu.wait_indirect_dma semaphore(%arg17 : memref<!tpu.dma_semaphore, #tpu.memory_space<semaphore_mem>>) src(%dma_wait3A_341 : memref<10240x128xf32, #tpu.memory_space<hbm>>) dst(%arg10 : memref<64x128xf32, #tpu.memory_space<vmem>>)
    %dma_start3A_342 = arith.constant 2 : i32
    %dma_start3A_343 = arith.constant 0 : i32
    %dma_start3A_344 = tpu.memref_slice %arg7[%dma_start3A_342, %dma_start3A_343] : memref<3x64xi32, #tpu.memory_space<vmem>> -> memref<1x64xi32, #tpu.memory_space<vmem>>
    %dma_start3A_345 = tpu.memref_squeeze %dma_start3A_344 : memref<1x64xi32, #tpu.memory_space<vmem>> -> memref<64xi32, #tpu.memory_space<vmem>>
    %dma_start3A_346 = arith.constant 0 : i32
    %dma_start3A_347 = arith.constant 0 : i32
    %dma_start3A_348 = tpu.memref_slice %arg11[%dma_start3A_346, %dma_start3A_347] : memref<10240x128xf32, #tpu.memory_space<vmem_shared>> -> memref<10240x128xf32, #tpu.memory_space<vmem_shared>>
    tpu.enqueue_indirect_dma source(%arg10 : memref<64x128xf32, #tpu.memory_space<vmem>>) target(%dma_start3A_348 : memref<10240x128xf32, #tpu.memory_space<vmem_shared>>) offsets(%dma_start3A_345 : memref<64xi32, #tpu.memory_space<vmem>>) semaphore(%arg14 : memref<!tpu.dma_semaphore, #tpu.memory_space<semaphore_mem>>) {add = true}
    %dma_wait3A_349 = arith.constant 0 : i32
    %dma_wait3A_350 = arith.constant 0 : i32
    %dma_wait3A_351 = tpu.memref_slice %arg7[%dma_wait3A_349, %dma_wait3A_350] : memref<3x64xi32, #tpu.memory_space<vmem>> -> memref<1x64xi32, #tpu.memory_space<vmem>>
    %dma_wait3A_352 = tpu.memref_squeeze %dma_wait3A_351 : memref<1x64xi32, #tpu.memory_space<vmem>> -> memref<64xi32, #tpu.memory_space<vmem>>
    %dma_wait3A_353 = arith.constant 0 : i32
    %dma_wait3A_354 = arith.constant 0 : i32
    %dma_wait3A_355 = tpu.memref_slice %arg11[%dma_wait3A_353, %dma_wait3A_354] : memref<10240x128xf32, #tpu.memory_space<vmem_shared>> -> memref<10240x128xf32, #tpu.memory_space<vmem_shared>>
    tpu.wait_indirect_dma semaphore(%arg12 : memref<!tpu.dma_semaphore, #tpu.memory_space<semaphore_mem>>) src(%arg8 : memref<64x128xf32, #tpu.memory_space<vmem>>) dst(%dma_wait3A_355 : memref<10240x128xf32, #tpu.memory_space<vmem_shared>>)
    %dma_wait3A_356 = arith.constant 1 : i32
    %dma_wait3A_357 = arith.constant 0 : i32
    %dma_wait3A_358 = tpu.memref_slice %arg7[%dma_wait3A_356, %dma_wait3A_357] : memref<3x64xi32, #tpu.memory_space<vmem>> -> memref<1x64xi32, #tpu.memory_space<vmem>>
    %dma_wait3A_359 = tpu.memref_squeeze %dma_wait3A_358 : memref<1x64xi32, #tpu.memory_space<vmem>> -> memref<64xi32, #tpu.memory_space<vmem>>
    %dma_wait3A_360 = arith.constant 0 : i32
    %dma_wait3A_361 = arith.constant 0 : i32
    %dma_wait3A_362 = tpu.memref_slice %arg11[%dma_wait3A_360, %dma_wait3A_361] : memref<10240x128xf32, #tpu.memory_space<vmem_shared>> -> memref<10240x128xf32, #tpu.memory_space<vmem_shared>>
    tpu.wait_indirect_dma semaphore(%arg13 : memref<!tpu.dma_semaphore, #tpu.memory_space<semaphore_mem>>) src(%arg9 : memref<64x128xf32, #tpu.memory_space<vmem>>) dst(%dma_wait3A_362 : memref<10240x128xf32, #tpu.memory_space<vmem_shared>>)
    %dma_wait3A_363 = arith.constant 2 : i32
    %dma_wait3A_364 = arith.constant 0 : i32
    %dma_wait3A_365 = tpu.memref_slice %arg7[%dma_wait3A_363, %dma_wait3A_364] : memref<3x64xi32, #tpu.memory_space<vmem>> -> memref<1x64xi32, #tpu.memory_space<vmem>>
    %dma_wait3A_366 = tpu.memref_squeeze %dma_wait3A_365 : memref<1x64xi32, #tpu.memory_space<vmem>> -> memref<64xi32, #tpu.memory_space<vmem>>
    %dma_wait3A_367 = arith.constant 0 : i32
    %dma_wait3A_368 = arith.constant 0 : i32
    %dma_wait3A_369 = tpu.memref_slice %arg11[%dma_wait3A_367, %dma_wait3A_368] : memref<10240x128xf32, #tpu.memory_space<vmem_shared>> -> memref<10240x128xf32, #tpu.memory_space<vmem_shared>>
    tpu.wait_indirect_dma semaphore(%arg14 : memref<!tpu.dma_semaphore, #tpu.memory_space<semaphore_mem>>) src(%arg10 : memref<64x128xf32, #tpu.memory_space<vmem>>) dst(%dma_wait3A_369 : memref<10240x128xf32, #tpu.memory_space<vmem_shared>>)
    %barrier3A_370 = arith.constant 0 : index
    tpu.barrier barrier_id(%barrier3A_370)
    %mul3A_371 = arith.constant 640 : i32
    %mul3A_372 = arith.muli %arg1, %mul3A_371 : i32
    %mul3A_373 = arith.constant 10240 : i32
    %mul3A_374 = arith.muli %arg0, %mul3A_373 : i32
    %mul3A_375 = arith.constant 640 : i32
    %mul3A_376 = arith.muli %arg1, %mul3A_375 : i32
    %add3A_377 = arith.addi %mul3A_374, %mul3A_376 : i32
    "tpu.region"() ({
      %run_scoped3A = tpu.sem_alloc : memref<!tpu.dma_semaphore, #tpu.memory_space<semaphore_mem>>
      %dma_start3A_378 = arith.constant 0 : i32
      %dma_start3A_379 = tpu.memref_slice %arg4[%add3A_377, %dma_start3A_378] : memref<20480x128xf32, #tpu.memory_space<hbm>> -> memref<640x128xf32, #tpu.memory_space<hbm>>
      %dma_start3A_380 = arith.constant 0 : i32
      %dma_start3A_381 = tpu.memref_slice %arg11[%mul3A_372, %dma_start3A_380] : memref<10240x128xf32, #tpu.memory_space<vmem_shared>> -> memref<640x128xf32, #tpu.memory_space<vmem_shared>>
      tpu.enqueue_dma source(%dma_start3A_381 : memref<640x128xf32, #tpu.memory_space<vmem_shared>>) target(%dma_start3A_379 : memref<640x128xf32, #tpu.memory_space<hbm>>) target_semaphore(%run_scoped3A : memref<!tpu.dma_semaphore, #tpu.memory_space<semaphore_mem>>)
      %dma_wait3A_382 = arith.constant 0 : i32
      %dma_wait3A_383 = tpu.memref_slice %arg4[%add3A_377, %dma_wait3A_382] : memref<20480x128xf32, #tpu.memory_space<hbm>> -> memref<640x128xf32, #tpu.memory_space<hbm>>
      %dma_wait3A_384 = arith.constant 0 : i32
      %dma_wait3A_385 = tpu.memref_slice %arg11[%mul3A_372, %dma_wait3A_384] : memref<10240x128xf32, #tpu.memory_space<vmem_shared>> -> memref<640x128xf32, #tpu.memory_space<vmem_shared>>
      tpu.wait_dma2 semaphore(%run_scoped3A : memref<!tpu.dma_semaphore, #tpu.memory_space<semaphore_mem>>) src(%dma_wait3A_385 : memref<640x128xf32, #tpu.memory_space<vmem_shared>>) dst(%dma_wait3A_383 : memref<640x128xf32, #tpu.memory_space<hbm>>)
      tpu.yield
    }) : () -> ()
    return
  }
}

module attributes {stable_mosaic.version = 14 : i64} {
  func.func @_tc1_body(%arg0: i32, %arg1: memref<2x1024x128xf32, #tpu.memory_space<vmem>>, %arg2: memref<1024x128xf32, #tpu.memory_space<vmem>>, %arg3: memref<1024x128xf32, #tpu.memory_space<vmem>>, %arg4: memref<1024x128xf32, #tpu.memory_space<vmem>>) attributes {dimension_semantics = [#tpu.dimension_semantics<arbitrary>], iteration_bounds = array<i64: 10>, scalar_prefetch = 0 : i64, scratch_operands = 0 : i64, tpu.core_type = #tpu.core_type<tc>, window_params = [{transform_indices = @transform_0, window_bounds = array<i64: 2, 1024, 128>}, {transform_indices = @transform_1, window_bounds = array<i64: 1024, 128>}, {transform_indices = @transform_2, window_bounds = array<i64: 1024, 128>}, {transform_indices = @transform_3, window_bounds = array<i64: 1024, 128>}]} {
    %get3A = arith.constant 0 : index
    %get3A_0 = arith.constant 0 : index
    %get3A_1 = arith.constant 0 : index
    %get3A_2 = vector.load %arg1[%get3A, %get3A_0, %get3A_1] : memref<2x1024x128xf32, #tpu.memory_space<vmem>>, vector<1x1024x128xf32>
    %get3A_3 = vector.shape_cast %get3A_2 : vector<1x1024x128xf32> to vector<1024x128xf32>
    %get3A_4 = arith.constant 1 : index
    %get3A_5 = arith.constant 0 : index
    %get3A_6 = arith.constant 0 : index
    %get3A_7 = vector.load %arg1[%get3A_4, %get3A_5, %get3A_6] : memref<2x1024x128xf32, #tpu.memory_space<vmem>>, vector<1x1024x128xf32>
    %get3A_8 = vector.shape_cast %get3A_7 : vector<1x1024x128xf32> to vector<1024x128xf32>
    %add3A = arith.addf %get3A_3, %get3A_8 : vector<1024x128xf32>
    %slice3A = vector.extract_strided_slice %add3A {offsets = [0, 0], sizes = [1024, 1], strides = [1, 1]} : vector<1024x128xf32> to vector<1024x1xf32>
    %add3A_9 = arith.constant 1.000000e+00 : f32
    %add3A_10 = vector.broadcast %add3A_9 : f32 to vector<1024x1xf32>
    %add3A_11 = arith.addf %slice3A, %add3A_10 : vector<1024x1xf32>
    %rsqrt3A = math.rsqrt %add3A_11 : vector<1024x1xf32>
    %broadcast_in_dim3A = vector.shape_cast %rsqrt3A : vector<1024x1xf32> to vector<1024x1xf32>
    %broadcast_in_dim3A_12 = vector.broadcast %broadcast_in_dim3A : vector<1024x1xf32> to vector<1024x128xf32>
    %swap3A = arith.constant 0 : index
    %swap3A_13 = arith.constant 0 : index
    %swap3A_14 = vector.load %arg3[%swap3A, %swap3A_13] : memref<1024x128xf32, #tpu.memory_space<vmem>>, vector<1024x128xf32>
    tpu.vector_store %arg3[%swap3A, %swap3A_13], %broadcast_in_dim3A_12 {strides = array<i32>} : memref<1024x128xf32, #tpu.memory_space<vmem>>, vector<1024x128xf32>,
    %get3A_15 = arith.constant 0 : index
    %get3A_16 = arith.constant 0 : index
    %get3A_17 = vector.load %arg2[%get3A_15, %get3A_16] : memref<1024x128xf32, #tpu.memory_space<vmem>>, vector<1024x128xf32>
    %mul3A = arith.mulf %get3A_17, %broadcast_in_dim3A_12 : vector<1024x128xf32>
    %swap3A_18 = arith.constant 0 : index
    %swap3A_19 = arith.constant 0 : index
    %swap3A_20 = vector.load %arg4[%swap3A_18, %swap3A_19] : memref<1024x128xf32, #tpu.memory_space<vmem>>, vector<1024x128xf32>
    tpu.vector_store %arg4[%swap3A_18, %swap3A_19], %mul3A {strides = array<i32>} : memref<1024x128xf32, #tpu.memory_space<vmem>>, vector<1024x128xf32>,
    return
  }
  func.func @transform_0(%arg0: i32) -> (i32, i32, i32) {
    %c0_i32 = arith.constant 0 : i32
    %c0_i32_0 = arith.constant 0 : i32
    %c0_i32_1 = arith.constant 0 : i32
    return %c0_i32, %arg0, %c0_i32_0 : i32, i32, i32
  }
  func.func @transform_1(%arg0: i32) -> (i32, i32) {
    %c0_i32 = arith.constant 0 : i32
    %c0_i32_0 = arith.constant 0 : i32
    return %arg0, %c0_i32 : i32, i32
  }
  func.func @transform_2(%arg0: i32) -> (i32, i32) {
    %c0_i32 = arith.constant 0 : i32
    %c0_i32_0 = arith.constant 0 : i32
    return %arg0, %c0_i32 : i32, i32
  }
  func.func @transform_3(%arg0: i32) -> (i32, i32) {
    %c0_i32 = arith.constant 0 : i32
    %c0_i32_0 = arith.constant 0 : i32
    return %arg0, %c0_i32 : i32, i32
  }
}

module attributes {stable_mosaic.version = 14 : i64} {
  func.func @_tc2_body(%arg0: i32, %arg1: memref<2x1024x128xf32, #tpu.memory_space<vmem>>, %arg2: memref<1024x128xf32, #tpu.memory_space<vmem>>, %arg3: memref<1024x128xf32, #tpu.memory_space<vmem>>, %arg4: memref<128x256xf32, #tpu.memory_space<vmem>>, %arg5: memref<1x256xf32, #tpu.memory_space<vmem>>, %arg6: memref<256x128xf32, #tpu.memory_space<vmem>>, %arg7: memref<1024x128xf32, #tpu.memory_space<vmem>>) attributes {dimension_semantics = [#tpu.dimension_semantics<arbitrary>], iteration_bounds = array<i64: 10>, scalar_prefetch = 0 : i64, scratch_operands = 0 : i64, tpu.core_type = #tpu.core_type<tc>, window_params = [{transform_indices = @transform_0, window_bounds = array<i64: 2, 1024, 128>}, {transform_indices = @transform_1, window_bounds = array<i64: 1024, 128>}, {transform_indices = @transform_2, window_bounds = array<i64: 1024, 128>}, {pipeline_mode = #tpu.pipeline_mode<synchronous>, transform_indices = @transform_3, window_bounds = array<i64: 128, 256>}, {pipeline_mode = #tpu.pipeline_mode<synchronous>, transform_indices = @transform_4, window_bounds = array<i64: 1, 256>}, {pipeline_mode = #tpu.pipeline_mode<synchronous>, transform_indices = @transform_5, window_bounds = array<i64: 256, 128>}, {transform_indices = @transform_6, window_bounds = array<i64: 1024, 128>}]} {
    %get3A = arith.constant 0 : index
    %get3A_0 = arith.constant 0 : index
    %get3A_1 = arith.constant 0 : index
    %get3A_2 = vector.load %arg1[%get3A, %get3A_0, %get3A_1] : memref<2x1024x128xf32, #tpu.memory_space<vmem>>, vector<1x1024x128xf32>
    %get3A_3 = vector.shape_cast %get3A_2 : vector<1x1024x128xf32> to vector<1024x128xf32>
    %get3A_4 = arith.constant 1 : index
    %get3A_5 = arith.constant 0 : index
    %get3A_6 = arith.constant 0 : index
    %get3A_7 = vector.load %arg1[%get3A_4, %get3A_5, %get3A_6] : memref<2x1024x128xf32, #tpu.memory_space<vmem>>, vector<1x1024x128xf32>
    %get3A_8 = vector.shape_cast %get3A_7 : vector<1x1024x128xf32> to vector<1024x128xf32>
    %add3A = arith.addf %get3A_3, %get3A_8 : vector<1024x128xf32>
    %get3A_9 = arith.constant 0 : index
    %get3A_10 = arith.constant 0 : index
    %get3A_11 = vector.load %arg2[%get3A_9, %get3A_10] : memref<1024x128xf32, #tpu.memory_space<vmem>>, vector<1024x128xf32>
    %add3A_12 = arith.addf %add3A, %get3A_11 : vector<1024x128xf32>
    %get3A_13 = arith.constant 0 : index
    %get3A_14 = arith.constant 0 : index
    %get3A_15 = vector.load %arg3[%get3A_13, %get3A_14] : memref<1024x128xf32, #tpu.memory_space<vmem>>, vector<1024x128xf32>
    %mul3A = arith.mulf %add3A_12, %get3A_15 : vector<1024x128xf32>
    %get3A_16 = arith.constant 0 : index
    %get3A_17 = arith.constant 0 : index
    %get3A_18 = vector.load %arg4[%get3A_16, %get3A_17] : memref<128x256xf32, #tpu.memory_space<vmem>>, vector<128x256xf32>
    %dot_general3A = arith.constant dense<0.000000e+00> : vector<1024x256xf32>
    %dot_general3A_19 = tpu.matmul %mul3A, %get3A_18, %dot_general3A {dimension_numbers = #tpu.dot_dimension_numbers<[1], [0], [0], [1], [0, 0, 1, 1], [], []>, transpose_lhs_hint = false} : vector<1024x128xf32>, vector<128x256xf32>, vector<1024x256xf32> -> vector<1024x256xf32>
    %get3A_20 = arith.constant 0 : index
    %get3A_21 = arith.constant 0 : index
    %get3A_22 = vector.load %arg5[%get3A_20, %get3A_21] : memref<1x256xf32, #tpu.memory_space<vmem>>, vector<1x256xf32>
    %add3A_23 = vector.broadcast %get3A_22 : vector<1x256xf32> to vector<1024x256xf32>
    %add3A_24 = arith.addf %dot_general3A_19, %add3A_23 : vector<1024x256xf32>
    %max3A = arith.constant 0.000000e+00 : f32
    %max3A_25 = vector.broadcast %max3A : f32 to vector<1024x256xf32>
    %max3A_26 = arith.maximumf %add3A_24, %max3A_25 : vector<1024x256xf32>
    %get3A_27 = arith.constant 0 : index
    %get3A_28 = arith.constant 0 : index
    %get3A_29 = vector.load %arg3[%get3A_27, %get3A_28] : memref<1024x128xf32, #tpu.memory_space<vmem>>, vector<1024x1xf32>
    %mul3A_30 = vector.broadcast %get3A_29 : vector<1024x1xf32> to vector<1024x256xf32>
    %mul3A_31 = arith.mulf %max3A_26, %mul3A_30 : vector<1024x256xf32>
    %get3A_32 = arith.constant 0 : index
    %get3A_33 = arith.constant 0 : index
    %get3A_34 = vector.load %arg6[%get3A_32, %get3A_33] : memref<256x128xf32, #tpu.memory_space<vmem>>, vector<256x128xf32>
    %dot_general3A_35 = arith.constant dense<0.000000e+00> : vector<1024x128xf32>
    %dot_general3A_36 = tpu.matmul %mul3A_31, %get3A_34, %dot_general3A_35 {dimension_numbers = #tpu.dot_dimension_numbers<[1], [0], [0], [1], [0, 0, 1, 1], [], []>, transpose_lhs_hint = false} : vector<1024x256xf32>, vector<256x128xf32>, vector<1024x128xf32> -> vector<1024x128xf32>
    %swap3A = arith.constant 0 : index
    %swap3A_37 = arith.constant 0 : index
    %swap3A_38 = vector.load %arg7[%swap3A, %swap3A_37] : memref<1024x128xf32, #tpu.memory_space<vmem>>, vector<1024x128xf32>
    tpu.vector_store %arg7[%swap3A, %swap3A_37], %dot_general3A_36 {strides = array<i32>} : memref<1024x128xf32, #tpu.memory_space<vmem>>, vector<1024x128xf32>,
    return
  }
  func.func @transform_0(%arg0: i32) -> (i32, i32, i32) {
    %c0_i32 = arith.constant 0 : i32
    %c0_i32_0 = arith.constant 0 : i32
    %c0_i32_1 = arith.constant 0 : i32
    return %c0_i32, %arg0, %c0_i32_0 : i32, i32, i32
  }
  func.func @transform_1(%arg0: i32) -> (i32, i32) {
    %c0_i32 = arith.constant 0 : i32
    %c0_i32_0 = arith.constant 0 : i32
    return %arg0, %c0_i32 : i32, i32
  }
  func.func @transform_2(%arg0: i32) -> (i32, i32) {
    %c0_i32 = arith.constant 0 : i32
    %c0_i32_0 = arith.constant 0 : i32
    return %arg0, %c0_i32 : i32, i32
  }
  func.func @transform_3(%arg0: i32) -> (i32, i32) {
    %c0_i32 = arith.constant 0 : i32
    %c0_i32_0 = arith.constant 0 : i32
    %c0_i32_1 = arith.constant 0 : i32
    return %c0_i32, %c0_i32_0 : i32, i32
  }
  func.func @transform_4(%arg0: i32) -> (i32, i32) {
    %c0_i32 = arith.constant 0 : i32
    %c0_i32_0 = arith.constant 0 : i32
    %c0_i32_1 = arith.constant 0 : i32
    return %c0_i32, %c0_i32_0 : i32, i32
  }
  func.func @transform_5(%arg0: i32) -> (i32, i32) {
    %c0_i32 = arith.constant 0 : i32
    %c0_i32_0 = arith.constant 0 : i32
    %c0_i32_1 = arith.constant 0 : i32
    return %c0_i32, %c0_i32_0 : i32, i32
  }
  func.func @transform_6(%arg0: i32) -> (i32, i32) {
    %c0_i32 = arith.constant 0 : i32
    %c0_i32_0 = arith.constant 0 : i32
    return %arg0, %c0_i32 : i32, i32
  }
}

module attributes {stable_mosaic.version = 14 : i64} {
  func.func @_tc3_body(%arg0: i32, %arg1: memref<2x1024x128xf32, #tpu.memory_space<vmem>>, %arg2: memref<1024x128xf32, #tpu.memory_space<vmem>>, %arg3: memref<1024x128xf32, #tpu.memory_space<vmem>>, %arg4: memref<1x128xf32, #tpu.memory_space<vmem>>, %arg5: memref<1024x128xf32, #tpu.memory_space<vmem>>) attributes {dimension_semantics = [#tpu.dimension_semantics<arbitrary>], iteration_bounds = array<i64: 10>, scalar_prefetch = 0 : i64, scratch_operands = 0 : i64, tpu.core_type = #tpu.core_type<tc>, window_params = [{transform_indices = @transform_0, window_bounds = array<i64: 2, 1024, 128>}, {transform_indices = @transform_1, window_bounds = array<i64: 1024, 128>}, {transform_indices = @transform_2, window_bounds = array<i64: 1024, 128>}, {pipeline_mode = #tpu.pipeline_mode<synchronous>, transform_indices = @transform_3, window_bounds = array<i64: 1, 128>}, {transform_indices = @transform_4, window_bounds = array<i64: 1024, 128>}]} {
    %get3A = arith.constant 0 : index
    %get3A_0 = arith.constant 0 : index
    %get3A_1 = arith.constant 0 : index
    %get3A_2 = vector.load %arg1[%get3A, %get3A_0, %get3A_1] : memref<2x1024x128xf32, #tpu.memory_space<vmem>>, vector<1x1024x128xf32>
    %get3A_3 = vector.shape_cast %get3A_2 : vector<1x1024x128xf32> to vector<1024x128xf32>
    %get3A_4 = arith.constant 1 : index
    %get3A_5 = arith.constant 0 : index
    %get3A_6 = arith.constant 0 : index
    %get3A_7 = vector.load %arg1[%get3A_4, %get3A_5, %get3A_6] : memref<2x1024x128xf32, #tpu.memory_space<vmem>>, vector<1x1024x128xf32>
    %get3A_8 = vector.shape_cast %get3A_7 : vector<1x1024x128xf32> to vector<1024x128xf32>
    %add3A = arith.addf %get3A_3, %get3A_8 : vector<1024x128xf32>
    %get3A_9 = arith.constant 0 : index
    %get3A_10 = arith.constant 0 : index
    %get3A_11 = vector.load %arg2[%get3A_9, %get3A_10] : memref<1024x128xf32, #tpu.memory_space<vmem>>, vector<1024x128xf32>
    %add3A_12 = arith.addf %add3A, %get3A_11 : vector<1024x128xf32>
    %get3A_13 = arith.constant 0 : index
    %get3A_14 = arith.constant 0 : index
    %get3A_15 = vector.load %arg3[%get3A_13, %get3A_14] : memref<1024x128xf32, #tpu.memory_space<vmem>>, vector<1024x128xf32>
    %mul3A = arith.mulf %add3A_12, %get3A_15 : vector<1024x128xf32>
    %get3A_16 = arith.constant 0 : index
    %get3A_17 = arith.constant 0 : index
    %get3A_18 = vector.load %arg4[%get3A_16, %get3A_17] : memref<1x128xf32, #tpu.memory_space<vmem>>, vector<1x128xf32>
    %add3A_19 = vector.broadcast %get3A_18 : vector<1x128xf32> to vector<1024x128xf32>
    %add3A_20 = arith.addf %mul3A, %add3A_19 : vector<1024x128xf32>
    %reduce_max3A = arith.constant dense<0xFF800000> : vector<1024xf32>
    %reduce_max3A_21 = vector.multi_reduction <maximumf>, %add3A_20, %reduce_max3A [1] : vector<1024x128xf32> to vector<1024xf32>
    %broadcast_in_dim3A = vector.shape_cast %reduce_max3A_21 : vector<1024xf32> to vector<1024x1xf32>
    %sub3A = vector.broadcast %broadcast_in_dim3A : vector<1024x1xf32> to vector<1024x128xf32>
    %sub3A_22 = arith.subf %add3A_20, %sub3A : vector<1024x128xf32>
    %exp3A = math.exp %sub3A_22 : vector<1024x128xf32>
    %reduce_sum3A = arith.constant dense<0.000000e+00> : vector<1024xf32>
    %reduce_sum3A_23 = vector.multi_reduction <add>, %exp3A, %reduce_sum3A [1] : vector<1024x128xf32> to vector<1024xf32>
    %broadcast_in_dim3A_24 = vector.shape_cast %reduce_sum3A_23 : vector<1024xf32> to vector<1024x1xf32>
    %log3A = math.log %broadcast_in_dim3A_24 : vector<1024x1xf32>
    %sub3A_25 = vector.broadcast %log3A : vector<1024x1xf32> to vector<1024x128xf32>
    %sub3A_26 = arith.subf %sub3A_22, %sub3A_25 : vector<1024x128xf32>
    %swap3A = arith.constant 0 : index
    %swap3A_27 = arith.constant 0 : index
    %swap3A_28 = vector.load %arg5[%swap3A, %swap3A_27] : memref<1024x128xf32, #tpu.memory_space<vmem>>, vector<1024x128xf32>
    tpu.vector_store %arg5[%swap3A, %swap3A_27], %sub3A_26 {strides = array<i32>} : memref<1024x128xf32, #tpu.memory_space<vmem>>, vector<1024x128xf32>,
    return
  }
  func.func @transform_0(%arg0: i32) -> (i32, i32, i32) {
    %c0_i32 = arith.constant 0 : i32
    %c0_i32_0 = arith.constant 0 : i32
    %c0_i32_1 = arith.constant 0 : i32
    return %c0_i32, %arg0, %c0_i32_0 : i32, i32, i32
  }
  func.func @transform_1(%arg0: i32) -> (i32, i32) {
    %c0_i32 = arith.constant 0 : i32
    %c0_i32_0 = arith.constant 0 : i32
    return %arg0, %c0_i32 : i32, i32
  }
  func.func @transform_2(%arg0: i32) -> (i32, i32) {
    %c0_i32 = arith.constant 0 : i32
    %c0_i32_0 = arith.constant 0 : i32
    return %arg0, %c0_i32 : i32, i32
  }
  func.func @transform_3(%arg0: i32) -> (i32, i32) {
    %c0_i32 = arith.constant 0 : i32
    %c0_i32_0 = arith.constant 0 : i32
    %c0_i32_1 = arith.constant 0 : i32
    return %c0_i32, %c0_i32_0 : i32, i32
  }
  func.func @transform_4(%arg0: i32) -> (i32, i32) {
    %c0_i32 = arith.constant 0 : i32
    %c0_i32_0 = arith.constant 0 : i32
    return %arg0, %c0_i32 : i32, i32
  }
}

</mosaic_0001>

<sc_bundles>
// kernel: kernel.11.cloned.1.call-start
scs
__scs_entry_jumppad:
0x0: {  	(pc) =	sbr.rel $0x88, $3  }
0x1: {  	(tag) =	ssettag $0x0;
	lr =	simm.s32 $0x1  }
0x2: {  	[smem:$0x3F9B] =	sst lr;
	_ =	strace $0xD0000000  }
0x3: {  	_ = 	snop  }
0x4: {  	_ = 	snop  }
0x5: {  	_ = 	snop  }
0x6: {  	_ = 	snop  }
0x7: {  	_ = 	snop  }
__scs_overlays_trampoline_lowered:
0x8: {  	[smem:$0x3FAA] =	sst s0  }
0x9: {  	[smem:$0x3FAB] =	sst s1  }
0xa: {  	[smem:$0x3FAC] =	sst s2  }
0xb: {  	[smem:$0x3FAD] =	sst s3  }
0xc: {  	[smem:$0x3FAE] =	sst s4  }
0xd: {  	[smem:$0x3FAF] =	sst s5  }
0xe: {  	[smem:$0x3FB0] =	sst s6  }
0xf: {  	[smem:$0x3FB1] =	sst s7  }
0x10: {  	[smem:$0x3FB2] =	sst s8  }
0x11: {  	[smem:$0x3FB3] =	sst s9;
	s0 =	simm.s32 @!p0 $0x0  }
0x12: {  	s1 =	sld [smem:$0x3F99];
	s0 =	simm.s32 @p0 $0x1  }
0x13: {  	[smem:$0x3FB4] =	sst s0;
	s0 =	simm.s32 @!p1 $0x0  }
0x14: {  	s2 =	sld [smem:$0x3F98];
	s0 =	simm.s32 @p1 $0x1  }
0x15: {  	[smem:$0x3FB5] =	sst s0;
	s0 =	simm.s32 @!p2 $0x0  }
0x16: {  	s3 =	sld [smem:$0x3FDB];
	s0 =	simm.s32 @p2 $0x1  }
0x17: {  	s4 =	simm.s32 $0x1BF5;
	[smem:$0x3FB7] =	sst s0  }
0x18: {  	s0 =	sld [smem:$0x3F9A];
	_ =	swait.ge [sflag:s4], $0x0  }
0x19: {  	s7 =	sld [smem:$0x3F9B]  }
0x1a: {  	s8 =	sadd.s32 $0xFFFFE003, lr  }
0x1b: {  	s9 =	sadd.s32 $0xFFFFFEF7, lr;
	s5 =	simm.s32 $0xFFFFFFFF;
	p2 =	slt.u32 s8, $0xFFFFF086  }
0x1c: {  	p1 =	slt.u32 s9, $0xF7A;
	s5 =	simm.s32 @!p2 $0x0  }
0x1d: {  	s5 =	simm.s32 @p1 $0x1;
	p0 =	seq.s32 s7, s2  }
0x1e: {  	s7 =	smul.u32 @!p0 $0xF7A, s2;
	p2 =	seq.s32 @!p0 s5, $0x0  }
0x1f: {  	s9 =	smul.u32 $0xF7A, s1;
	s8 =	simm.s32 @!p0 $0x1BF5;
	p2 =	por !p2, p0  }
0x20: {  	[sflag:s8] =	ssyncset.s32 @!p0 $0xFFFFF086;
	s6 =	sadd.s32 @!p0 s3, s7;
	s7 =	simm.s32 @!p0 $0x108  }
0x21: {  	s3 =	sadd.s32 s3, s9;
	s6 =	sadd.s32 @!p0 $0x88, s6;
	s7 =	simm.s32 @p2 $0x1082  }
0x22: {  	[simem:s7], [sflag:s8] =	dma.local @!p0 [hbm:s6], $0xF7A  }
0x23: {  	s9 =	sor.u32 $0xD0000000, s2;
	s6 =	simm.s32 $0x108;
	_ =	swait.ge @!p0 [sflag:s8], $0x0  }
0x24: {  	s3 =	sadd.s32 $0x88, s3;
	s6 =	simm.s32 @!p1 $0x1082;
	[sflag:s4] =	ssyncset.s32 $0xFFFFF086  }
0x25: {  	[simem:s6], [sflag:s4] =	dma.local [hbm:s3], $0xF7A  }
0x26: {  	[smem:$0x3F9B] =	sst s1;
	(tag) =	ssettag s2;
	_ =	strace s9  }
0x27: {  	s1 =	sld [smem:$0x3FAB]  }
0x28: {  	s2 =	sld [smem:$0x3FAC]  }
0x29: {  	s4 =	sld [smem:$0x3FAE]  }
0x2a: {  	p0 =	seq.s32 s5, $0x0;
	s5 =	sld [smem:$0x3FAF]  }
0x2b: {  	s6 =	sld [smem:$0x3FB0]  }
0x2c: {  	s7 =	sld [smem:$0x3FB1]  }
0x2d: {  	s3 =	simm.s32 $0x108;
	s8 =	sld [smem:$0x3FB2]  }
0x2e: {  	s3 =	simm.s32 @!p0 $0x1082;
	s9 =	sld [smem:$0x3FB3]  }
0x2f: {  	lr =	sadd.s32 s0, s3;
	s0 =	sld [smem:$0x3FAA]  }
0x30: {  	s3 =	sld [smem:$0x3FAD]  }
0x31: {  	[smem:$0x3FB6] =	sst s10  }
0x32: {  	s10 =	sld [smem:$0x3FB4];
	_ =	sdelay $0x3  }
0x33: {  	p0 =	seq.s32 s10, $0x1;
	s10 =	sld [smem:$0x3FB6];
	_ =	sdelay $0x3  }
0x34: {  	[smem:$0x3FB6] =	sst s10  }
0x35: {  	s10 =	sld [smem:$0x3FB5];
	_ =	sdelay $0x3  }
0x36: {  	p1 =	seq.s32 s10, $0x1;
	s10 =	sld [smem:$0x3FB6];
	_ =	sdelay $0x3  }
0x37: {  	[smem:$0x3FB6] =	sst s10  }
0x38: {  	s10 =	sld [smem:$0x3FB7]  }
0x39: {  	_ = 	snop;
	(pc) =	sbr.ind lr, $3  }
0x3a: {  	_ = 	snop  }
0x3b: {  	_ = 	snop  }
0x3c: {  	p2 =	seq.s32 s10, $0x1;
	s10 =	sld [smem:$0x3FB6]  }
0x3d: {  	_ =	shalt  }
0x3e: {  	_ =	shalt  }
0x3f: {  	_ =	shalt  }
0x40: {  	_ =	shalt  }
0x41: {  	_ =	shalt  }
0x42: {  	_ =	shalt  }
0x43: {  	_ =	shalt  }
0x44: {  	_ =	shalt  }
0x45: {  	_ =	shalt  }
0x46: {  	_ =	shalt  }
0x47: {  	_ =	shalt  }
0x48: {  	_ =	shalt  }
0x49: {  	_ =	shalt  }
0x4a: {  	_ =	shalt  }
0x4b: {  	_ =	shalt  }
0x4c: {  	_ =	shalt  }
0x4d: {  	_ =	shalt  }
0x4e: {  	_ =	shalt  }
0x4f: {  	_ =	shalt  }
0x50: {  	_ =	shalt  }
0x51: {  	_ =	shalt  }
0x52: {  	_ =	shalt  }
0x53: {  	_ =	shalt  }
0x54: {  	_ =	shalt  }
0x55: {  	_ =	shalt  }
0x56: {  	_ =	shalt  }
0x57: {  	_ =	shalt  }
0x58: {  	_ =	shalt  }
0x59: {  	_ =	shalt  }
0x5a: {  	_ =	shalt  }
0x5b: {  	_ =	shalt  }
0x5c: {  	_ =	shalt  }
0x5d: {  	_ =	shalt  }
0x5e: {  	_ =	shalt  }
0x5f: {  	_ =	shalt  }
0x60: {  	_ =	shalt  }
0x61: {  	_ =	shalt  }
0x62: {  	_ =	shalt  }
0x63: {  	_ =	shalt  }
0x64: {  	_ =	shalt  }
0x65: {  	_ =	shalt  }
0x66: {  	_ =	shalt  }
0x67: {  	_ =	shalt  }
0x68: {  	_ =	shalt  }
0x69: {  	_ =	shalt  }
0x6a: {  	_ =	shalt  }
0x6b: {  	_ =	shalt  }
0x6c: {  	_ =	shalt  }
0x6d: {  	_ =	shalt  }
0x6e: {  	_ =	shalt  }
0x6f: {  	_ =	shalt  }
0x70: {  	_ =	shalt  }
0x71: {  	_ =	shalt  }
0x72: {  	_ =	shalt  }
0x73: {  	_ =	shalt  }
0x74: {  	_ =	shalt  }
0x75: {  	_ =	shalt  }
0x76: {  	_ =	shalt  }
0x77: {  	_ =	shalt  }
0x78: {  	_ =	shalt  }
0x79: {  	_ =	shalt  }
0x7a: {  	_ =	shalt  }
0x7b: {  	_ =	shalt  }
0x7c: {  	_ =	shalt  }
0x7d: {  	_ =	shalt  }
0x7e: {  	_ =	shalt  }
0x7f: {  	_ =	shalt  }
0x80: {  	_ =	shalt  }
0x81: {  	_ =	shalt  }
0x82: {  	_ =	shalt  }
0x83: {  	_ =	shalt  }
0x84: {  	_ =	shalt  }
0x85: {  	_ =	shalt  }
0x86: {  	_ =	shalt  }
0x87: {  	_ =	shalt  }
.Lfunc_end0:
.L_simem_size_0:
called_computation.1_lowered:
.L_overlay_start_0:
0x88: {  	s2 =	sld [smem:$0x3FD9]  }
0x89: {  	s3 =	sld [smem:$0x3FFE];
	_ =	sdelay $0x1  }
0x8a: {  	s1 =	srdreg.scid  }
0x8b: {  	s0 =	sand.u32 $0x1, s1  }
0x8c: {  	s17 =	sshll.u32 s0, $0xA;
	s2 =	sadd.s32 s3, s2  }
0x8d: {  	s2 =	sadd.s32 s2, s17  }
0x8e: {  	[smem:$0x3FC2] =	sst s2  }
0x8f: {  	_ = 	snop  }
0x90: {  	s2 =	sld [smem:$0x3FD0];
	(tm) =	ssettm $0x1  }
0x91: {  	s18 =	sld [smem:$0x3FFB];
	_ =	sdelay $0x3  }
0x92: {  	_ =	strace s18  }
0x93: {  	s3 =	sld [smem:$0x3FFC];
	_ =	sdelay $0x3  }
0x94: {  	_ =	strace s3  }
0x95: {  	s3 =	sld [smem:$0x3FFD];
	_ =	sdelay $0x3  }
0x96: {  	_ =	strace s3  }
0x97: {  	_ =	strace $0x8FFFFFFF  }
0x98: {  	s19 =	sld [smem:$0x3FDB];
	_ =	sdelay $0x1  }
0x99: {  	s4 =	simm.s32 $_scs_section_size  }
0x9a: {  	s5 =	simm.s32 $_size__tile_overlayer_lowered;
	s6 =	simm.s32 $_tile_overlayer_lowered  }
0x9b: {  	s22 =	simm.s32 $0x1BFF;
	s21 =	sshll.u32 s6, $0x1;
	s3 =	sadd.s32 s4, s19  }
0x9c: {  	s7 =	simm.s32 $0x0;
	s20 =	sshll.u32 s5, $0x1;
	s5 =	sadd.s32 s21, s3  }
0x9d: {  	[timem:s7], [sflag:s22] =	dma.local [hbm:s5], s20  }
0x9e: {  	_ =	swait.ge [sflag:s22], s20  }
0x9f: {  	s4 =	ssub.s32 $0x0, s20;
	[sflag:s22] =	ssyncset.done $0x0  }
0xa0: {  	[sflag:s22] =	ssyncadd.s32 s4;
	_ =	sdelay $0x1  }
0xa1: {  	s23 =	simm.s32 $0x1B8B  }
0xa2: {  	_ =	swait.ge [sflag:s23], $0x1  }
0xa3: {  	[sflag:s23] =	ssyncset.done $0x0  }
0xa4: {  	s25 =	simm.s32 $0x1B8E;
	s24 =	sld [smem:$0x3FFE];
	[sflag:s23] =	ssyncadd.s32 $0xFFFFFFFF  }
0xa5: {  	s26 =	simm.s32 $execute0_lowered;
	[smem:$0x3FD2] =	sst s25  }
0xa6: {  	s5 =	sshll.u32 s26, $0x1;
	_ =	strace $0x80000049;
	[dreg:$0x1] =	wrdreg $0xFFFFFFFF  }
0xa7: {  	s28 =	simm.s32 $_size_execute0_lowered;
	s3 =	sadd.s32 s3, s5;
	[dreg:$0x0] =	wrdreg $0x0  }
0xa8: {  	s5 =	sshll.u32 s28, $0x1;
	[dreg:$0x2] =	wrdreg s3  }
0xa9: {  	[dreg:$0x3] =	wrdreg s5  }
0xaa: {  	[dreg:$0x4] =	wrdreg $0xC0  }
0xab: {  	_ =	task [dreg:s7], $0x5FFFF  }
0xac: {  	[dreg:$0x1] =	wrdreg $0xFFFFFFFF  }
0xad: {  	[dreg:$0x0] =	wrdreg $0x60  }
0xae: {  	[dreg:$0x2] =	wrdreg s24  }
0xaf: {  	[dreg:$0x3] =	wrdreg s2  }
0xb0: {  	[dreg:$0x4] =	wrdreg $0xB4000  }
0xb1: {  	[dreg:$0x5] =	wrdreg $0x9  }
0xb2: {  	_ =	task.clear_ibuf [dreg:s7], $0x6FFFF;
	_ =	strace $0x90000049  }
0xb3: {  	s29 =	simm.s32 $0x9;
	_ =	strace $0x8000004B  }
0xb4: {  	_ =	swait.ge [sflag:s29], $0x1  }
0xb5: {  	[sflag:s29] =	ssyncadd.s32 $0xFFFFFFFF  }
0xb6: {  	_ =	strace $0x9000004B  }
0xb7: {  	_ =	sfence  }
0xb8: {  	s30 =	sld [smem:$0x0];
	_ =	sdelay $0x2  }
0xb9: {  	s31 =	sshll.u32 s1, $0xD;
	s1 =	sshrl.u32 s1, $0x2  }
0xba: {  	s3 =	sand.u32 $0x4000, s31;
	s1 =	sadd.s32 s1, s30  }
0xbb: {  	s0 =	sor.u32 s3, s0;
	s1 =	sshll.u32 s1, $0x11  }
0xbc: {  	s0 =	sor.u32 s1, s0  }
0xbd: {  	s0 =	sadd.s32 $0x8F2B, s0  }
0xbe: {  	[sflag:s0] =	ssyncadd.remote.s32 $0x1  }
0xbf: {  	_ =	sfence.sel $0xFFFF  }
0xc0: {  	[dreg:$0x0] =	wrdreg $0xFFFFFFFF;
	(pc) =	sbr.abs _section_cstart, $3  }
0xc1: {  	[dreg:$0x1] =	wrdreg $0xFFFFFFFF  }
0xc2: {  	_ =	task.clear_ibuf [dreg:s7], $0x2FFFF;
	_ =	strace $0x9FFFFFFF  }
0xc3: {  	(tm) =	ssettm $0x7FFFFFFF  }
tec
execute0_lowered:
.L_overlay_start_1:
0x0: {  	(tag) =	ssettag $0x1  }
0x1: {  	s0 =	rddreg [dreg:$0x0]  }
0x2: {  	s1 =	rddreg [dreg:$0x1]  }
0x3: {  	s2 =	rddreg [dreg:$0x2]  }
0x4: {  	s3 =	srdreg.scid;
	s7 =	stileid.u32;
	s8 =	simm.s32 $0x0  }
0x5: {  	s18 =	simm.s32 $0x5400;
	s19 =	simm.s32 $0x7;
	s20 =	simm.s32 $0x40  }
0x6: {  	s21 =	simm.s32 $0x5000;
	s22 =	simm.s32 $0x5080;
	s28 =	simm.s32 $0x5200  }
0x7: {  	s29 =	simm.s32 $0x5;
	s30 =	simm.s32 $0x5280;
	s5 =	smul.u32 $0x2800, s7  }
0x8: {  	s3 =	sand.u32 $0x1, s3;
	s6 =	sshll.u32 s7, $0x1;
	s7 =	smul.u32 $0x50000, s7  }
0x9: {  	s31 =	simm.s32 $0x6;
	[smem:$0x7FF] =	sst s8;
	s4 =	smul.u32 $0x28000, s3  }
0xa: {  	s6 =	ssub.s32 s6, s3;
	_ =	strace $0x8000004A;
	s3 =	ssub.s32 $0x2, s3  }
0xb: {  	s6 =	smul.u32 $0x5000, s6;
	s23 =	sshrl.u32 s3, $0x1;
	s7 =	sshrl.u32 s7, $0x2  }
0xc: {  	s5 =	sadd.s32 s5, s4;
	s4 =	sadd.s32 $0x2400, s0;
	s3 =	ssub.s32 s3, s23  }
0xd: {  	s23 =	simm.s32 $0x7400;
	s0 =	sadd.s32 s5, s0;
	s6 =	sadd.s32 $0x5000, s6  }
0xe: {  	s5 =	sadd.s32 s7, s2;
	s24 =	smax.u32 s3, $0x1;
	s3 =	simm.s32 $0x1  }
0xf: {  	s7 =	simm.s32 $0x0;
	s6 =	sshrl.u32 s6, $0x3;
	s0 =	sadd.s32 $0x2A400, s0  }
0x10: {  	[dreg:$0x6] =	wrdreg s24;
	s25 =	sadd.s32 $0x2000, s5;
	s26 =	sadd.s32 $0x4000, s5  }
0x11: {  	s11 =	sadd.s32 $0x6000, s5;
	s12 =	sadd.s32 $0x8000, s5;
	s13 =	sadd.s32 $0xA000, s5  }
0x12: {  	s14 =	sadd.s32 $0xC000, s5;
	s15 =	sadd.s32 $0xE000, s5;
	[dreg:$0x5] =	wrdreg s0  }
0x13: {  	s16 =	sadd.s32 $0x10000, s5;
	s17 =	sadd.s32 $0x12000, s5;
	[dreg:$0x7] =	wrdreg s25  }
0x14: {  	s24 =	simm.s32 $0x5100;
	s1 =	sadd.s32 s1, s6;
	[dreg:$0x8] =	wrdreg s26  }
0x15: {  	s25 =	simm.s32 $0x9400;
	s26 =	simm.s32 $0x4;
	s0 =	simm.s32 $0x5300  }
0x16: {  	v0 =	vimm.f32 $0.0e+00;
	s6 =	simm.s32 $0x3;
	[dreg:$0x4] =	wrdreg s1;
	s1 =	simm.s32 $0x2  }
.LBB2_1:
0x17: {  	s8 =	simm.s32 $0x0;
	s9 =	simm.s32 $0x200  }
.LBB2_2:
0x18: {  	p0 =	sne.s32 s9, $0x7E00;
	[tilespmem:s8+$0x5470] =	vst v0  }
0x19: {  	[tilespmem:s8+$0x5400] =	vst v0  }
0x1a: {  	[tilespmem:s8+$0x5410] =	vst v0  }
.Ltmp0:
0x1b: {  	[tilespmem:s8+$0x5420] =	vst v0;
	(pc) =	sbr.rel @p0 .LBB2_2-.Ltmp0, $4  }
0x1c: {  	[tilespmem:s8+$0x5430] =	vst v0  }
0x1d: {  	[tilespmem:s8+$0x5440] =	vst v0  }
0x1e: {  	[tilespmem:s8+$0x5450] =	vst v0  }
0x1f: {  	[tilespmem:s8+$0x5460] =	vst v0;
	s8 =	sshra.s32 s9, $0x2;
	s9 =	sadd.s32 $0x200, s9  }
0x20: {  	[tilespmem:s8+$0x5470] =	vst v0  }
0x21: {  	[tilespmem:s8+$0x5400] =	vst v0  }
0x22: {  	[tilespmem:s8+$0x5410] =	vst v0  }
0x23: {  	[tilespmem:s8+$0x5420] =	vst v0  }
0x24: {  	[tilespmem:s8+$0x5430] =	vst v0  }
0x25: {  	[tilespmem:s8+$0x5440] =	vst v0  }
0x26: {  	[tilespmem:s8+$0x5450] =	vst v0  }
0x27: {  	[tilespmem:s8+$0x5460] =	vst v0  }
0x28: {  	[spmem:s5] =	stream.linear.scatter [tilespmem:s18], [sflag:$0x7], $0x2000, $0x38;
	[tilespmem:$0x1F400] =	vst v63  }
0x29: {  	_ =	swait.ge [sflag:s19], $0x2000  }
0x2a: {  	[sflag:s19] =	ssyncset.done $0x0  }
0x2b: {  	s10 =	rddreg [dreg:$0x7];
	[sflag:s19] =	ssyncadd.s32 $0xFFFFE000  }
0x2c: {  	[spmem:s10] =	stream.linear.scatter [tilespmem:s18], [sflag:$0x7], $0x2000, $0x38;
	[tilespmem:$0x1F400] =	vst v63  }
0x2d: {  	_ =	swait.ge [sflag:s19], $0x2000  }
0x2e: {  	[sflag:s19] =	ssyncset.done $0x0  }
0x2f: {  	s9 =	rddreg [dreg:$0x8];
	[sflag:s19] =	ssyncadd.s32 $0xFFFFE000  }
0x30: {  	[spmem:s9] =	stream.linear.scatter [tilespmem:s18], [sflag:$0x7], $0x2000, $0x38;
	[tilespmem:$0x1F400] =	vst v63  }
0x31: {  	_ =	swait.ge [sflag:s19], $0x2000  }
0x32: {  	[sflag:s19] =	ssyncset.done $0x0  }
0x33: {  	[sflag:s19] =	ssyncadd.s32 $0xFFFFE000  }
0x34: {  	[spmem:s11] =	stream.linear.scatter [tilespmem:s18], [sflag:$0x7], $0x2000, $0x38;
	[tilespmem:$0x1F400] =	vst v63  }
0x35: {  	_ =	swait.ge [sflag:s19], $0x2000  }
0x36: {  	[sflag:s19] =	ssyncset.done $0x0  }
0x37: {  	[sflag:s19] =	ssyncadd.s32 $0xFFFFE000  }
0x38: {  	[spmem:s12] =	stream.linear.scatter [tilespmem:s18], [sflag:$0x7], $0x2000, $0x38;
	[tilespmem:$0x1F400] =	vst v63  }
0x39: {  	_ =	swait.ge [sflag:s19], $0x2000  }
0x3a: {  	[sflag:s19] =	ssyncset.done $0x0  }
0x3b: {  	[sflag:s19] =	ssyncadd.s32 $0xFFFFE000  }
0x3c: {  	[spmem:s13] =	stream.linear.scatter [tilespmem:s18], [sflag:$0x7], $0x2000, $0x38;
	[tilespmem:$0x1F400] =	vst v63  }
0x3d: {  	_ =	swait.ge [sflag:s19], $0x2000  }
0x3e: {  	[sflag:s19] =	ssyncset.done $0x0  }
0x3f: {  	[sflag:s19] =	ssyncadd.s32 $0xFFFFE000  }
0x40: {  	[spmem:s14] =	stream.linear.scatter [tilespmem:s18], [sflag:$0x7], $0x2000, $0x38;
	[tilespmem:$0x1F400] =	vst v63  }
0x41: {  	_ =	swait.ge [sflag:s19], $0x2000  }
0x42: {  	[sflag:s19] =	ssyncset.done $0x0  }
0x43: {  	[sflag:s19] =	ssyncadd.s32 $0xFFFFE000  }
0x44: {  	[spmem:s15] =	stream.linear.scatter [tilespmem:s18], [sflag:$0x7], $0x2000, $0x38;
	[tilespmem:$0x1F400] =	vst v63  }
0x45: {  	_ =	swait.ge [sflag:s19], $0x2000  }
0x46: {  	[sflag:s19] =	ssyncset.done $0x0  }
0x47: {  	[sflag:s19] =	ssyncadd.s32 $0xFFFFE000  }
0x48: {  	[spmem:s16] =	stream.linear.scatter [tilespmem:s18], [sflag:$0x7], $0x2000, $0x38;
	[tilespmem:$0x1F400] =	vst v63  }
0x49: {  	_ =	swait.ge [sflag:s19], $0x2000  }
0x4a: {  	[sflag:s19] =	ssyncset.done $0x0  }
0x4b: {  	[sflag:s19] =	ssyncadd.s32 $0xFFFFE000  }
0x4c: {  	[spmem:s17] =	stream.linear.scatter [tilespmem:s18], [sflag:$0x7], $0x2000, $0x38;
	[tilespmem:$0x1F400] =	vst v63  }
0x4d: {  	_ =	swait.ge [sflag:s19], $0x2000  }
0x4e: {  	[sflag:s19] =	ssyncset.done $0x0  }
0x4f: {  	s10 =	simm.s32 $0x0;
	s9 =	rddreg [dreg:$0x4];
	[sflag:s19] =	ssyncadd.s32 $0xFFFFE000  }
0x50: {  	[tilespmem:s10], [sflag:$0x7] =	stream.linear.gather [hbm4b:s9+s10], $0x4F80, $0x38;
	[tilespmem:$0x1F400] =	vst v63  }
0x51: {  	_ =	swait.ge [sflag:s19], $0x4F80  }
0x52: {  	[sflag:s19] =	ssyncset.done $0x0  }
0x53: {  	[sflag:s19] =	ssyncadd.s32 $0xFFFFB080  }
0x54: {  	[bflag:$0x0] =	sbarrier.arrive $0xFFFF  }
0x55: {  	v1 =	vld [tilespmem:$0x0];
	_ =	sdelay $0x1  }
0x56: {  	v2 =	vld [tilespmem:$0x10];
	_ =	sdelay $0x1  }
0x57: {  	v3 =	vld [tilespmem:$0x20]  }
0x58: {  	v4 =	vshrl.u32 v1, $0x10  }
0x59: {  	v59 =	vld [tilespmem:$0x30];
	v1 =	vand.u32 $0xFFFF, v1;
	[tilespmem:$0x5000] =	vst v4  }
0x5a: {  	[tilespmem:$0x5200] =	vst v1;
	v1 =	vshrl.u32 v2, $0x10  }
0x5b: {  	[tilespmem:$0x5010] =	vst v1;
	v1 =	vand.u32 $0xFFFF, v2  }
0x5c: {  	[tilespmem:$0x5210] =	vst v1;
	v1 =	vshrl.u32 v3, $0x10  }
0x5d: {  	[tilespmem:$0x5020] =	vst v1;
	v1 =	vand.u32 $0xFFFF, v3  }
0x5e: {  	[tilespmem:$0x5220] =	vst v1;
	v1 =	vshrl.u32 v59, $0x10  }
0x5f: {  	[tilespmem:$0x5030] =	vst v1;
	v1 =	vand.u32 $0xFFFF, v59  }
0x60: {  	[tilespmem:$0x5230] =	vst v1  }
0x61: {  	[tilespmem:s18], [sflag:$0x4] =	stream.indirect.gather [hbm4b:s4+s20], $0x80, s21, s20, $0xb8;
	[tilespmem:$0x1F400] =	vst v63  }
0x62: {  	v1 =	vld [tilespmem:$0x80];
	_ =	sdelay $0x1  }
0x63: {  	v2 =	vld [tilespmem:$0x90];
	_ =	sdelay $0x1  }
0x64: {  	v3 =	vld [tilespmem:$0xA0]  }
0x65: {  	v60 =	vshrl.u32 v1, $0x10  }
0x66: {  	v61 =	vld [tilespmem:$0xB0];
	v1 =	vand.u32 $0xFFFF, v1;
	[tilespmem:$0x5080] =	vst v60  }
0x67: {  	[tilespmem:$0x5280] =	vst v1;
	v1 =	vshrl.u32 v2, $0x10  }
0x68: {  	[tilespmem:$0x5090] =	vst v1;
	v1 =	vand.u32 $0xFFFF, v2  }
0x69: {  	[tilespmem:$0x5290] =	vst v1;
	v1 =	vshrl.u32 v3, $0x10  }
0x6a: {  	[tilespmem:$0x50A0] =	vst v1;
	v1 =	vand.u32 $0xFFFF, v3  }
0x6b: {  	[tilespmem:$0x52A0] =	vst v1;
	v1 =	vshrl.u32 v61, $0x10  }
0x6c: {  	[tilespmem:$0x50B0] =	vst v1;
	v1 =	vand.u32 $0xFFFF, v61  }
0x6d: {  	[tilespmem:$0x52B0] =	vst v1  }
0x6e: {  	[tilespmem:s23], [sflag:$0x5] =	stream.indirect.gather [hbm4b:s4+s20], $0x80, s22, s20, $0xb8;
	[tilespmem:$0x1F400] =	vst v63  }
0x6f: {  	v1 =	vld [tilespmem:$0x100];
	_ =	sdelay $0x1  }
0x70: {  	v2 =	vld [tilespmem:$0x110];
	_ =	sdelay $0x1  }
0x71: {  	v3 =	vld [tilespmem:$0x120]  }
0x72: {  	v62 =	vshrl.u32 v1, $0x10  }
0x73: {  	v63 =	vld [tilespmem:$0x130];
	v1 =	vand.u32 $0xFFFF, v1;
	[tilespmem:$0x5100] =	vst v62  }
0x74: {  	[tilespmem:$0x5300] =	vst v1;
	v1 =	vshrl.u32 v2, $0x10  }
0x75: {  	[tilespmem:$0x5110] =	vst v1;
	v1 =	vand.u32 $0xFFFF, v2  }
0x76: {  	[tilespmem:$0x5310] =	vst v1;
	v1 =	vshrl.u32 v3, $0x10  }
0x77: {  	[tilespmem:$0x5120] =	vst v1;
	v1 =	vand.u32 $0xFFFF, v3  }
0x78: {  	[tilespmem:$0x5320] =	vst v1;
	v1 =	vshrl.u32 v63, $0x10  }
0x79: {  	[tilespmem:$0x5130] =	vst v1;
	v1 =	vand.u32 $0xFFFF, v63  }
0x7a: {  	[tilespmem:$0x5330] =	vst v1  }
0x7b: {  	[tilespmem:s25], [sflag:$0x6] =	stream.indirect.gather [hbm4b:s4+s20], $0x80, s24, s20, $0xb8;
	[tilespmem:$0x1F400] =	vst v63  }
0x7c: {  	_ =	swait.ge [sflag:s26], $0x2000  }
0x7d: {  	[sflag:s26] =	ssyncset.done $0x0  }
0x7e: {  	[sflag:s26] =	ssyncadd.s32 $0xFFFFE000  }
0x7f: {  	[spmem:s2] =	stream.indirect.scatter.add.f32 [tilespmem:s18], [sflag:$0x1], $0x80, s28, s20, $0xb8;
	[tilespmem:$0x1F400] =	vst v63  }
0x80: {  	_ =	swait.ge [sflag:s29], $0x2000  }
0x81: {  	[sflag:s29] =	ssyncset.done $0x0  }
0x82: {  	[sflag:s29] =	ssyncadd.s32 $0xFFFFE000  }
0x83: {  	[spmem:s2] =	stream.indirect.scatter.add.f32 [tilespmem:s23], [sflag:$0x2], $0x80, s30, s20, $0xb8;
	[tilespmem:$0x1F400] =	vst v63  }
0x84: {  	_ =	swait.ge [sflag:s31], $0x2000  }
0x85: {  	[sflag:s31] =	ssyncset.done $0x0  }
0x86: {  	[sflag:s31] =	ssyncadd.s32 $0xFFFFE000  }
0x87: {  	[spmem:s2] =	stream.indirect.scatter.add.f32 [tilespmem:s25], [sflag:$0x3], $0x80, s0, s20, $0xb8;
	[tilespmem:$0x1F400] =	vst v63  }
0x88: {  	_ =	swait.ge [sflag:s3], $0x2000  }
0x89: {  	[sflag:s3] =	ssyncset.done $0x0  }
0x8a: {  	s8 =	simm.s32 $0x2B0;
	[sflag:s3] =	ssyncadd.s32 $0xFFFFE000  }
0x8b: {  	v1 =	vld [tilespmem:s8+$0xFFFFFED0];
	_ =	sdelay $0x4  }
0x8c: {  	v2 =	vshrl.u32 v1, $0x10  }
0x8d: {  	v1 =	vand.u32 $0xFFFF, v1;
	[tilespmem:$0x5000] =	vst v2  }
0x8e: {  	[tilespmem:$0x5200] =	vst v1  }
0x8f: {  	v1 =	vld [tilespmem:s8+$0xFFFFFEE0];
	_ =	sdelay $0x4  }
0x90: {  	v2 =	vshrl.u32 v1, $0x10  }
0x91: {  	v1 =	vand.u32 $0xFFFF, v1;
	[tilespmem:$0x5010] =	vst v2  }
0x92: {  	[tilespmem:$0x5210] =	vst v1  }
0x93: {  	v1 =	vld [tilespmem:s8+$0xFFFFFEF0];
	_ =	sdelay $0x4  }
0x94: {  	v2 =	vshrl.u32 v1, $0x10  }
0x95: {  	v1 =	vand.u32 $0xFFFF, v1;
	[tilespmem:$0x5020] =	vst v2  }
0x96: {  	[tilespmem:$0x5220] =	vst v1  }
0x97: {  	v1 =	vld [tilespmem:s8+$0xFFFFFF00];
	_ =	sdelay $0x4  }
0x98: {  	v2 =	vshrl.u32 v1, $0x10  }
0x99: {  	v1 =	vand.u32 $0xFFFF, v1;
	[tilespmem:$0x5030] =	vst v2  }
0x9a: {  	[tilespmem:$0x5230] =	vst v1  }
0x9b: {  	[tilespmem:s18], [sflag:$0x4] =	stream.indirect.gather [hbm4b:s4+s20], $0x80, s21, s20, $0xb8;
	[tilespmem:$0x1F400] =	vst v63  }
0x9c: {  	_ =	swait.ge [sflag:s1], $0x2000  }
0x9d: {  	[sflag:s1] =	ssyncset.done $0x0  }
0x9e: {  	[sflag:s1] =	ssyncadd.s32 $0xFFFFE000  }
0x9f: {  	v1 =	vld [tilespmem:s8+$0xFFFFFF50];
	_ =	sdelay $0x4  }
0xa0: {  	v2 =	vshrl.u32 v1, $0x10  }
0xa1: {  	v1 =	vand.u32 $0xFFFF, v1;
	[tilespmem:$0x5080] =	vst v2  }
0xa2: {  	[tilespmem:$0x5280] =	vst v1  }
0xa3: {  	v1 =	vld [tilespmem:s8+$0xFFFFFF60];
	_ =	sdelay $0x4  }
0xa4: {  	v2 =	vshrl.u32 v1, $0x10  }
0xa5: {  	v1 =	vand.u32 $0xFFFF, v1;
	[tilespmem:$0x5090] =	vst v2  }
0xa6: {  	[tilespmem:$0x5290] =	vst v1  }
0xa7: {  	v1 =	vld [tilespmem:s8+$0xFFFFFF70];
	_ =	sdelay $0x4  }
0xa8: {  	v2 =	vshrl.u32 v1, $0x10  }
0xa9: {  	v1 =	vand.u32 $0xFFFF, v1;
	[tilespmem:$0x50A0] =	vst v2  }
0xaa: {  	[tilespmem:$0x52A0] =	vst v1  }
0xab: {  	v1 =	vld [tilespmem:s8+$0xFFFFFF80];
	_ =	sdelay $0x4  }
0xac: {  	v2 =	vshrl.u32 v1, $0x10  }
0xad: {  	v1 =	vand.u32 $0xFFFF, v1;
	[tilespmem:$0x50B0] =	vst v2  }
0xae: {  	[tilespmem:$0x52B0] =	vst v1  }
0xaf: {  	[tilespmem:s23], [sflag:$0x5] =	stream.indirect.gather [hbm4b:s4+s20], $0x80, s22, s20, $0xb8;
	[tilespmem:$0x1F400] =	vst v63  }
0xb0: {  	_ =	swait.ge [sflag:s6], $0x2000  }
0xb1: {  	[sflag:s6] =	ssyncset.done $0x0  }
0xb2: {  	[sflag:s6] =	ssyncadd.s32 $0xFFFFE000  }
0xb3: {  	v1 =	vld [tilespmem:s8+$0xFFFFFFD0];
	_ =	sdelay $0x4  }
0xb4: {  	v2 =	vshrl.u32 v1, $0x10  }
0xb5: {  	v1 =	vand.u32 $0xFFFF, v1;
	[tilespmem:$0x5100] =	vst v2  }
0xb6: {  	[tilespmem:$0x5300] =	vst v1  }
0xb7: {  	v1 =	vld [tilespmem:s8+$0xFFFFFFE0];
	_ =	sdelay $0x4  }
0xb8: {  	v2 =	vshrl.u32 v1, $0x10  }
0xb9: {  	v1 =	vand.u32 $0xFFFF, v1;
	[tilespmem:$0x5110] =	vst v2  }
0xba: {  	[tilespmem:$0x5310] =	vst v1  }
0xbb: {  	s9 =	simm.s32 $0x10C0;
	v1 =	vld [tilespmem:s8+$0xFFFFFFF0]  }
.LBB2_4:
0xbc: {  	_ =	sdelay $0x2  }
0xbd: {  	p0 =	sne.s32 s9, $0x13CC0;
	s10 =	smov.u32 s9;
	s9 =	sadd.s32 $0x600, s9  }
0xbe: {  	v2 =	vshrl.u32 v1, $0x10;
	v1 =	vand.u32 $0xFFFF, v1  }
0xbf: {  	[tilespmem:$0x5120] =	vst v2  }
0xc0: {  	[tilespmem:$0x5320] =	vst v1  }
0xc1: {  	v1 =	vld [tilespmem:s8+$0x0];
	_ =	sdelay $0x4  }
0xc2: {  	v2 =	vshrl.u32 v1, $0x10;
	v1 =	vand.u32 $0xFFFF, v1  }
0xc3: {  	[tilespmem:$0x5130] =	vst v2  }
0xc4: {  	[tilespmem:$0x5330] =	vst v1  }
0xc5: {  	[tilespmem:s25], [sflag:$0x6] =	stream.indirect.gather [hbm4b:s4+s20], $0x80, s24, s20, $0xb8;
	[tilespmem:$0x1F400] =	vst v63  }
0xc6: {  	_ =	swait.ge [sflag:s26], $0x2000  }
0xc7: {  	[sflag:s26] =	ssyncset.done $0x0  }
0xc8: {  	[sflag:s26] =	ssyncadd.s32 $0xFFFFE000  }
0xc9: {  	[spmem:s2] =	stream.indirect.scatter.add.f32 [tilespmem:s18], [sflag:$0x1], $0x80, s28, s20, $0xb8;
	[tilespmem:$0x1F400] =	vst v63  }
0xca: {  	_ =	swait.ge [sflag:s29], $0x2000  }
0xcb: {  	[sflag:s29] =	ssyncset.done $0x0  }
0xcc: {  	[sflag:s29] =	ssyncadd.s32 $0xFFFFE000  }
0xcd: {  	[spmem:s2] =	stream.indirect.scatter.add.f32 [tilespmem:s23], [sflag:$0x2], $0x80, s30, s20, $0xb8;
	[tilespmem:$0x1F400] =	vst v63  }
0xce: {  	_ =	swait.ge [sflag:s31], $0x2000  }
0xcf: {  	[sflag:s31] =	ssyncset.done $0x0  }
0xd0: {  	[sflag:s31] =	ssyncadd.s32 $0xFFFFE000  }
0xd1: {  	[spmem:s2] =	stream.indirect.scatter.add.f32 [tilespmem:s25], [sflag:$0x3], $0x80, s0, s20, $0xb8;
	[tilespmem:$0x1F400] =	vst v63  }
0xd2: {  	_ =	swait.ge [sflag:s3], $0x2000  }
0xd3: {  	[sflag:s3] =	ssyncset.done $0x0  }
0xd4: {  	s8 =	sshra.s32 s10, $0x2;
	[sflag:s3] =	ssyncadd.s32 $0xFFFFE000  }
0xd5: {  	v1 =	vld [tilespmem:s8+$0xFFFFFED0];
	_ =	sdelay $0x4  }
0xd6: {  	v2 =	vshrl.u32 v1, $0x10;
	v1 =	vand.u32 $0xFFFF, v1  }
0xd7: {  	[tilespmem:$0x5000] =	vst v2  }
0xd8: {  	[tilespmem:$0x5200] =	vst v1  }
0xd9: {  	v1 =	vld [tilespmem:s8+$0xFFFFFEE0];
	_ =	sdelay $0x4  }
0xda: {  	v2 =	vshrl.u32 v1, $0x10;
	v1 =	vand.u32 $0xFFFF, v1  }
0xdb: {  	[tilespmem:$0x5010] =	vst v2  }
0xdc: {  	[tilespmem:$0x5210] =	vst v1  }
0xdd: {  	v1 =	vld [tilespmem:s8+$0xFFFFFEF0];
	_ =	sdelay $0x4  }
0xde: {  	v2 =	vshrl.u32 v1, $0x10;
	v1 =	vand.u32 $0xFFFF, v1  }
0xdf: {  	[tilespmem:$0x5020] =	vst v2  }
0xe0: {  	[tilespmem:$0x5220] =	vst v1  }
0xe1: {  	v1 =	vld [tilespmem:s8+$0xFFFFFF00];
	_ =	sdelay $0x4  }
0xe2: {  	v2 =	vshrl.u32 v1, $0x10;
	v1 =	vand.u32 $0xFFFF, v1  }
0xe3: {  	[tilespmem:$0x5030] =	vst v2  }
0xe4: {  	[tilespmem:$0x5230] =	vst v1  }
0xe5: {  	[tilespmem:s18], [sflag:$0x4] =	stream.indirect.gather [hbm4b:s4+s20], $0x80, s21, s20, $0xb8;
	[tilespmem:$0x1F400] =	vst v63  }
0xe6: {  	_ =	swait.ge [sflag:s1], $0x2000  }
0xe7: {  	[sflag:s1] =	ssyncset.done $0x0  }
0xe8: {  	[sflag:s1] =	ssyncadd.s32 $0xFFFFE000  }
0xe9: {  	v1 =	vld [tilespmem:s8+$0xFFFFFF50];
	_ =	sdelay $0x4  }
0xea: {  	v2 =	vshrl.u32 v1, $0x10;
	v1 =	vand.u32 $0xFFFF, v1  }
0xeb: {  	[tilespmem:$0x5080] =	vst v2  }
0xec: {  	[tilespmem:$0x5280] =	vst v1  }
0xed: {  	v1 =	vld [tilespmem:s8+$0xFFFFFF60];
	_ =	sdelay $0x4  }
0xee: {  	v2 =	vshrl.u32 v1, $0x10;
	v1 =	vand.u32 $0xFFFF, v1  }
0xef: {  	[tilespmem:$0x5090] =	vst v2  }
0xf0: {  	[tilespmem:$0x5290] =	vst v1  }
0xf1: {  	v1 =	vld [tilespmem:s8+$0xFFFFFF70];
	_ =	sdelay $0x4  }
0xf2: {  	v2 =	vshrl.u32 v1, $0x10;
	v1 =	vand.u32 $0xFFFF, v1  }
0xf3: {  	[tilespmem:$0x50A0] =	vst v2  }
0xf4: {  	[tilespmem:$0x52A0] =	vst v1  }
0xf5: {  	v1 =	vld [tilespmem:s8+$0xFFFFFF80];
	_ =	sdelay $0x4  }
0xf6: {  	v2 =	vshrl.u32 v1, $0x10;
	v1 =	vand.u32 $0xFFFF, v1  }
0xf7: {  	[tilespmem:$0x50B0] =	vst v2  }
0xf8: {  	[tilespmem:$0x52B0] =	vst v1  }
0xf9: {  	[tilespmem:s23], [sflag:$0x5] =	stream.indirect.gather [hbm4b:s4+s20], $0x80, s22, s20, $0xb8;
	[tilespmem:$0x1F400] =	vst v63  }
0xfa: {  	_ =	swait.ge [sflag:s6], $0x2000  }
0xfb: {  	[sflag:s6] =	ssyncset.done $0x0  }
0xfc: {  	[sflag:s6] =	ssyncadd.s32 $0xFFFFE000  }
0xfd: {  	v1 =	vld [tilespmem:s8+$0xFFFFFFD0];
	_ =	sdelay $0x4  }
0xfe: {  	v2 =	vshrl.u32 v1, $0x10;
	v1 =	vand.u32 $0xFFFF, v1  }
0xff: {  	[tilespmem:$0x5100] =	vst v2  }
0x100: {  	[tilespmem:$0x5300] =	vst v1  }
0x101: {  	v1 =	vld [tilespmem:s8+$0xFFFFFFE0];
	_ =	sdelay $0x3  }
.Ltmp1:
0x102: {  	(pc) =	sbr.rel @p0 .LBB2_4-.Ltmp1, $4  }
0x103: {  	v2 =	vshrl.u32 v1, $0x10;
	v1 =	vand.u32 $0xFFFF, v1  }
0x104: {  	[tilespmem:$0x5110] =	vst v2  }
0x105: {  	[tilespmem:$0x5310] =	vst v1  }
0x106: {  	v1 =	vld [tilespmem:s8+$0xFFFFFFF0]  }
0x107: {  	_ =	sdelay $0x3  }
0x108: {  	v2 =	vshrl.u32 v1, $0x10  }
0x109: {  	v1 =	vand.u32 $0xFFFF, v1;
	[tilespmem:$0x5120] =	vst v2  }
0x10a: {  	[tilespmem:$0x5320] =	vst v1  }
0x10b: {  	v1 =	vld [tilespmem:s8+$0x0];
	_ =	sdelay $0x4  }
0x10c: {  	v2 =	vshrl.u32 v1, $0x10  }
0x10d: {  	v1 =	vand.u32 $0xFFFF, v1;
	[tilespmem:$0x5130] =	vst v2  }
0x10e: {  	[tilespmem:$0x5330] =	vst v1  }
0x10f: {  	[tilespmem:s25], [sflag:$0x6] =	stream.indirect.gather [hbm4b:s4+s20], $0x80, s24, s20, $0xb8;
	[tilespmem:$0x1F400] =	vst v63  }
0x110: {  	_ =	swait.ge [sflag:s26], $0x2000  }
0x111: {  	[sflag:s26] =	ssyncset.done $0x0  }
0x112: {  	[sflag:s26] =	ssyncadd.s32 $0xFFFFE000  }
0x113: {  	[spmem:s2] =	stream.indirect.scatter.add.f32 [tilespmem:s18], [sflag:$0x1], $0x80, s28, s20, $0xb8;
	[tilespmem:$0x1F400] =	vst v63  }
0x114: {  	_ =	swait.ge [sflag:s29], $0x2000  }
0x115: {  	[sflag:s29] =	ssyncset.done $0x0  }
0x116: {  	[sflag:s29] =	ssyncadd.s32 $0xFFFFE000  }
0x117: {  	[spmem:s2] =	stream.indirect.scatter.add.f32 [tilespmem:s23], [sflag:$0x2], $0x80, s30, s20, $0xb8;
	[tilespmem:$0x1F400] =	vst v63  }
0x118: {  	_ =	swait.ge [sflag:s31], $0x2000  }
0x119: {  	[sflag:s31] =	ssyncset.done $0x0  }
0x11a: {  	[sflag:s31] =	ssyncadd.s32 $0xFFFFE000  }
0x11b: {  	[spmem:s2] =	stream.indirect.scatter.add.f32 [tilespmem:s25], [sflag:$0x3], $0x80, s0, s20, $0xb8;
	[tilespmem:$0x1F400] =	vst v63  }
0x11c: {  	_ =	swait.ge [sflag:s3], $0x2000  }
0x11d: {  	[sflag:s3] =	ssyncset.done $0x0  }
0x11e: {  	[sflag:s3] =	ssyncadd.s32 $0xFFFFE000  }
0x11f: {  	_ =	swait.ge [sflag:s1], $0x2000  }
0x120: {  	[sflag:s1] =	ssyncset.done $0x0  }
0x121: {  	[sflag:s1] =	ssyncadd.s32 $0xFFFFE000  }
0x122: {  	_ =	swait.ge [sflag:s6], $0x2000  }
0x123: {  	[sflag:s6] =	ssyncset.done $0x0  }
0x124: {  	s9 =	stileid.u32;
	[sflag:s6] =	ssyncadd.s32 $0xFFFFE000  }
0x125: {  	s8 =	sshll.u32 s9, $0x6;
	[bflag:$0x0] =	sbarrier.arrive $0xFFFF  }
0x126: {  	s9 =	sshrl.u32 s5, $0x3;
	s8 =	sor.u32 $0x1C07, s8;
	s10 =	rddreg [dreg:$0x5]  }
0x127: {  	[hbm:s10], [sflag:s8] =	dma.local [spmem:s9], $0x2800  }
0x128: {  	_ =	swait.ge [sflag:s19], $0x2800  }
0x129: {  	s7 =	sadd.s32 $0x1, s7;
	s10 =	rddreg [dreg:$0x6]  }
0x12a: {  	p0 =	sne.s32 s7, s10  }
.Ltmp2:
0x12b: {  	_ = 	snop;
	(pc) =	sbr.rel @p0 .LBB2_1-.Ltmp2, $3  }
0x12c: {  	_ =	sdelay $0x1  }
0x12d: {  	[sflag:s19] =	ssyncset.done $0x0  }
0x12e: {  	[sflag:s19] =	ssyncadd.s32 $0xFFFFD800  }
0x12f: {  	_ =	sfence.sel $0x180000  }
0x130: {  	[bflag:$0x0] =	sbarrier.arrive $0xFFFF  }
0x131: {  	_ =	strace $0x9000004A  }
0x132: {  	s0 =	stileid.u32;
	[bflag:$0x2] =	sbarrier.arrive $0xFFFF  }
0x133: {  	p0 =	sne.s32 s0, $0x0;
	s0 =	rddreg [dreg:$0x3]  }
0x134: {  	s0 =	sadd.s32 @!p0 $0x100000, s0  }
0x135: {  	[sflag:s0] =	ssyncadd.tile.s32 @!p0 $0x1;
	_ =	shalt  }
.Lfunc_end2:
_tile_overlayer_lowered:
.L_overlay_start_2:
0x136: {  	(tag) =	ssettag $0x2  }
0x137: {  	s0 =	rddreg [dreg:$0x0];
	s2 =	stileid.u32  }
0x138: {  	s1 =	rddreg [dreg:$0x1];
	p0 =	sne.s32 s2, $0x0  }
0x139: {  	s3 =	rddreg [dreg:$0x2];
	[bflag:$0x3] =	sbarrier.arrive $0xFFFF;
	s2 =	simm.s32 @!p0 $0x1C07  }
0x13a: {  	[timem:s3], [sflag:s2] =	dma.local @!p0 [hbm:s0], s1  }
0x13b: {  	s0 =	simm.s32 @!p0 $0x7  }
0x13c: {  	_ =	swait.ge @!p0 [sflag:s0], s1  }
0x13d: {  	s1 =	ssub.s32 @!p0 $0x0, s1;
	[sflag:s0] =	ssyncset.done @!p0 $0x0  }
0x13e: {  	[sflag:s0] =	ssyncadd.s32 @!p0 s1  }
0x13f: {  	[bflag:$0x3] =	sbarrier.arrive $0xFFFF  }
0x140: {  	_ =	shalt  }

// kernel: kernel.14.cloned.1.call-start
scs
__scs_entry_jumppad:
0x0: {  	(pc) =	sbr.rel $0x88, $3  }
0x1: {  	(tag) =	ssettag $0x0;
	lr =	simm.s32 $0x1  }
0x2: {  	[smem:$0x3F9B] =	sst lr;
	_ =	strace $0xD0000000  }
0x3: {  	_ = 	snop  }
0x4: {  	_ = 	snop  }
0x5: {  	_ = 	snop  }
0x6: {  	_ = 	snop  }
0x7: {  	_ = 	snop  }
__scs_overlays_trampoline_lowered:
0x8: {  	[smem:$0x3FAA] =	sst s0  }
0x9: {  	[smem:$0x3FAB] =	sst s1  }
0xa: {  	[smem:$0x3FAC] =	sst s2  }
0xb: {  	[smem:$0x3FAD] =	sst s3  }
0xc: {  	[smem:$0x3FAE] =	sst s4  }
0xd: {  	[smem:$0x3FAF] =	sst s5  }
0xe: {  	[smem:$0x3FB0] =	sst s6  }
0xf: {  	[smem:$0x3FB1] =	sst s7  }
0x10: {  	[smem:$0x3FB2] =	sst s8  }
0x11: {  	[smem:$0x3FB3] =	sst s9;
	s0 =	simm.s32 @!p0 $0x0  }
0x12: {  	s1 =	sld [smem:$0x3F99];
	s0 =	simm.s32 @p0 $0x1  }
0x13: {  	[smem:$0x3FB4] =	sst s0;
	s0 =	simm.s32 @!p1 $0x0  }
0x14: {  	s2 =	sld [smem:$0x3F98];
	s0 =	simm.s32 @p1 $0x1  }
0x15: {  	[smem:$0x3FB5] =	sst s0;
	s0 =	simm.s32 @!p2 $0x0  }
0x16: {  	s3 =	sld [smem:$0x3FDB];
	s0 =	simm.s32 @p2 $0x1  }
0x17: {  	s4 =	simm.s32 $0x1BF5;
	[smem:$0x3FB7] =	sst s0  }
0x18: {  	s0 =	sld [smem:$0x3F9A];
	_ =	swait.ge [sflag:s4], $0x0  }
0x19: {  	s7 =	sld [smem:$0x3F9B]  }
0x1a: {  	s8 =	sadd.s32 $0xFFFFE003, lr  }
0x1b: {  	s9 =	sadd.s32 $0xFFFFFEF7, lr;
	s5 =	simm.s32 $0xFFFFFFFF;
	p2 =	slt.u32 s8, $0xFFFFF086  }
0x1c: {  	p1 =	slt.u32 s9, $0xF7A;
	s5 =	simm.s32 @!p2 $0x0  }
0x1d: {  	s5 =	simm.s32 @p1 $0x1;
	p0 =	seq.s32 s7, s2  }
0x1e: {  	s7 =	smul.u32 @!p0 $0xF7A, s2;
	p2 =	seq.s32 @!p0 s5, $0x0  }
0x1f: {  	s9 =	smul.u32 $0xF7A, s1;
	s8 =	simm.s32 @!p0 $0x1BF5;
	p2 =	por !p2, p0  }
0x20: {  	[sflag:s8] =	ssyncset.s32 @!p0 $0xFFFFF086;
	s6 =	sadd.s32 @!p0 s3, s7;
	s7 =	simm.s32 @!p0 $0x108  }
0x21: {  	s3 =	sadd.s32 s3, s9;
	s6 =	sadd.s32 @!p0 $0x88, s6;
	s7 =	simm.s32 @p2 $0x1082  }
0x22: {  	[simem:s7], [sflag:s8] =	dma.local @!p0 [hbm:s6], $0xF7A  }
0x23: {  	s9 =	sor.u32 $0xD0000000, s2;
	s6 =	simm.s32 $0x108;
	_ =	swait.ge @!p0 [sflag:s8], $0x0  }
0x24: {  	s3 =	sadd.s32 $0x88, s3;
	s6 =	simm.s32 @!p1 $0x1082;
	[sflag:s4] =	ssyncset.s32 $0xFFFFF086  }
0x25: {  	[simem:s6], [sflag:s4] =	dma.local [hbm:s3], $0xF7A  }
0x26: {  	[smem:$0x3F9B] =	sst s1;
	(tag) =	ssettag s2;
	_ =	strace s9  }
0x27: {  	s1 =	sld [smem:$0x3FAB]  }
0x28: {  	s2 =	sld [smem:$0x3FAC]  }
0x29: {  	s4 =	sld [smem:$0x3FAE]  }
0x2a: {  	p0 =	seq.s32 s5, $0x0;
	s5 =	sld [smem:$0x3FAF]  }
0x2b: {  	s6 =	sld [smem:$0x3FB0]  }
0x2c: {  	s7 =	sld [smem:$0x3FB1]  }
0x2d: {  	s3 =	simm.s32 $0x108;
	s8 =	sld [smem:$0x3FB2]  }
0x2e: {  	s3 =	simm.s32 @!p0 $0x1082;
	s9 =	sld [smem:$0x3FB3]  }
0x2f: {  	lr =	sadd.s32 s0, s3;
	s0 =	sld [smem:$0x3FAA]  }
0x30: {  	s3 =	sld [smem:$0x3FAD]  }
0x31: {  	[smem:$0x3FB6] =	sst s10  }
0x32: {  	s10 =	sld [smem:$0x3FB4];
	_ =	sdelay $0x3  }
0x33: {  	p0 =	seq.s32 s10, $0x1;
	s10 =	sld [smem:$0x3FB6];
	_ =	sdelay $0x3  }
0x34: {  	[smem:$0x3FB6] =	sst s10  }
0x35: {  	s10 =	sld [smem:$0x3FB5];
	_ =	sdelay $0x3  }
0x36: {  	p1 =	seq.s32 s10, $0x1;
	s10 =	sld [smem:$0x3FB6];
	_ =	sdelay $0x3  }
0x37: {  	[smem:$0x3FB6] =	sst s10  }
0x38: {  	s10 =	sld [smem:$0x3FB7]  }
0x39: {  	_ = 	snop;
	(pc) =	sbr.ind lr, $3  }
0x3a: {  	_ = 	snop  }
0x3b: {  	_ = 	snop  }
0x3c: {  	p2 =	seq.s32 s10, $0x1;
	s10 =	sld [smem:$0x3FB6]  }
0x3d: {  	_ =	shalt  }
0x3e: {  	_ =	shalt  }
0x3f: {  	_ =	shalt  }
0x40: {  	_ =	shalt  }
0x41: {  	_ =	shalt  }
0x42: {  	_ =	shalt  }
0x43: {  	_ =	shalt  }
0x44: {  	_ =	shalt  }
0x45: {  	_ =	shalt  }
0x46: {  	_ =	shalt  }
0x47: {  	_ =	shalt  }
0x48: {  	_ =	shalt  }
0x49: {  	_ =	shalt  }
0x4a: {  	_ =	shalt  }
0x4b: {  	_ =	shalt  }
0x4c: {  	_ =	shalt  }
0x4d: {  	_ =	shalt  }
0x4e: {  	_ =	shalt  }
0x4f: {  	_ =	shalt  }
0x50: {  	_ =	shalt  }
0x51: {  	_ =	shalt  }
0x52: {  	_ =	shalt  }
0x53: {  	_ =	shalt  }
0x54: {  	_ =	shalt  }
0x55: {  	_ =	shalt  }
0x56: {  	_ =	shalt  }
0x57: {  	_ =	shalt  }
0x58: {  	_ =	shalt  }
0x59: {  	_ =	shalt  }
0x5a: {  	_ =	shalt  }
0x5b: {  	_ =	shalt  }
0x5c: {  	_ =	shalt  }
0x5d: {  	_ =	shalt  }
0x5e: {  	_ =	shalt  }
0x5f: {  	_ =	shalt  }
0x60: {  	_ =	shalt  }
0x61: {  	_ =	shalt  }
0x62: {  	_ =	shalt  }
0x63: {  	_ =	shalt  }
0x64: {  	_ =	shalt  }
0x65: {  	_ =	shalt  }
0x66: {  	_ =	shalt  }
0x67: {  	_ =	shalt  }
0x68: {  	_ =	shalt  }
0x69: {  	_ =	shalt  }
0x6a: {  	_ =	shalt  }
0x6b: {  	_ =	shalt  }
0x6c: {  	_ =	shalt  }
0x6d: {  	_ =	shalt  }
0x6e: {  	_ =	shalt  }
0x6f: {  	_ =	shalt  }
0x70: {  	_ =	shalt  }
0x71: {  	_ =	shalt  }
0x72: {  	_ =	shalt  }
0x73: {  	_ =	shalt  }
0x74: {  	_ =	shalt  }
0x75: {  	_ =	shalt  }
0x76: {  	_ =	shalt  }
0x77: {  	_ =	shalt  }
0x78: {  	_ =	shalt  }
0x79: {  	_ =	shalt  }
0x7a: {  	_ =	shalt  }
0x7b: {  	_ =	shalt  }
0x7c: {  	_ =	shalt  }
0x7d: {  	_ =	shalt  }
0x7e: {  	_ =	shalt  }
0x7f: {  	_ =	shalt  }
0x80: {  	_ =	shalt  }
0x81: {  	_ =	shalt  }
0x82: {  	_ =	shalt  }
0x83: {  	_ =	shalt  }
0x84: {  	_ =	shalt  }
0x85: {  	_ =	shalt  }
0x86: {  	_ =	shalt  }
0x87: {  	_ =	shalt  }
.Lfunc_end0:
.L_simem_size_0:
called_computation.2_lowered:
.L_overlay_start_0:
0x88: {  	s2 =	sld [smem:$0x3FD9]  }
0x89: {  	s3 =	sld [smem:$0x3FFE];
	_ =	sdelay $0x1  }
0x8a: {  	s1 =	srdreg.scid  }
0x8b: {  	s0 =	sand.u32 $0x1, s1  }
0x8c: {  	s17 =	sshll.u32 s0, $0xA;
	s2 =	sadd.s32 s3, s2  }
0x8d: {  	s2 =	sadd.s32 s2, s17  }
0x8e: {  	[smem:$0x3FC2] =	sst s2  }
0x8f: {  	_ = 	snop  }
0x90: {  	s2 =	sld [smem:$0x3FD0];
	(tm) =	ssettm $0x1  }
0x91: {  	s18 =	sld [smem:$0x3FFB];
	_ =	sdelay $0x3  }
0x92: {  	_ =	strace s18  }
0x93: {  	s3 =	sld [smem:$0x3FFC];
	_ =	sdelay $0x3  }
0x94: {  	_ =	strace s3  }
0x95: {  	s3 =	sld [smem:$0x3FFD];
	_ =	sdelay $0x3  }
0x96: {  	_ =	strace s3  }
0x97: {  	_ =	strace $0x8FFFFFFF  }
0x98: {  	s19 =	sld [smem:$0x3FDB];
	_ =	sdelay $0x1  }
0x99: {  	s4 =	simm.s32 $_scs_section_size  }
0x9a: {  	s5 =	simm.s32 $_size__tile_overlayer_lowered;
	s6 =	simm.s32 $_tile_overlayer_lowered  }
0x9b: {  	s22 =	simm.s32 $0x1BFF;
	s21 =	sshll.u32 s6, $0x1;
	s3 =	sadd.s32 s4, s19  }
0x9c: {  	s7 =	simm.s32 $0x0;
	s20 =	sshll.u32 s5, $0x1;
	s5 =	sadd.s32 s21, s3  }
0x9d: {  	[timem:s7], [sflag:s22] =	dma.local [hbm:s5], s20  }
0x9e: {  	_ =	swait.ge [sflag:s22], s20  }
0x9f: {  	s4 =	ssub.s32 $0x0, s20;
	[sflag:s22] =	ssyncset.done $0x0  }
0xa0: {  	[sflag:s22] =	ssyncadd.s32 s4;
	_ =	sdelay $0x1  }
0xa1: {  	s23 =	simm.s32 $0x1B8B  }
0xa2: {  	_ =	swait.ge [sflag:s23], $0x1  }
0xa3: {  	[sflag:s23] =	ssyncset.done $0x0  }
0xa4: {  	s25 =	simm.s32 $0x1B8E;
	s24 =	sld [smem:$0x3FFE];
	[sflag:s23] =	ssyncadd.s32 $0xFFFFFFFF  }
0xa5: {  	s26 =	simm.s32 $execute0_lowered;
	[smem:$0x3FD2] =	sst s25  }
0xa6: {  	s5 =	sshll.u32 s26, $0x1;
	_ =	strace $0x8000004C;
	[dreg:$0x1] =	wrdreg $0xFFFFFFFF  }
0xa7: {  	s28 =	simm.s32 $_size_execute0_lowered;
	s3 =	sadd.s32 s3, s5;
	[dreg:$0x0] =	wrdreg $0x0  }
0xa8: {  	s5 =	sshll.u32 s28, $0x1;
	[dreg:$0x2] =	wrdreg s3  }
0xa9: {  	[dreg:$0x3] =	wrdreg s5  }
0xaa: {  	[dreg:$0x4] =	wrdreg $0xC0  }
0xab: {  	_ =	task [dreg:s7], $0x5FFFF  }
0xac: {  	[dreg:$0x1] =	wrdreg $0xFFFFFFFF  }
0xad: {  	[dreg:$0x0] =	wrdreg $0x60  }
0xae: {  	[dreg:$0x2] =	wrdreg s24  }
0xaf: {  	[dreg:$0x3] =	wrdreg s2  }
0xb0: {  	[dreg:$0x4] =	wrdreg $0xB4000  }
0xb1: {  	[dreg:$0x5] =	wrdreg $0x9  }
0xb2: {  	_ =	task.clear_ibuf [dreg:s7], $0x6FFFF;
	_ =	strace $0x9000004C  }
0xb3: {  	s29 =	simm.s32 $0x9;
	_ =	strace $0x8000004E  }
0xb4: {  	_ =	swait.ge [sflag:s29], $0x1  }
0xb5: {  	[sflag:s29] =	ssyncadd.s32 $0xFFFFFFFF  }
0xb6: {  	_ =	strace $0x9000004E  }
0xb7: {  	_ =	sfence  }
0xb8: {  	s30 =	sld [smem:$0x0];
	_ =	sdelay $0x2  }
0xb9: {  	s31 =	sshll.u32 s1, $0xD;
	s1 =	sshrl.u32 s1, $0x2  }
0xba: {  	s3 =	sand.u32 $0x4000, s31;
	s1 =	sadd.s32 s1, s30  }
0xbb: {  	s0 =	sor.u32 s3, s0;
	s1 =	sshll.u32 s1, $0x11  }
0xbc: {  	s0 =	sor.u32 s1, s0  }
0xbd: {  	s0 =	sadd.s32 $0x8F2B, s0  }
0xbe: {  	[sflag:s0] =	ssyncadd.remote.s32 $0x1  }
0xbf: {  	_ =	sfence.sel $0xFFFF  }
0xc0: {  	[dreg:$0x0] =	wrdreg $0xFFFFFFFF;
	(pc) =	sbr.abs _section_cstart, $3  }
0xc1: {  	[dreg:$0x1] =	wrdreg $0xFFFFFFFF  }
0xc2: {  	_ =	task.clear_ibuf [dreg:s7], $0x2FFFF;
	_ =	strace $0x9FFFFFFF  }
0xc3: {  	(tm) =	ssettm $0x7FFFFFFF  }
tec
execute0_lowered:
.L_overlay_start_1:
0x0: {  	(tag) =	ssettag $0x1  }
0x1: {  	s0 =	rddreg [dreg:$0x0]  }
0x2: {  	s1 =	rddreg [dreg:$0x1]  }
0x3: {  	s2 =	rddreg [dreg:$0x2]  }
0x4: {  	s3 =	srdreg.scid;
	s7 =	stileid.u32;
	s8 =	simm.s32 $0x0  }
0x5: {  	s18 =	simm.s32 $0x5400;
	s19 =	simm.s32 $0x7;
	s20 =	simm.s32 $0x40  }
0x6: {  	s21 =	simm.s32 $0x5000;
	s22 =	simm.s32 $0x5080;
	s28 =	simm.s32 $0x5200  }
0x7: {  	s29 =	simm.s32 $0x5;
	s30 =	simm.s32 $0x5280;
	s5 =	smul.u32 $0x2800, s7  }
0x8: {  	s3 =	sand.u32 $0x1, s3;
	s6 =	sshll.u32 s7, $0x1;
	s7 =	smul.u32 $0x50000, s7  }
0x9: {  	s31 =	simm.s32 $0x6;
	[smem:$0x7FF] =	sst s8;
	s4 =	smul.u32 $0x28000, s3  }
0xa: {  	s6 =	ssub.s32 s6, s3;
	_ =	strace $0x8000004D;
	s3 =	ssub.s32 $0x2, s3  }
0xb: {  	s6 =	smul.u32 $0x5000, s6;
	s23 =	sshrl.u32 s3, $0x1;
	s7 =	sshrl.u32 s7, $0x2  }
0xc: {  	s5 =	sadd.s32 s5, s4;
	s4 =	sadd.s32 $0x2400, s0;
	s3 =	ssub.s32 s3, s23  }
0xd: {  	s23 =	simm.s32 $0x7400;
	s0 =	sadd.s32 s5, s0;
	s6 =	sadd.s32 $0x5000, s6  }
0xe: {  	s5 =	sadd.s32 s7, s2;
	s24 =	smax.u32 s3, $0x1;
	s3 =	simm.s32 $0x1  }
0xf: {  	s7 =	simm.s32 $0x0;
	s6 =	sshrl.u32 s6, $0x3;
	s0 =	sadd.s32 $0x2A400, s0  }
0x10: {  	[dreg:$0x6] =	wrdreg s24;
	s25 =	sadd.s32 $0x2000, s5;
	s26 =	sadd.s32 $0x4000, s5  }
0x11: {  	s11 =	sadd.s32 $0x6000, s5;
	s12 =	sadd.s32 $0x8000, s5;
	s13 =	sadd.s32 $0xA000, s5  }
0x12: {  	s14 =	sadd.s32 $0xC000, s5;
	s15 =	sadd.s32 $0xE000, s5;
	[dreg:$0x5] =	wrdreg s0  }
0x13: {  	s16 =	sadd.s32 $0x10000, s5;
	s17 =	sadd.s32 $0x12000, s5;
	[dreg:$0x7] =	wrdreg s25  }
0x14: {  	s24 =	simm.s32 $0x5100;
	s1 =	sadd.s32 s1, s6;
	[dreg:$0x8] =	wrdreg s26  }
0x15: {  	s25 =	simm.s32 $0x9400;
	s26 =	simm.s32 $0x4;
	s0 =	simm.s32 $0x5300  }
0x16: {  	v0 =	vimm.f32 $0.0e+00;
	s6 =	simm.s32 $0x3;
	[dreg:$0x4] =	wrdreg s1;
	s1 =	simm.s32 $0x2  }
.LBB2_1:
0x17: {  	s8 =	simm.s32 $0x0;
	s9 =	simm.s32 $0x200  }
.LBB2_2:
0x18: {  	p0 =	sne.s32 s9, $0x7E00;
	[tilespmem:s8+$0x5470] =	vst v0  }
0x19: {  	[tilespmem:s8+$0x5400] =	vst v0  }
0x1a: {  	[tilespmem:s8+$0x5410] =	vst v0  }
.Ltmp0:
0x1b: {  	[tilespmem:s8+$0x5420] =	vst v0;
	(pc) =	sbr.rel @p0 .LBB2_2-.Ltmp0, $4  }
0x1c: {  	[tilespmem:s8+$0x5430] =	vst v0  }
0x1d: {  	[tilespmem:s8+$0x5440] =	vst v0  }
0x1e: {  	[tilespmem:s8+$0x5450] =	vst v0  }
0x1f: {  	[tilespmem:s8+$0x5460] =	vst v0;
	s8 =	sshra.s32 s9, $0x2;
	s9 =	sadd.s32 $0x200, s9  }
0x20: {  	[tilespmem:s8+$0x5470] =	vst v0  }
0x21: {  	[tilespmem:s8+$0x5400] =	vst v0  }
0x22: {  	[tilespmem:s8+$0x5410] =	vst v0  }
0x23: {  	[tilespmem:s8+$0x5420] =	vst v0  }
0x24: {  	[tilespmem:s8+$0x5430] =	vst v0  }
0x25: {  	[tilespmem:s8+$0x5440] =	vst v0  }
0x26: {  	[tilespmem:s8+$0x5450] =	vst v0  }
0x27: {  	[tilespmem:s8+$0x5460] =	vst v0  }
0x28: {  	[spmem:s5] =	stream.linear.scatter [tilespmem:s18], [sflag:$0x7], $0x2000, $0x38;
	[tilespmem:$0x1F400] =	vst v63  }
0x29: {  	_ =	swait.ge [sflag:s19], $0x2000  }
0x2a: {  	[sflag:s19] =	ssyncset.done $0x0  }
0x2b: {  	s10 =	rddreg [dreg:$0x7];
	[sflag:s19] =	ssyncadd.s32 $0xFFFFE000  }
0x2c: {  	[spmem:s10] =	stream.linear.scatter [tilespmem:s18], [sflag:$0x7], $0x2000, $0x38;
	[tilespmem:$0x1F400] =	vst v63  }
0x2d: {  	_ =	swait.ge [sflag:s19], $0x2000  }
0x2e: {  	[sflag:s19] =	ssyncset.done $0x0  }
0x2f: {  	s9 =	rddreg [dreg:$0x8];
	[sflag:s19] =	ssyncadd.s32 $0xFFFFE000  }
0x30: {  	[spmem:s9] =	stream.linear.scatter [tilespmem:s18], [sflag:$0x7], $0x2000, $0x38;
	[tilespmem:$0x1F400] =	vst v63  }
0x31: {  	_ =	swait.ge [sflag:s19], $0x2000  }
0x32: {  	[sflag:s19] =	ssyncset.done $0x0  }
0x33: {  	[sflag:s19] =	ssyncadd.s32 $0xFFFFE000  }
0x34: {  	[spmem:s11] =	stream.linear.scatter [tilespmem:s18], [sflag:$0x7], $0x2000, $0x38;
	[tilespmem:$0x1F400] =	vst v63  }
0x35: {  	_ =	swait.ge [sflag:s19], $0x2000  }
0x36: {  	[sflag:s19] =	ssyncset.done $0x0  }
0x37: {  	[sflag:s19] =	ssyncadd.s32 $0xFFFFE000  }
0x38: {  	[spmem:s12] =	stream.linear.scatter [tilespmem:s18], [sflag:$0x7], $0x2000, $0x38;
	[tilespmem:$0x1F400] =	vst v63  }
0x39: {  	_ =	swait.ge [sflag:s19], $0x2000  }
0x3a: {  	[sflag:s19] =	ssyncset.done $0x0  }
0x3b: {  	[sflag:s19] =	ssyncadd.s32 $0xFFFFE000  }
0x3c: {  	[spmem:s13] =	stream.linear.scatter [tilespmem:s18], [sflag:$0x7], $0x2000, $0x38;
	[tilespmem:$0x1F400] =	vst v63  }
0x3d: {  	_ =	swait.ge [sflag:s19], $0x2000  }
0x3e: {  	[sflag:s19] =	ssyncset.done $0x0  }
0x3f: {  	[sflag:s19] =	ssyncadd.s32 $0xFFFFE000  }
0x40: {  	[spmem:s14] =	stream.linear.scatter [tilespmem:s18], [sflag:$0x7], $0x2000, $0x38;
	[tilespmem:$0x1F400] =	vst v63  }
0x41: {  	_ =	swait.ge [sflag:s19], $0x2000  }
0x42: {  	[sflag:s19] =	ssyncset.done $0x0  }
0x43: {  	[sflag:s19] =	ssyncadd.s32 $0xFFFFE000  }
0x44: {  	[spmem:s15] =	stream.linear.scatter [tilespmem:s18], [sflag:$0x7], $0x2000, $0x38;
	[tilespmem:$0x1F400] =	vst v63  }
0x45: {  	_ =	swait.ge [sflag:s19], $0x2000  }
0x46: {  	[sflag:s19] =	ssyncset.done $0x0  }
0x47: {  	[sflag:s19] =	ssyncadd.s32 $0xFFFFE000  }
0x48: {  	[spmem:s16] =	stream.linear.scatter [tilespmem:s18], [sflag:$0x7], $0x2000, $0x38;
	[tilespmem:$0x1F400] =	vst v63  }
0x49: {  	_ =	swait.ge [sflag:s19], $0x2000  }
0x4a: {  	[sflag:s19] =	ssyncset.done $0x0  }
0x4b: {  	[sflag:s19] =	ssyncadd.s32 $0xFFFFE000  }
0x4c: {  	[spmem:s17] =	stream.linear.scatter [tilespmem:s18], [sflag:$0x7], $0x2000, $0x38;
	[tilespmem:$0x1F400] =	vst v63  }
0x4d: {  	_ =	swait.ge [sflag:s19], $0x2000  }
0x4e: {  	[sflag:s19] =	ssyncset.done $0x0  }
0x4f: {  	s10 =	simm.s32 $0x0;
	s9 =	rddreg [dreg:$0x4];
	[sflag:s19] =	ssyncadd.s32 $0xFFFFE000  }
0x50: {  	[tilespmem:s10], [sflag:$0x7] =	stream.linear.gather [hbm4b:s9+s10], $0x4F80, $0x38;
	[tilespmem:$0x1F400] =	vst v63  }
0x51: {  	_ =	swait.ge [sflag:s19], $0x4F80  }
0x52: {  	[sflag:s19] =	ssyncset.done $0x0  }
0x53: {  	[sflag:s19] =	ssyncadd.s32 $0xFFFFB080  }
0x54: {  	[bflag:$0x0] =	sbarrier.arrive $0xFFFF  }
0x55: {  	v1 =	vld [tilespmem:$0x0];
	_ =	sdelay $0x1  }
0x56: {  	v2 =	vld [tilespmem:$0x10];
	_ =	sdelay $0x1  }
0x57: {  	v3 =	vld [tilespmem:$0x20]  }
0x58: {  	v4 =	vshrl.u32 v1, $0x10  }
0x59: {  	v59 =	vld [tilespmem:$0x30];
	v1 =	vand.u32 $0xFFFF, v1;
	[tilespmem:$0x5000] =	vst v4  }
0x5a: {  	[tilespmem:$0x5200] =	vst v1;
	v1 =	vshrl.u32 v2, $0x10  }
0x5b: {  	[tilespmem:$0x5010] =	vst v1;
	v1 =	vand.u32 $0xFFFF, v2  }
0x5c: {  	[tilespmem:$0x5210] =	vst v1;
	v1 =	vshrl.u32 v3, $0x10  }
0x5d: {  	[tilespmem:$0x5020] =	vst v1;
	v1 =	vand.u32 $0xFFFF, v3  }
0x5e: {  	[tilespmem:$0x5220] =	vst v1;
	v1 =	vshrl.u32 v59, $0x10  }
0x5f: {  	[tilespmem:$0x5030] =	vst v1;
	v1 =	vand.u32 $0xFFFF, v59  }
0x60: {  	[tilespmem:$0x5230] =	vst v1  }
0x61: {  	[tilespmem:s18], [sflag:$0x4] =	stream.indirect.gather [hbm4b:s4+s20], $0x80, s21, s20, $0xb8;
	[tilespmem:$0x1F400] =	vst v63  }
0x62: {  	v1 =	vld [tilespmem:$0x80];
	_ =	sdelay $0x1  }
0x63: {  	v2 =	vld [tilespmem:$0x90];
	_ =	sdelay $0x1  }
0x64: {  	v3 =	vld [tilespmem:$0xA0]  }
0x65: {  	v60 =	vshrl.u32 v1, $0x10  }
0x66: {  	v61 =	vld [tilespmem:$0xB0];
	v1 =	vand.u32 $0xFFFF, v1;
	[tilespmem:$0x5080] =	vst v60  }
0x67: {  	[tilespmem:$0x5280] =	vst v1;
	v1 =	vshrl.u32 v2, $0x10  }
0x68: {  	[tilespmem:$0x5090] =	vst v1;
	v1 =	vand.u32 $0xFFFF, v2  }
0x69: {  	[tilespmem:$0x5290] =	vst v1;
	v1 =	vshrl.u32 v3, $0x10  }
0x6a: {  	[tilespmem:$0x50A0] =	vst v1;
	v1 =	vand.u32 $0xFFFF, v3  }
0x6b: {  	[tilespmem:$0x52A0] =	vst v1;
	v1 =	vshrl.u32 v61, $0x10  }
0x6c: {  	[tilespmem:$0x50B0] =	vst v1;
	v1 =	vand.u32 $0xFFFF, v61  }
0x6d: {  	[tilespmem:$0x52B0] =	vst v1  }
0x6e: {  	[tilespmem:s23], [sflag:$0x5] =	stream.indirect.gather [hbm4b:s4+s20], $0x80, s22, s20, $0xb8;
	[tilespmem:$0x1F400] =	vst v63  }
0x6f: {  	v1 =	vld [tilespmem:$0x100];
	_ =	sdelay $0x1  }
0x70: {  	v2 =	vld [tilespmem:$0x110];
	_ =	sdelay $0x1  }
0x71: {  	v3 =	vld [tilespmem:$0x120]  }
0x72: {  	v62 =	vshrl.u32 v1, $0x10  }
0x73: {  	v63 =	vld [tilespmem:$0x130];
	v1 =	vand.u32 $0xFFFF, v1;
	[tilespmem:$0x5100] =	vst v62  }
0x74: {  	[tilespmem:$0x5300] =	vst v1;
	v1 =	vshrl.u32 v2, $0x10  }
0x75: {  	[tilespmem:$0x5110] =	vst v1;
	v1 =	vand.u32 $0xFFFF, v2  }
0x76: {  	[tilespmem:$0x5310] =	vst v1;
	v1 =	vshrl.u32 v3, $0x10  }
0x77: {  	[tilespmem:$0x5120] =	vst v1;
	v1 =	vand.u32 $0xFFFF, v3  }
0x78: {  	[tilespmem:$0x5320] =	vst v1;
	v1 =	vshrl.u32 v63, $0x10  }
0x79: {  	[tilespmem:$0x5130] =	vst v1;
	v1 =	vand.u32 $0xFFFF, v63  }
0x7a: {  	[tilespmem:$0x5330] =	vst v1  }
0x7b: {  	[tilespmem:s25], [sflag:$0x6] =	stream.indirect.gather [hbm4b:s4+s20], $0x80, s24, s20, $0xb8;
	[tilespmem:$0x1F400] =	vst v63  }
0x7c: {  	_ =	swait.ge [sflag:s26], $0x2000  }
0x7d: {  	[sflag:s26] =	ssyncset.done $0x0  }
0x7e: {  	[sflag:s26] =	ssyncadd.s32 $0xFFFFE000  }
0x7f: {  	[spmem:s2] =	stream.indirect.scatter.add.f32 [tilespmem:s18], [sflag:$0x1], $0x80, s28, s20, $0xb8;
	[tilespmem:$0x1F400] =	vst v63  }
0x80: {  	_ =	swait.ge [sflag:s29], $0x2000  }
0x81: {  	[sflag:s29] =	ssyncset.done $0x0  }
0x82: {  	[sflag:s29] =	ssyncadd.s32 $0xFFFFE000  }
0x83: {  	[spmem:s2] =	stream.indirect.scatter.add.f32 [tilespmem:s23], [sflag:$0x2], $0x80, s30, s20, $0xb8;
	[tilespmem:$0x1F400] =	vst v63  }
0x84: {  	_ =	swait.ge [sflag:s31], $0x2000  }
0x85: {  	[sflag:s31] =	ssyncset.done $0x0  }
0x86: {  	[sflag:s31] =	ssyncadd.s32 $0xFFFFE000  }
0x87: {  	[spmem:s2] =	stream.indirect.scatter.add.f32 [tilespmem:s25], [sflag:$0x3], $0x80, s0, s20, $0xb8;
	[tilespmem:$0x1F400] =	vst v63  }
0x88: {  	_ =	swait.ge [sflag:s3], $0x2000  }
0x89: {  	[sflag:s3] =	ssyncset.done $0x0  }
0x8a: {  	s8 =	simm.s32 $0x2B0;
	[sflag:s3] =	ssyncadd.s32 $0xFFFFE000  }
0x8b: {  	v1 =	vld [tilespmem:s8+$0xFFFFFED0];
	_ =	sdelay $0x4  }
0x8c: {  	v2 =	vshrl.u32 v1, $0x10  }
0x8d: {  	v1 =	vand.u32 $0xFFFF, v1;
	[tilespmem:$0x5000] =	vst v2  }
0x8e: {  	[tilespmem:$0x5200] =	vst v1  }
0x8f: {  	v1 =	vld [tilespmem:s8+$0xFFFFFEE0];
	_ =	sdelay $0x4  }
0x90: {  	v2 =	vshrl.u32 v1, $0x10  }
0x91: {  	v1 =	vand.u32 $0xFFFF, v1;
	[tilespmem:$0x5010] =	vst v2  }
0x92: {  	[tilespmem:$0x5210] =	vst v1  }
0x93: {  	v1 =	vld [tilespmem:s8+$0xFFFFFEF0];
	_ =	sdelay $0x4  }
0x94: {  	v2 =	vshrl.u32 v1, $0x10  }
0x95: {  	v1 =	vand.u32 $0xFFFF, v1;
	[tilespmem:$0x5020] =	vst v2  }
0x96: {  	[tilespmem:$0x5220] =	vst v1  }
0x97: {  	v1 =	vld [tilespmem:s8+$0xFFFFFF00];
	_ =	sdelay $0x4  }
0x98: {  	v2 =	vshrl.u32 v1, $0x10  }
0x99: {  	v1 =	vand.u32 $0xFFFF, v1;
	[tilespmem:$0x5030] =	vst v2  }
0x9a: {  	[tilespmem:$0x5230] =	vst v1  }
0x9b: {  	[tilespmem:s18], [sflag:$0x4] =	stream.indirect.gather [hbm4b:s4+s20], $0x80, s21, s20, $0xb8;
	[tilespmem:$0x1F400] =	vst v63  }
0x9c: {  	_ =	swait.ge [sflag:s1], $0x2000  }
0x9d: {  	[sflag:s1] =	ssyncset.done $0x0  }
0x9e: {  	[sflag:s1] =	ssyncadd.s32 $0xFFFFE000  }
0x9f: {  	v1 =	vld [tilespmem:s8+$0xFFFFFF50];
	_ =	sdelay $0x4  }
0xa0: {  	v2 =	vshrl.u32 v1, $0x10  }
0xa1: {  	v1 =	vand.u32 $0xFFFF, v1;
	[tilespmem:$0x5080] =	vst v2  }
0xa2: {  	[tilespmem:$0x5280] =	vst v1  }
0xa3: {  	v1 =	vld [tilespmem:s8+$0xFFFFFF60];
	_ =	sdelay $0x4  }
0xa4: {  	v2 =	vshrl.u32 v1, $0x10  }
0xa5: {  	v1 =	vand.u32 $0xFFFF, v1;
	[tilespmem:$0x5090] =	vst v2  }
0xa6: {  	[tilespmem:$0x5290] =	vst v1  }
0xa7: {  	v1 =	vld [tilespmem:s8+$0xFFFFFF70];
	_ =	sdelay $0x4  }
0xa8: {  	v2 =	vshrl.u32 v1, $0x10  }
0xa9: {  	v1 =	vand.u32 $0xFFFF, v1;
	[tilespmem:$0x50A0] =	vst v2  }
0xaa: {  	[tilespmem:$0x52A0] =	vst v1  }
0xab: {  	v1 =	vld [tilespmem:s8+$0xFFFFFF80];
	_ =	sdelay $0x4  }
0xac: {  	v2 =	vshrl.u32 v1, $0x10  }
0xad: {  	v1 =	vand.u32 $0xFFFF, v1;
	[tilespmem:$0x50B0] =	vst v2  }
0xae: {  	[tilespmem:$0x52B0] =	vst v1  }
0xaf: {  	[tilespmem:s23], [sflag:$0x5] =	stream.indirect.gather [hbm4b:s4+s20], $0x80, s22, s20, $0xb8;
	[tilespmem:$0x1F400] =	vst v63  }
0xb0: {  	_ =	swait.ge [sflag:s6], $0x2000  }
0xb1: {  	[sflag:s6] =	ssyncset.done $0x0  }
0xb2: {  	[sflag:s6] =	ssyncadd.s32 $0xFFFFE000  }
0xb3: {  	v1 =	vld [tilespmem:s8+$0xFFFFFFD0];
	_ =	sdelay $0x4  }
0xb4: {  	v2 =	vshrl.u32 v1, $0x10  }
0xb5: {  	v1 =	vand.u32 $0xFFFF, v1;
	[tilespmem:$0x5100] =	vst v2  }
0xb6: {  	[tilespmem:$0x5300] =	vst v1  }
0xb7: {  	v1 =	vld [tilespmem:s8+$0xFFFFFFE0];
	_ =	sdelay $0x4  }
0xb8: {  	v2 =	vshrl.u32 v1, $0x10  }
0xb9: {  	v1 =	vand.u32 $0xFFFF, v1;
	[tilespmem:$0x5110] =	vst v2  }
0xba: {  	[tilespmem:$0x5310] =	vst v1  }
0xbb: {  	s9 =	simm.s32 $0x10C0;
	v1 =	vld [tilespmem:s8+$0xFFFFFFF0]  }
.LBB2_4:
0xbc: {  	_ =	sdelay $0x2  }
0xbd: {  	p0 =	sne.s32 s9, $0x13CC0;
	s10 =	smov.u32 s9;
	s9 =	sadd.s32 $0x600, s9  }
0xbe: {  	v2 =	vshrl.u32 v1, $0x10;
	v1 =	vand.u32 $0xFFFF, v1  }
0xbf: {  	[tilespmem:$0x5120] =	vst v2  }
0xc0: {  	[tilespmem:$0x5320] =	vst v1  }
0xc1: {  	v1 =	vld [tilespmem:s8+$0x0];
	_ =	sdelay $0x4  }
0xc2: {  	v2 =	vshrl.u32 v1, $0x10;
	v1 =	vand.u32 $0xFFFF, v1  }
0xc3: {  	[tilespmem:$0x5130] =	vst v2  }
0xc4: {  	[tilespmem:$0x5330] =	vst v1  }
0xc5: {  	[tilespmem:s25], [sflag:$0x6] =	stream.indirect.gather [hbm4b:s4+s20], $0x80, s24, s20, $0xb8;
	[tilespmem:$0x1F400] =	vst v63  }
0xc6: {  	_ =	swait.ge [sflag:s26], $0x2000  }
0xc7: {  	[sflag:s26] =	ssyncset.done $0x0  }
0xc8: {  	[sflag:s26] =	ssyncadd.s32 $0xFFFFE000  }
0xc9: {  	[spmem:s2] =	stream.indirect.scatter.add.f32 [tilespmem:s18], [sflag:$0x1], $0x80, s28, s20, $0xb8;
	[tilespmem:$0x1F400] =	vst v63  }
0xca: {  	_ =	swait.ge [sflag:s29], $0x2000  }
0xcb: {  	[sflag:s29] =	ssyncset.done $0x0  }
0xcc: {  	[sflag:s29] =	ssyncadd.s32 $0xFFFFE000  }
0xcd: {  	[spmem:s2] =	stream.indirect.scatter.add.f32 [tilespmem:s23], [sflag:$0x2], $0x80, s30, s20, $0xb8;
	[tilespmem:$0x1F400] =	vst v63  }
0xce: {  	_ =	swait.ge [sflag:s31], $0x2000  }
0xcf: {  	[sflag:s31] =	ssyncset.done $0x0  }
0xd0: {  	[sflag:s31] =	ssyncadd.s32 $0xFFFFE000  }
0xd1: {  	[spmem:s2] =	stream.indirect.scatter.add.f32 [tilespmem:s25], [sflag:$0x3], $0x80, s0, s20, $0xb8;
	[tilespmem:$0x1F400] =	vst v63  }
0xd2: {  	_ =	swait.ge [sflag:s3], $0x2000  }
0xd3: {  	[sflag:s3] =	ssyncset.done $0x0  }
0xd4: {  	s8 =	sshra.s32 s10, $0x2;
	[sflag:s3] =	ssyncadd.s32 $0xFFFFE000  }
0xd5: {  	v1 =	vld [tilespmem:s8+$0xFFFFFED0];
	_ =	sdelay $0x4  }
0xd6: {  	v2 =	vshrl.u32 v1, $0x10;
	v1 =	vand.u32 $0xFFFF, v1  }
0xd7: {  	[tilespmem:$0x5000] =	vst v2  }
0xd8: {  	[tilespmem:$0x5200] =	vst v1  }
0xd9: {  	v1 =	vld [tilespmem:s8+$0xFFFFFEE0];
	_ =	sdelay $0x4  }
0xda: {  	v2 =	vshrl.u32 v1, $0x10;
	v1 =	vand.u32 $0xFFFF, v1  }
0xdb: {  	[tilespmem:$0x5010] =	vst v2  }
0xdc: {  	[tilespmem:$0x5210] =	vst v1  }
0xdd: {  	v1 =	vld [tilespmem:s8+$0xFFFFFEF0];
	_ =	sdelay $0x4  }
0xde: {  	v2 =	vshrl.u32 v1, $0x10;
	v1 =	vand.u32 $0xFFFF, v1  }
0xdf: {  	[tilespmem:$0x5020] =	vst v2  }
0xe0: {  	[tilespmem:$0x5220] =	vst v1  }
0xe1: {  	v1 =	vld [tilespmem:s8+$0xFFFFFF00];
	_ =	sdelay $0x4  }
0xe2: {  	v2 =	vshrl.u32 v1, $0x10;
	v1 =	vand.u32 $0xFFFF, v1  }
0xe3: {  	[tilespmem:$0x5030] =	vst v2  }
0xe4: {  	[tilespmem:$0x5230] =	vst v1  }
0xe5: {  	[tilespmem:s18], [sflag:$0x4] =	stream.indirect.gather [hbm4b:s4+s20], $0x80, s21, s20, $0xb8;
	[tilespmem:$0x1F400] =	vst v63  }
0xe6: {  	_ =	swait.ge [sflag:s1], $0x2000  }
0xe7: {  	[sflag:s1] =	ssyncset.done $0x0  }
0xe8: {  	[sflag:s1] =	ssyncadd.s32 $0xFFFFE000  }
0xe9: {  	v1 =	vld [tilespmem:s8+$0xFFFFFF50];
	_ =	sdelay $0x4  }
0xea: {  	v2 =	vshrl.u32 v1, $0x10;
	v1 =	vand.u32 $0xFFFF, v1  }
0xeb: {  	[tilespmem:$0x5080] =	vst v2  }
0xec: {  	[tilespmem:$0x5280] =	vst v1  }
0xed: {  	v1 =	vld [tilespmem:s8+$0xFFFFFF60];
	_ =	sdelay $0x4  }
0xee: {  	v2 =	vshrl.u32 v1, $0x10;
	v1 =	vand.u32 $0xFFFF, v1  }
0xef: {  	[tilespmem:$0x5090] =	vst v2  }
0xf0: {  	[tilespmem:$0x5290] =	vst v1  }
0xf1: {  	v1 =	vld [tilespmem:s8+$0xFFFFFF70];
	_ =	sdelay $0x4  }
0xf2: {  	v2 =	vshrl.u32 v1, $0x10;
	v1 =	vand.u32 $0xFFFF, v1  }
0xf3: {  	[tilespmem:$0x50A0] =	vst v2  }
0xf4: {  	[tilespmem:$0x52A0] =	vst v1  }
0xf5: {  	v1 =	vld [tilespmem:s8+$0xFFFFFF80];
	_ =	sdelay $0x4  }
0xf6: {  	v2 =	vshrl.u32 v1, $0x10;
	v1 =	vand.u32 $0xFFFF, v1  }
0xf7: {  	[tilespmem:$0x50B0] =	vst v2  }
0xf8: {  	[tilespmem:$0x52B0] =	vst v1  }
0xf9: {  	[tilespmem:s23], [sflag:$0x5] =	stream.indirect.gather [hbm4b:s4+s20], $0x80, s22, s20, $0xb8;
	[tilespmem:$0x1F400] =	vst v63  }
0xfa: {  	_ =	swait.ge [sflag:s6], $0x2000  }
0xfb: {  	[sflag:s6] =	ssyncset.done $0x0  }
0xfc: {  	[sflag:s6] =	ssyncadd.s32 $0xFFFFE000  }
0xfd: {  	v1 =	vld [tilespmem:s8+$0xFFFFFFD0];
	_ =	sdelay $0x4  }
0xfe: {  	v2 =	vshrl.u32 v1, $0x10;
	v1 =	vand.u32 $0xFFFF, v1  }
0xff: {  	[tilespmem:$0x5100] =	vst v2  }
0x100: {  	[tilespmem:$0x5300] =	vst v1  }
0x101: {  	v1 =	vld [tilespmem:s8+$0xFFFFFFE0];
	_ =	sdelay $0x3  }
.Ltmp1:
0x102: {  	(pc) =	sbr.rel @p0 .LBB2_4-.Ltmp1, $4  }
0x103: {  	v2 =	vshrl.u32 v1, $0x10;
	v1 =	vand.u32 $0xFFFF, v1  }
0x104: {  	[tilespmem:$0x5110] =	vst v2  }
0x105: {  	[tilespmem:$0x5310] =	vst v1  }
0x106: {  	v1 =	vld [tilespmem:s8+$0xFFFFFFF0]  }
0x107: {  	_ =	sdelay $0x3  }
0x108: {  	v2 =	vshrl.u32 v1, $0x10  }
0x109: {  	v1 =	vand.u32 $0xFFFF, v1;
	[tilespmem:$0x5120] =	vst v2  }
0x10a: {  	[tilespmem:$0x5320] =	vst v1  }
0x10b: {  	v1 =	vld [tilespmem:s8+$0x0];
	_ =	sdelay $0x4  }
0x10c: {  	v2 =	vshrl.u32 v1, $0x10  }
0x10d: {  	v1 =	vand.u32 $0xFFFF, v1;
	[tilespmem:$0x5130] =	vst v2  }
0x10e: {  	[tilespmem:$0x5330] =	vst v1  }
0x10f: {  	[tilespmem:s25], [sflag:$0x6] =	stream.indirect.gather [hbm4b:s4+s20], $0x80, s24, s20, $0xb8;
	[tilespmem:$0x1F400] =	vst v63  }
0x110: {  	_ =	swait.ge [sflag:s26], $0x2000  }
0x111: {  	[sflag:s26] =	ssyncset.done $0x0  }
0x112: {  	[sflag:s26] =	ssyncadd.s32 $0xFFFFE000  }
0x113: {  	[spmem:s2] =	stream.indirect.scatter.add.f32 [tilespmem:s18], [sflag:$0x1], $0x80, s28, s20, $0xb8;
	[tilespmem:$0x1F400] =	vst v63  }
0x114: {  	_ =	swait.ge [sflag:s29], $0x2000  }
0x115: {  	[sflag:s29] =	ssyncset.done $0x0  }
0x116: {  	[sflag:s29] =	ssyncadd.s32 $0xFFFFE000  }
0x117: {  	[spmem:s2] =	stream.indirect.scatter.add.f32 [tilespmem:s23], [sflag:$0x2], $0x80, s30, s20, $0xb8;
	[tilespmem:$0x1F400] =	vst v63  }
0x118: {  	_ =	swait.ge [sflag:s31], $0x2000  }
0x119: {  	[sflag:s31] =	ssyncset.done $0x0  }
0x11a: {  	[sflag:s31] =	ssyncadd.s32 $0xFFFFE000  }
0x11b: {  	[spmem:s2] =	stream.indirect.scatter.add.f32 [tilespmem:s25], [sflag:$0x3], $0x80, s0, s20, $0xb8;
	[tilespmem:$0x1F400] =	vst v63  }
0x11c: {  	_ =	swait.ge [sflag:s3], $0x2000  }
0x11d: {  	[sflag:s3] =	ssyncset.done $0x0  }
0x11e: {  	[sflag:s3] =	ssyncadd.s32 $0xFFFFE000  }
0x11f: {  	_ =	swait.ge [sflag:s1], $0x2000  }
0x120: {  	[sflag:s1] =	ssyncset.done $0x0  }
0x121: {  	[sflag:s1] =	ssyncadd.s32 $0xFFFFE000  }
0x122: {  	_ =	swait.ge [sflag:s6], $0x2000  }
0x123: {  	[sflag:s6] =	ssyncset.done $0x0  }
0x124: {  	s9 =	stileid.u32;
	[sflag:s6] =	ssyncadd.s32 $0xFFFFE000  }
0x125: {  	s8 =	sshll.u32 s9, $0x6;
	[bflag:$0x0] =	sbarrier.arrive $0xFFFF  }
0x126: {  	s9 =	sshrl.u32 s5, $0x3;
	s8 =	sor.u32 $0x1C07, s8;
	s10 =	rddreg [dreg:$0x5]  }
0x127: {  	[hbm:s10], [sflag:s8] =	dma.local [spmem:s9], $0x2800  }
0x128: {  	_ =	swait.ge [sflag:s19], $0x2800  }
0x129: {  	s7 =	sadd.s32 $0x1, s7;
	s10 =	rddreg [dreg:$0x6]  }
0x12a: {  	p0 =	sne.s32 s7, s10  }
.Ltmp2:
0x12b: {  	_ = 	snop;
	(pc) =	sbr.rel @p0 .LBB2_1-.Ltmp2, $3  }
0x12c: {  	_ =	sdelay $0x1  }
0x12d: {  	[sflag:s19] =	ssyncset.done $0x0  }
0x12e: {  	[sflag:s19] =	ssyncadd.s32 $0xFFFFD800  }
0x12f: {  	_ =	sfence.sel $0x180000  }
0x130: {  	[bflag:$0x0] =	sbarrier.arrive $0xFFFF  }
0x131: {  	_ =	strace $0x9000004D  }
0x132: {  	s0 =	stileid.u32;
	[bflag:$0x2] =	sbarrier.arrive $0xFFFF  }
0x133: {  	p0 =	sne.s32 s0, $0x0;
	s0 =	rddreg [dreg:$0x3]  }
0x134: {  	s0 =	sadd.s32 @!p0 $0x100000, s0  }
0x135: {  	[sflag:s0] =	ssyncadd.tile.s32 @!p0 $0x1;
	_ =	shalt  }
.Lfunc_end2:
_tile_overlayer_lowered:
.L_overlay_start_2:
0x136: {  	(tag) =	ssettag $0x2  }
0x137: {  	s0 =	rddreg [dreg:$0x0];
	s2 =	stileid.u32  }
0x138: {  	s1 =	rddreg [dreg:$0x1];
	p0 =	sne.s32 s2, $0x0  }
0x139: {  	s3 =	rddreg [dreg:$0x2];
	[bflag:$0x3] =	sbarrier.arrive $0xFFFF;
	s2 =	simm.s32 @!p0 $0x1C07  }
0x13a: {  	[timem:s3], [sflag:s2] =	dma.local @!p0 [hbm:s0], s1  }
0x13b: {  	s0 =	simm.s32 @!p0 $0x7  }
0x13c: {  	_ =	swait.ge @!p0 [sflag:s0], s1  }
0x13d: {  	s1 =	ssub.s32 @!p0 $0x0, s1;
	[sflag:s0] =	ssyncset.done @!p0 $0x0  }
0x13e: {  	[sflag:s0] =	ssyncadd.s32 @!p0 s1  }
0x13f: {  	[bflag:$0x3] =	sbarrier.arrive $0xFFFF  }
0x140: {  	_ =	shalt  }

// kernel: kernel.8.cloned.1.call-start
scs
__scs_entry_jumppad:
0x0: {  	(pc) =	sbr.rel $0x88, $3  }
0x1: {  	(tag) =	ssettag $0x0;
	lr =	simm.s32 $0x1  }
0x2: {  	[smem:$0x3F9B] =	sst lr;
	_ =	strace $0xD0000000  }
0x3: {  	_ = 	snop  }
0x4: {  	_ = 	snop  }
0x5: {  	_ = 	snop  }
0x6: {  	_ = 	snop  }
0x7: {  	_ = 	snop  }
__scs_overlays_trampoline_lowered:
0x8: {  	[smem:$0x3FAA] =	sst s0  }
0x9: {  	[smem:$0x3FAB] =	sst s1  }
0xa: {  	[smem:$0x3FAC] =	sst s2  }
0xb: {  	[smem:$0x3FAD] =	sst s3  }
0xc: {  	[smem:$0x3FAE] =	sst s4  }
0xd: {  	[smem:$0x3FAF] =	sst s5  }
0xe: {  	[smem:$0x3FB0] =	sst s6  }
0xf: {  	[smem:$0x3FB1] =	sst s7  }
0x10: {  	[smem:$0x3FB2] =	sst s8  }
0x11: {  	[smem:$0x3FB3] =	sst s9;
	s0 =	simm.s32 @!p0 $0x0  }
0x12: {  	s1 =	sld [smem:$0x3F99];
	s0 =	simm.s32 @p0 $0x1  }
0x13: {  	[smem:$0x3FB4] =	sst s0;
	s0 =	simm.s32 @!p1 $0x0  }
0x14: {  	s2 =	sld [smem:$0x3F98];
	s0 =	simm.s32 @p1 $0x1  }
0x15: {  	[smem:$0x3FB5] =	sst s0;
	s0 =	simm.s32 @!p2 $0x0  }
0x16: {  	s3 =	sld [smem:$0x3FDB];
	s0 =	simm.s32 @p2 $0x1  }
0x17: {  	s4 =	simm.s32 $0x1BF5;
	[smem:$0x3FB7] =	sst s0  }
0x18: {  	s0 =	sld [smem:$0x3F9A];
	_ =	swait.ge [sflag:s4], $0x0  }
0x19: {  	s7 =	sld [smem:$0x3F9B]  }
0x1a: {  	s8 =	sadd.s32 $0xFFFFE003, lr  }
0x1b: {  	s9 =	sadd.s32 $0xFFFFFEF7, lr;
	s5 =	simm.s32 $0xFFFFFFFF;
	p2 =	slt.u32 s8, $0xFFFFF086  }
0x1c: {  	p1 =	slt.u32 s9, $0xF7A;
	s5 =	simm.s32 @!p2 $0x0  }
0x1d: {  	s5 =	simm.s32 @p1 $0x1;
	p0 =	seq.s32 s7, s2  }
0x1e: {  	s7 =	smul.u32 @!p0 $0xF7A, s2;
	p2 =	seq.s32 @!p0 s5, $0x0  }
0x1f: {  	s9 =	smul.u32 $0xF7A, s1;
	s8 =	simm.s32 @!p0 $0x1BF5;
	p2 =	por !p2, p0  }
0x20: {  	[sflag:s8] =	ssyncset.s32 @!p0 $0xFFFFF086;
	s6 =	sadd.s32 @!p0 s3, s7;
	s7 =	simm.s32 @!p0 $0x108  }
0x21: {  	s3 =	sadd.s32 s3, s9;
	s6 =	sadd.s32 @!p0 $0x88, s6;
	s7 =	simm.s32 @p2 $0x1082  }
0x22: {  	[simem:s7], [sflag:s8] =	dma.local @!p0 [hbm:s6], $0xF7A  }
0x23: {  	s9 =	sor.u32 $0xD0000000, s2;
	s6 =	simm.s32 $0x108;
	_ =	swait.ge @!p0 [sflag:s8], $0x0  }
0x24: {  	s3 =	sadd.s32 $0x88, s3;
	s6 =	simm.s32 @!p1 $0x1082;
	[sflag:s4] =	ssyncset.s32 $0xFFFFF086  }
0x25: {  	[simem:s6], [sflag:s4] =	dma.local [hbm:s3], $0xF7A  }
0x26: {  	[smem:$0x3F9B] =	sst s1;
	(tag) =	ssettag s2;
	_ =	strace s9  }
0x27: {  	s1 =	sld [smem:$0x3FAB]  }
0x28: {  	s2 =	sld [smem:$0x3FAC]  }
0x29: {  	s4 =	sld [smem:$0x3FAE]  }
0x2a: {  	p0 =	seq.s32 s5, $0x0;
	s5 =	sld [smem:$0x3FAF]  }
0x2b: {  	s6 =	sld [smem:$0x3FB0]  }
0x2c: {  	s7 =	sld [smem:$0x3FB1]  }
0x2d: {  	s3 =	simm.s32 $0x108;
	s8 =	sld [smem:$0x3FB2]  }
0x2e: {  	s3 =	simm.s32 @!p0 $0x1082;
	s9 =	sld [smem:$0x3FB3]  }
0x2f: {  	lr =	sadd.s32 s0, s3;
	s0 =	sld [smem:$0x3FAA]  }
0x30: {  	s3 =	sld [smem:$0x3FAD]  }
0x31: {  	[smem:$0x3FB6] =	sst s10  }
0x32: {  	s10 =	sld [smem:$0x3FB4];
	_ =	sdelay $0x3  }
0x33: {  	p0 =	seq.s32 s10, $0x1;
	s10 =	sld [smem:$0x3FB6];
	_ =	sdelay $0x3  }
0x34: {  	[smem:$0x3FB6] =	sst s10  }
0x35: {  	s10 =	sld [smem:$0x3FB5];
	_ =	sdelay $0x3  }
0x36: {  	p1 =	seq.s32 s10, $0x1;
	s10 =	sld [smem:$0x3FB6];
	_ =	sdelay $0x3  }
0x37: {  	[smem:$0x3FB6] =	sst s10  }
0x38: {  	s10 =	sld [smem:$0x3FB7]  }
0x39: {  	_ = 	snop;
	(pc) =	sbr.ind lr, $3  }
0x3a: {  	_ = 	snop  }
0x3b: {  	_ = 	snop  }
0x3c: {  	p2 =	seq.s32 s10, $0x1;
	s10 =	sld [smem:$0x3FB6]  }
0x3d: {  	_ =	shalt  }
0x3e: {  	_ =	shalt  }
0x3f: {  	_ =	shalt  }
0x40: {  	_ =	shalt  }
0x41: {  	_ =	shalt  }
0x42: {  	_ =	shalt  }
0x43: {  	_ =	shalt  }
0x44: {  	_ =	shalt  }
0x45: {  	_ =	shalt  }
0x46: {  	_ =	shalt  }
0x47: {  	_ =	shalt  }
0x48: {  	_ =	shalt  }
0x49: {  	_ =	shalt  }
0x4a: {  	_ =	shalt  }
0x4b: {  	_ =	shalt  }
0x4c: {  	_ =	shalt  }
0x4d: {  	_ =	shalt  }
0x4e: {  	_ =	shalt  }
0x4f: {  	_ =	shalt  }
0x50: {  	_ =	shalt  }
0x51: {  	_ =	shalt  }
0x52: {  	_ =	shalt  }
0x53: {  	_ =	shalt  }
0x54: {  	_ =	shalt  }
0x55: {  	_ =	shalt  }
0x56: {  	_ =	shalt  }
0x57: {  	_ =	shalt  }
0x58: {  	_ =	shalt  }
0x59: {  	_ =	shalt  }
0x5a: {  	_ =	shalt  }
0x5b: {  	_ =	shalt  }
0x5c: {  	_ =	shalt  }
0x5d: {  	_ =	shalt  }
0x5e: {  	_ =	shalt  }
0x5f: {  	_ =	shalt  }
0x60: {  	_ =	shalt  }
0x61: {  	_ =	shalt  }
0x62: {  	_ =	shalt  }
0x63: {  	_ =	shalt  }
0x64: {  	_ =	shalt  }
0x65: {  	_ =	shalt  }
0x66: {  	_ =	shalt  }
0x67: {  	_ =	shalt  }
0x68: {  	_ =	shalt  }
0x69: {  	_ =	shalt  }
0x6a: {  	_ =	shalt  }
0x6b: {  	_ =	shalt  }
0x6c: {  	_ =	shalt  }
0x6d: {  	_ =	shalt  }
0x6e: {  	_ =	shalt  }
0x6f: {  	_ =	shalt  }
0x70: {  	_ =	shalt  }
0x71: {  	_ =	shalt  }
0x72: {  	_ =	shalt  }
0x73: {  	_ =	shalt  }
0x74: {  	_ =	shalt  }
0x75: {  	_ =	shalt  }
0x76: {  	_ =	shalt  }
0x77: {  	_ =	shalt  }
0x78: {  	_ =	shalt  }
0x79: {  	_ =	shalt  }
0x7a: {  	_ =	shalt  }
0x7b: {  	_ =	shalt  }
0x7c: {  	_ =	shalt  }
0x7d: {  	_ =	shalt  }
0x7e: {  	_ =	shalt  }
0x7f: {  	_ =	shalt  }
0x80: {  	_ =	shalt  }
0x81: {  	_ =	shalt  }
0x82: {  	_ =	shalt  }
0x83: {  	_ =	shalt  }
0x84: {  	_ =	shalt  }
0x85: {  	_ =	shalt  }
0x86: {  	_ =	shalt  }
0x87: {  	_ =	shalt  }
.Lfunc_end0:
.L_simem_size_0:
called_computation_lowered:
.L_overlay_start_0:
0x88: {  	s2 =	sld [smem:$0x3FD9]  }
0x89: {  	s3 =	sld [smem:$0x3FFE];
	_ =	sdelay $0x1  }
0x8a: {  	s1 =	srdreg.scid  }
0x8b: {  	s0 =	sand.u32 $0x1, s1  }
0x8c: {  	s16 =	sshll.u32 s0, $0xA;
	s2 =	sadd.s32 s3, s2  }
0x8d: {  	s2 =	sadd.s32 s2, s16  }
0x8e: {  	[smem:$0x3FC2] =	sst s2  }
0x8f: {  	_ = 	snop  }
0x90: {  	(tm) =	ssettm $0x1  }
0x91: {  	s17 =	sld [smem:$0x3FFB];
	_ =	sdelay $0x3  }
0x92: {  	_ =	strace s17  }
0x93: {  	s2 =	sld [smem:$0x3FFC];
	_ =	sdelay $0x3  }
0x94: {  	_ =	strace s2  }
0x95: {  	s2 =	sld [smem:$0x3FFD];
	_ =	sdelay $0x3  }
0x96: {  	_ =	strace s2  }
0x97: {  	_ =	strace $0x8FFFFFFF  }
0x98: {  	s18 =	sld [smem:$0x3FDB];
	_ =	sdelay $0x1  }
0x99: {  	s19 =	simm.s32 $_scs_section_size  }
0x9a: {  	s4 =	simm.s32 $_size__tile_overlayer_lowered;
	s5 =	simm.s32 $_tile_overlayer_lowered  }
0x9b: {  	s22 =	simm.s32 $0x1BFF;
	s21 =	sshll.u32 s5, $0x1;
	s2 =	sadd.s32 s19, s18  }
0x9c: {  	s6 =	simm.s32 $0x0;
	s20 =	sshll.u32 s4, $0x1;
	s4 =	sadd.s32 s21, s2  }
0x9d: {  	[timem:s6], [sflag:s22] =	dma.local [hbm:s4], s20  }
0x9e: {  	_ =	swait.ge [sflag:s22], s20  }
0x9f: {  	s3 =	ssub.s32 $0x0, s20;
	[sflag:s22] =	ssyncset.done $0x0  }
0xa0: {  	[sflag:s22] =	ssyncadd.s32 s3;
	_ =	sdelay $0x1  }
0xa1: {  	s23 =	simm.s32 $0x1B8B  }
0xa2: {  	_ =	swait.ge [sflag:s23], $0x1  }
0xa3: {  	[sflag:s23] =	ssyncset.done $0x0  }
0xa4: {  	s25 =	simm.s32 $0x1B8E;
	s24 =	sld [smem:$0x3FFE];
	[sflag:s23] =	ssyncadd.s32 $0xFFFFFFFF  }
0xa5: {  	s26 =	simm.s32 $execute0_lowered;
	[smem:$0x3FD2] =	sst s25  }
0xa6: {  	s4 =	sshll.u32 s26, $0x1;
	_ =	strace $0x80000046;
	[dreg:$0x1] =	wrdreg $0xFFFFFFFF  }
0xa7: {  	s28 =	simm.s32 $_size_execute0_lowered;
	s2 =	sadd.s32 s2, s4;
	[dreg:$0x0] =	wrdreg $0x0  }
0xa8: {  	s4 =	sshll.u32 s28, $0x1;
	[dreg:$0x2] =	wrdreg s2  }
0xa9: {  	[dreg:$0x3] =	wrdreg s4  }
0xaa: {  	[dreg:$0x4] =	wrdreg $0xC0  }
0xab: {  	_ =	task [dreg:s6], $0x5FFFF  }
0xac: {  	[dreg:$0x1] =	wrdreg $0xFFFFFFFF  }
0xad: {  	[dreg:$0x0] =	wrdreg $0x60  }
0xae: {  	[dreg:$0x2] =	wrdreg s24  }
0xaf: {  	[dreg:$0x3] =	wrdreg $0x68000  }
0xb0: {  	[dreg:$0x4] =	wrdreg $0x9  }
0xb1: {  	_ =	task.clear_ibuf [dreg:s6], $0x5FFFF;
	_ =	strace $0x90000046  }
0xb2: {  	s29 =	simm.s32 $0x9;
	_ =	strace $0x80000048  }
0xb3: {  	_ =	swait.ge [sflag:s29], $0x1  }
0xb4: {  	[sflag:s29] =	ssyncadd.s32 $0xFFFFFFFF  }
0xb5: {  	_ =	strace $0x90000048  }
0xb6: {  	_ =	sfence  }
0xb7: {  	s30 =	sld [smem:$0x0];
	_ =	sdelay $0x2  }
0xb8: {  	s31 =	sshll.u32 s1, $0xD;
	s1 =	sshrl.u32 s1, $0x2  }
0xb9: {  	s3 =	sand.u32 $0x4000, s31;
	s1 =	sadd.s32 s1, s30  }
0xba: {  	s0 =	sor.u32 s3, s0;
	s1 =	sshll.u32 s1, $0x11  }
0xbb: {  	s0 =	sor.u32 s1, s0  }
0xbc: {  	s0 =	sadd.s32 $0x8F2B, s0  }
0xbd: {  	[sflag:s0] =	ssyncadd.remote.s32 $0x1  }
0xbe: {  	_ =	sfence.sel $0xFFFF  }
0xbf: {  	[dreg:$0x0] =	wrdreg $0xFFFFFFFF;
	(pc) =	sbr.abs _section_cstart, $3  }
0xc0: {  	[dreg:$0x1] =	wrdreg $0xFFFFFFFF  }
0xc1: {  	_ =	task.clear_ibuf [dreg:s6], $0x2FFFF;
	_ =	strace $0x9FFFFFFF  }
0xc2: {  	(tm) =	ssettm $0x7FFFFFFF  }
0xc3: {  	_ =	shalt  }
tec
execute0_lowered:
.L_overlay_start_1:
0x0: {  	(tag) =	ssettag $0x1  }
0x1: {  	s1 =	srdreg.scid  }
0x2: {  	s0 =	stileid.u32;
	s5 =	rddreg [dreg:$0x0]  }
0x3: {  	s2 =	rddreg [dreg:$0x1];
	s3 =	simm.s32 $0x0;
	s12 =	simm.s32 $0x2800  }
0x4: {  	s13 =	simm.s32 $0x1;
	s14 =	simm.s32 $0x80;
	s4 =	sand.u32 $0x1, s1  }
0x5: {  	s28 =	sshll.u32 s0, $0x1;
	[smem:$0x7FF] =	sst s3;
	s8 =	smul.u32 $0x2800, s0  }
0x6: {  	s9 =	smul.u32 $0x50000, s0;
	s15 =	sshll.u32 s0, $0x6;
	s1 =	sor.u32 s4, s28  }
0x7: {  	s7 =	smul.u32 $0x28000, s4;
	s4 =	ssub.s32 $0x2, s4;
	s15 =	sor.u32 $0x1C01, s15  }
0x8: {  	s6 =	smul.u32 $0x500, s1;
	s1 =	rddreg [dreg:$0x2];
	_ =	strace $0x80000047  }
0x9: {  	s29 =	sshrl.u32 s4, $0x1;
	s30 =	sshrl.u32 s9, $0x2;
	s7 =	sadd.s32 s8, s7  }
0xa: {  	s31 =	ssub.s32 s4, s29;
	s4 =	sadd.s32 s30, s2;
	s6 =	sadd.s32 s6, s5  }
0xb: {  	s7 =	sadd.s32 s7, s5;
	s8 =	sadd.s32 $0x4000, s4;
	s9 =	sadd.s32 $0x8000, s4  }
0xc: {  	s10 =	sadd.s32 $0xC000, s4;
	s11 =	sadd.s32 $0x10000, s4;
	s16 =	sshrl.u32 s4, $0x3  }
0xd: {  	v0 =	vimm.f32 $0.0e+00;
	v1 =	vimm.f32 $1.000000000e+00;
	s5 =	sadd.s32 $0x2400, s6;
	s6 =	sadd.s32 $0xC400, s7;
	s7 =	smax.u32 s31, $0x1  }
.LBB2_1:
0xe: {  	s17 =	simm.s32 $0x0;
	s18 =	simm.s32 $0x200  }
.LBB2_2:
0xf: {  	p0 =	sne.s32 s18, $0xFE00;
	[tilespmem:s17+$0x2870] =	vst v0  }
0x10: {  	[tilespmem:s17+$0x2800] =	vst v0  }
0x11: {  	[tilespmem:s17+$0x2810] =	vst v0  }
.Ltmp0:
0x12: {  	[tilespmem:s17+$0x2820] =	vst v0;
	(pc) =	sbr.rel @p0 .LBB2_2-.Ltmp0, $4  }
0x13: {  	[tilespmem:s17+$0x2830] =	vst v0  }
0x14: {  	[tilespmem:s17+$0x2840] =	vst v0  }
0x15: {  	[tilespmem:s17+$0x2850] =	vst v0  }
0x16: {  	[tilespmem:s17+$0x2860] =	vst v0;
	s17 =	sshra.s32 s18, $0x2;
	s18 =	sadd.s32 $0x200, s18  }
0x17: {  	[tilespmem:s17+$0x2870] =	vst v0  }
0x18: {  	[tilespmem:s17+$0x2800] =	vst v0  }
0x19: {  	[tilespmem:s17+$0x2810] =	vst v0  }
0x1a: {  	[tilespmem:s17+$0x2820] =	vst v0  }
0x1b: {  	[tilespmem:s17+$0x2830] =	vst v0  }
0x1c: {  	[tilespmem:s17+$0x2840] =	vst v0  }
0x1d: {  	[tilespmem:s17+$0x2850] =	vst v0  }
0x1e: {  	[tilespmem:s17+$0x2860] =	vst v0  }
0x1f: {  	[spmem:s4] =	stream.linear.scatter [tilespmem:s12], [sflag:$0x1], $0x4000, $0x38;
	[tilespmem:$0x1A800] =	vst v63  }
0x20: {  	_ =	swait.ge [sflag:s13], $0x4000  }
0x21: {  	[sflag:s13] =	ssyncset.done $0x0  }
0x22: {  	[sflag:s13] =	ssyncadd.s32 $0xFFFFC000  }
0x23: {  	[spmem:s8] =	stream.linear.scatter [tilespmem:s12], [sflag:$0x1], $0x4000, $0x38;
	[tilespmem:$0x1A800] =	vst v63  }
0x24: {  	_ =	swait.ge [sflag:s13], $0x4000  }
0x25: {  	[sflag:s13] =	ssyncset.done $0x0  }
0x26: {  	[sflag:s13] =	ssyncadd.s32 $0xFFFFC000  }
0x27: {  	[spmem:s9] =	stream.linear.scatter [tilespmem:s12], [sflag:$0x1], $0x4000, $0x38;
	[tilespmem:$0x1A800] =	vst v63  }
0x28: {  	_ =	swait.ge [sflag:s13], $0x4000  }
0x29: {  	[sflag:s13] =	ssyncset.done $0x0  }
0x2a: {  	[sflag:s13] =	ssyncadd.s32 $0xFFFFC000  }
0x2b: {  	[spmem:s10] =	stream.linear.scatter [tilespmem:s12], [sflag:$0x1], $0x4000, $0x38;
	[tilespmem:$0x1A800] =	vst v63  }
0x2c: {  	_ =	swait.ge [sflag:s13], $0x4000  }
0x2d: {  	[sflag:s13] =	ssyncset.done $0x0  }
0x2e: {  	[sflag:s13] =	ssyncadd.s32 $0xFFFFC000  }
0x2f: {  	[spmem:s11] =	stream.linear.scatter [tilespmem:s12], [sflag:$0x1], $0x4000, $0x38;
	[tilespmem:$0x1A800] =	vst v63  }
0x30: {  	_ =	swait.ge [sflag:s13], $0x4000  }
0x31: {  	[sflag:s13] =	ssyncset.done $0x0  }
0x32: {  	s17 =	simm.s32 $0x0;
	s18 =	simm.s32 $0x200;
	[sflag:s13] =	ssyncadd.s32 $0xFFFFC000  }
.LBB2_4:
0x33: {  	p0 =	sne.s32 s18, $0xFE00;
	[tilespmem:s17+$0x2870] =	vst v1  }
0x34: {  	[tilespmem:s17+$0x2800] =	vst v1  }
0x35: {  	[tilespmem:s17+$0x2810] =	vst v1  }
.Ltmp1:
0x36: {  	[tilespmem:s17+$0x2820] =	vst v1;
	(pc) =	sbr.rel @p0 .LBB2_4-.Ltmp1, $4  }
0x37: {  	[tilespmem:s17+$0x2830] =	vst v1  }
0x38: {  	[tilespmem:s17+$0x2840] =	vst v1  }
0x39: {  	[tilespmem:s17+$0x2850] =	vst v1  }
0x3a: {  	[tilespmem:s17+$0x2860] =	vst v1;
	s17 =	sshra.s32 s18, $0x2;
	s18 =	sadd.s32 $0x200, s18  }
0x3b: {  	[tilespmem:s17+$0x2870] =	vst v1  }
0x3c: {  	[tilespmem:s17+$0x2800] =	vst v1  }
0x3d: {  	[tilespmem:s17+$0x2810] =	vst v1  }
0x3e: {  	[tilespmem:s17+$0x2820] =	vst v1  }
0x3f: {  	[tilespmem:s17+$0x2830] =	vst v1  }
0x40: {  	[tilespmem:s17+$0x2840] =	vst v1  }
0x41: {  	[tilespmem:s17+$0x2850] =	vst v1  }
0x42: {  	[tilespmem:s17+$0x2860] =	vst v1;
	s30 =	simm.s32 $0x0  }
0x43: {  	[tilespmem:s30], [sflag:$0x1] =	stream.linear.gather [hbm4b:s5+s30], $0x2800, $0x38;
	[tilespmem:$0x1A800] =	vst v63  }
0x44: {  	_ =	swait.ge [sflag:s13], $0x2800  }
0x45: {  	[sflag:s13] =	ssyncset.done $0x0  }
0x46: {  	[sflag:s13] =	ssyncadd.s32 $0xFFFFD800  }
0x47: {  	s31 =	simm.s32 $0x0;
	[bflag:$0x0] =	sbarrier.arrive $0xFFFF  }
0x48: {  	[spmem:s2] =	stream.indirect.scatter.add.f32 [tilespmem:s12], [sflag:$0x1], $0x80, s31, s14, $0xb8;
	[tilespmem:$0x1A800] =	vst v63  }
0x49: {  	_ =	swait.ge [sflag:s13], $0x4000  }
0x4a: {  	s17 =	simm.s32 $0x200;
	[sflag:s13] =	ssyncset.done $0x0  }
.LBB2_6:
0x4b: {  	s18 =	sshra.s32 s17, $0x2;
	[sflag:s13] =	ssyncadd.s32 $0xFFFFC000;
	p0 =	sne.s32 s17, $0x9E00  }
0x4c: {  	[spmem:s2] =	stream.indirect.scatter.add.f32 [tilespmem:s12], [sflag:$0x1], $0x80, s18, s14, $0xb8;
	[tilespmem:$0x1A800] =	vst v63  }
.Ltmp2:
0x4d: {  	_ = 	snop;
	(pc) =	sbr.rel @p0 .LBB2_6-.Ltmp2, $4  }
0x4e: {  	_ = 	snop  }
0x4f: {  	s17 =	sadd.s32 $0x200, s17  }
0x50: {  	_ =	swait.ge [sflag:s13], $0x4000  }
0x51: {  	[sflag:s13] =	ssyncset.done $0x0  }
0x52: {  	s3 =	sadd.s32 $0x1, s3  }
0x53: {  	[sflag:s13] =	ssyncadd.s32 $0xFFFFC000;
	p0 =	sne.s32 s3, s7  }
.Ltmp3:
0x54: {  	[bflag:$0x0] =	sbarrier.arrive $0xFFFF;
	(pc) =	sbr.rel @p0 .LBB2_1-.Ltmp3, $4  }
0x55: {  	[hbm:s6], [sflag:s15] =	dma.local [spmem:s16], $0x2800  }
0x56: {  	_ =	swait.ge [sflag:s13], $0x2800  }
0x57: {  	[sflag:s13] =	ssyncset.done $0x0  }
0x58: {  	[sflag:s13] =	ssyncadd.s32 $0xFFFFD800  }
0x59: {  	_ =	sfence.sel $0x180000  }
0x5a: {  	[bflag:$0x0] =	sbarrier.arrive $0xFFFF  }
0x5b: {  	p0 =	sne.s32 s0, $0x0;
	_ =	strace $0x90000047  }
0x5c: {  	s0 =	sadd.s32 @!p0 $0x100000, s1;
	[bflag:$0x2] =	sbarrier.arrive $0xFFFF  }
0x5d: {  	[sflag:s0] =	ssyncadd.tile.s32 @!p0 $0x1;
	_ =	shalt  }
.Lfunc_end2:
_tile_overlayer_lowered:
.L_overlay_start_2:
0x5e: {  	(tag) =	ssettag $0x2  }
0x5f: {  	s0 =	rddreg [dreg:$0x0];
	s2 =	stileid.u32  }
0x60: {  	s1 =	rddreg [dreg:$0x1];
	p0 =	sne.s32 s2, $0x0  }
0x61: {  	s3 =	rddreg [dreg:$0x2];
	[bflag:$0x3] =	sbarrier.arrive $0xFFFF;
	s2 =	simm.s32 @!p0 $0x1C01  }
0x62: {  	[timem:s3], [sflag:s2] =	dma.local @!p0 [hbm:s0], s1  }
0x63: {  	s0 =	simm.s32 @!p0 $0x1  }
0x64: {  	_ =	swait.ge @!p0 [sflag:s0], s1  }
0x65: {  	s1 =	ssub.s32 @!p0 $0x0, s1;
	[sflag:s0] =	ssyncset.done @!p0 $0x0  }
0x66: {  	[sflag:s0] =	ssyncadd.s32 @!p0 s1  }
0x67: {  	[bflag:$0x3] =	sbarrier.arrive $0xFFFF  }
0x68: {  	_ =	shalt  }

</sc_bundles>
